<compile_context>
chip_gen: v7x
topology: tpu7x:2x2x1
jax: 0.10.2.dev20260603
libtpu: 0.0.44.dev20260713+nightly
codegen_flags: <defaults>
</compile_context>

<pallas_src>
import math

import jax
import jax.numpy as jnp
from jax import lax
from jax.experimental import pallas as pl
from jax.experimental.pallas import tpu as pltpu
from jax.experimental.pallas import tpu_sc as plsc

VOCAB = 1000000
D_MODEL = 64
DPAD = 128
SCALE = math.sqrt(D_MODEL)

NC = 2
NS = 16
NW = NC * NS

BATCH = 4096
SEQ = 200
TOKENS = BATCH * SEQ
IW = TOKENS // NW
C = 128
NSTEP = IW // C


def _lookup_body(table_hbm, idx_hbm, out_hbm,
                 idx_v, gb0, gb1, gb2, ob0, ob1, g0, g1, g2, s0, s1):
    gbuf = (gb0, gb1, gb2)
    obuf = (ob0, ob1)
    gsem = (g0, g1, g2)
    ssem = (s0, s1)

    wid = lax.axis_index("s") * NC + lax.axis_index("c")
    base = wid * IW

    pltpu.sync_copy(idx_hbm.at[wid], idx_v)

    def issue_gather(k, b):
        pltpu.async_copy(table_hbm.at[idx_v.at[pl.ds(k * C, C)]],
                         gbuf[b], gsem[b])

    def wait_gather(k, b):
        pltpu.make_async_copy(table_hbm.at[idx_v.at[pl.ds(k * C, C)]],
                              gbuf[b], gsem[b]).wait()

    def issue_store(k, t):
        pltpu.async_copy(obuf[t], out_hbm.at[pl.ds(base + k * C, C)],
                         ssem[t])

    def wait_store(k, t):
        pltpu.make_async_copy(obuf[t], out_hbm.at[pl.ds(base + k * C, C)],
                              ssem[t]).wait()

    def scale(b, t):
        src = gbuf[b]
        dst = obuf[t]

        @plsc.parallel_loop(0, C, step=1, unroll=2)
        def _s(r):
            for q in range(D_MODEL // 16):
                v = src[r, pl.ds(16 * q, 16)]
                dst[r, pl.ds(16 * q, 16)] = v * SCALE

    def body(k, skip_wait_store=False, skip_issue_gather=False):
        b = k % 3
        t = k % 2
        wait_gather(k, b)
        if not skip_wait_store:
            wait_store(k - 2, t)
        scale(b, t)
        issue_store(k, t)
        if not skip_issue_gather:
            issue_gather(k + 2, (k + 2) % 3)

    issue_gather(0, 0)
    issue_gather(1, 1)
    body(0, skip_wait_store=True)
    body(1, skip_wait_store=True)

    @pl.loop(2, NSTEP - 6, step=6)
    def steady(kk):
        for u in range(6):
            k = kk + u
            b = (2 + u) % 3
            t = (2 + u) % 2
            wait_gather(k, b)
            wait_store(k - 2, t)
            scale(b, t)
            issue_store(k, t)
            issue_gather(k + 2, (2 + u + 2) % 3)

    for k in range(NSTEP - 6, NSTEP):
        body(k, skip_issue_gather=(k + 2 >= NSTEP))

    wait_store(NSTEP - 2, (NSTEP - 2) % 2)
    wait_store(NSTEP - 1, (NSTEP - 1) % 2)


@jax.jit
def _emb(x, table):
    mesh = plsc.VectorSubcoreMesh(core_axis_name="c", subcore_axis_name="s")

    wtab = jnp.pad(table, ((0, 0), (0, DPAD - D_MODEL)))
    idx = x.reshape(NW, IW)

    out = pl.kernel(
        _lookup_body,
        out_type=jax.ShapeDtypeStruct((TOKENS, D_MODEL), jnp.float32),
        mesh=mesh,
        scratch_types=(
            [pltpu.VMEM((IW,), jnp.int32)]
            + [pltpu.VMEM((C, DPAD), jnp.float32)] * 3
            + [pltpu.VMEM((C, D_MODEL), jnp.float32)] * 2
            + [pltpu.SemaphoreType.DMA] * 5
        ),
    )(wtab, idx)

    return out.reshape(BATCH, SEQ, D_MODEL)


def kernel(x, table):
    return _emb(x, table)

# --- scband reference (transcript-rebuilt; emitter-appended) ---
"""Pipeline reference for scband-token-embedding-42838003810317 (READ-ONLY COPY).

The authoritative reference and input builder live on the scoring server;
editing this copy changes nothing except your own understanding.
"""

import jax, jax.numpy as jnp
import numpy as np
import math

VOCAB = 1000000
D_MODEL = 64
PAD_ID = 0

def setup_inputs(seed: int = 0) -> dict:
    key = jax.random.key(seed)
    k1, k2 = jax.random.split(key)
    x = jax.random.randint(k1, (4096, 200), 0, VOCAB, dtype=jnp.int32)
    table = jax.random.normal(k2, (VOCAB, D_MODEL), dtype=jnp.float32)
    # nn.Embedding with padding_idx initializes the padding row to zeros
    table = table.at[PAD_ID].set(0.0)
    return {"x": x, "table": table}

def reference(x, table):
    # result = embedding(x) * sqrt(d_model)
    emb = jnp.take(table, x, axis=0)
    return emb * math.sqrt(D_MODEL)

if __name__ == "__main__":
    import jax
    _d = setup_inputs()
    print(jax.jit(kernel)(*tuple(_d.values())))

</pallas_src>

<mosaic_0001>
#map = affine_map<(d0, d1) -> (0, 0)>
module attributes {stable_mosaic.version = 14 : i64} {
  func.func @_lookup_body(%arg0: i32, %arg1: i32, %arg2: memref<1000000x128xf32, #tpu.memory_space<hbm>>, %arg3: memref<32x25600xi32, #tpu.memory_space<hbm>>, %arg4: memref<819200x64xf32, #tpu.memory_space<hbm>>, %arg5: memref<25600xi32, #tpu.memory_space<vmem>>, %arg6: memref<128x128xf32, #tpu.memory_space<vmem>>, %arg7: memref<128x128xf32, #tpu.memory_space<vmem>>, %arg8: memref<128x128xf32, #tpu.memory_space<vmem>>, %arg9: memref<128x64xf32, #tpu.memory_space<vmem>>, %arg10: memref<128x64xf32, #tpu.memory_space<vmem>>, %arg11: memref<!tpu.dma_semaphore, #tpu.memory_space<semaphore_mem>>, %arg12: memref<!tpu.dma_semaphore, #tpu.memory_space<semaphore_mem>>, %arg13: memref<!tpu.dma_semaphore, #tpu.memory_space<semaphore_mem>>, %arg14: memref<!tpu.dma_semaphore, #tpu.memory_space<semaphore_mem>>, %arg15: memref<!tpu.dma_semaphore, #tpu.memory_space<semaphore_mem>>) attributes {dimension_semantics = [#tpu.dimension_semantics<core_parallel>, #tpu.dimension_semantics<subcore_parallel>], iteration_bounds = array<i64: 2, 16>, scalar_prefetch = 0 : i64, scratch_operands = 11 : i64, tpu.core_type = #tpu.core_type<sc_vector_subcore>, window_params = [{transform_indices = #map}, {transform_indices = #map}, {transform_indices = #map}]} {
    %mul3A = arith.constant 2 : i32
    %mul3A_0 = arith.muli %arg1, %mul3A : i32
    %add3A = arith.addi %mul3A_0, %arg0 : i32
    %mul3A_1 = arith.constant 25600 : i32
    %mul3A_2 = arith.muli %add3A, %mul3A_1 : i32
    "tpu.region"() ({
      %run_scoped3A = tpu.sem_alloc : memref<!tpu.dma_semaphore, #tpu.memory_space<semaphore_mem>>
      %dma_start3A_204 = arith.constant 0 : i32
      %dma_start3A_205 = tpu.memref_slice %arg3[%add3A, %dma_start3A_204] : memref<32x25600xi32, #tpu.memory_space<hbm>> -> memref<1x25600xi32, #tpu.memory_space<hbm>>
      %dma_start3A_206 = tpu.memref_squeeze %dma_start3A_205 : memref<1x25600xi32, #tpu.memory_space<hbm>> -> memref<25600xi32, #tpu.memory_space<hbm>>
      %dma_start3A_207 = arith.constant 0 : i32
      %dma_start3A_208 = tpu.memref_slice %arg3[%add3A, %dma_start3A_207] : memref<32x25600xi32, #tpu.memory_space<hbm>> -> memref<1x25600xi32, #tpu.memory_space<hbm>>
      %dma_start3A_209 = tpu.memref_squeeze %dma_start3A_208 : memref<1x25600xi32, #tpu.memory_space<hbm>> -> memref<25600xi32, #tpu.memory_space<hbm>>
      tpu.enqueue_dma source(%dma_start3A_209 : memref<25600xi32, #tpu.memory_space<hbm>>) target(%arg5 : memref<25600xi32, #tpu.memory_space<vmem>>) target_semaphore(%run_scoped3A : memref<!tpu.dma_semaphore, #tpu.memory_space<semaphore_mem>>)
      %dma_wait3A_210 = arith.constant 0 : i32
      %dma_wait3A_211 = tpu.memref_slice %arg3[%add3A, %dma_wait3A_210] : memref<32x25600xi32, #tpu.memory_space<hbm>> -> memref<1x25600xi32, #tpu.memory_space<hbm>>
      %dma_wait3A_212 = tpu.memref_squeeze %dma_wait3A_211 : memref<1x25600xi32, #tpu.memory_space<hbm>> -> memref<25600xi32, #tpu.memory_space<hbm>>
      %dma_wait3A_213 = arith.constant 0 : i32
      %dma_wait3A_214 = tpu.memref_slice %arg3[%add3A, %dma_wait3A_213] : memref<32x25600xi32, #tpu.memory_space<hbm>> -> memref<1x25600xi32, #tpu.memory_space<hbm>>
      %dma_wait3A_215 = tpu.memref_squeeze %dma_wait3A_214 : memref<1x25600xi32, #tpu.memory_space<hbm>> -> memref<25600xi32, #tpu.memory_space<hbm>>
      tpu.wait_dma2 semaphore(%run_scoped3A : memref<!tpu.dma_semaphore, #tpu.memory_space<semaphore_mem>>) src(%dma_wait3A_215 : memref<25600xi32, #tpu.memory_space<hbm>>) dst(%arg5 : memref<25600xi32, #tpu.memory_space<vmem>>)
      tpu.yield
    }) : () -> ()
    %dma_start3A = arith.constant 0 : i32
    %dma_start3A_3 = tpu.memref_slice %arg5[%dma_start3A] : memref<25600xi32, #tpu.memory_space<vmem>> -> memref<128xi32, #tpu.memory_space<vmem>>
    %dma_start3A_4 = arith.constant 0 : i32
    %dma_start3A_5 = arith.constant 0 : i32
    %dma_start3A_6 = tpu.memref_slice %arg2[%dma_start3A_4, %dma_start3A_5] : memref<1000000x128xf32, #tpu.memory_space<hbm>> -> memref<1000000x128xf32, #tpu.memory_space<hbm>>
    tpu.enqueue_indirect_dma source(%dma_start3A_6 : memref<1000000x128xf32, #tpu.memory_space<hbm>>) target(%arg6 : memref<128x128xf32, #tpu.memory_space<vmem>>) offsets(%dma_start3A_3 : memref<128xi32, #tpu.memory_space<vmem>>) semaphore(%arg11 : memref<!tpu.dma_semaphore, #tpu.memory_space<semaphore_mem>>)
    %dma_start3A_7 = arith.constant 128 : i32
    %dma_start3A_8 = tpu.memref_slice %arg5[%dma_start3A_7] : memref<25600xi32, #tpu.memory_space<vmem>> -> memref<128xi32, #tpu.memory_space<vmem>>
    %dma_start3A_9 = arith.constant 0 : i32
    %dma_start3A_10 = arith.constant 0 : i32
    %dma_start3A_11 = tpu.memref_slice %arg2[%dma_start3A_9, %dma_start3A_10] : memref<1000000x128xf32, #tpu.memory_space<hbm>> -> memref<1000000x128xf32, #tpu.memory_space<hbm>>
    tpu.enqueue_indirect_dma source(%dma_start3A_11 : memref<1000000x128xf32, #tpu.memory_space<hbm>>) target(%arg7 : memref<128x128xf32, #tpu.memory_space<vmem>>) offsets(%dma_start3A_8 : memref<128xi32, #tpu.memory_space<vmem>>) semaphore(%arg12 : memref<!tpu.dma_semaphore, #tpu.memory_space<semaphore_mem>>)
    %dma_wait3A = arith.constant 0 : i32
    %dma_wait3A_12 = tpu.memref_slice %arg5[%dma_wait3A] : memref<25600xi32, #tpu.memory_space<vmem>> -> memref<128xi32, #tpu.memory_space<vmem>>
    %dma_wait3A_13 = arith.constant 0 : i32
    %dma_wait3A_14 = arith.constant 0 : i32
    %dma_wait3A_15 = tpu.memref_slice %arg2[%dma_wait3A_13, %dma_wait3A_14] : memref<1000000x128xf32, #tpu.memory_space<hbm>> -> memref<1000000x128xf32, #tpu.memory_space<hbm>>
    tpu.wait_indirect_dma semaphore(%arg11 : memref<!tpu.dma_semaphore, #tpu.memory_space<semaphore_mem>>) src(%dma_wait3A_15 : memref<1000000x128xf32, #tpu.memory_space<hbm>>) dst(%arg6 : memref<128x128xf32, #tpu.memory_space<vmem>>)
    %parallel_loop3A = arith.constant 0 : i32
    %parallel_loop3A_16 = arith.constant 128 : i32
    %parallel_loop3A_17 = arith.constant 1 : i32
    scf.for %parallel_loop3A_204 = %parallel_loop3A to %parallel_loop3A_16 step %parallel_loop3A_17  : i32 {
      %parallel_loop3A_205 = arith.index_cast %parallel_loop3A_204 : i32 to index
      %parallel_loop3A_206 = arith.constant 0 : index
      %parallel_loop3A_207 = tpu.vector_load %arg6[%parallel_loop3A_205, %parallel_loop3A_206] {strides = array<i32>} : memref<128x128xf32, #tpu.memory_space<vmem>>, vector<1x16xf32>,
      %parallel_loop3A_208 = vector.shape_cast %parallel_loop3A_207 : vector<1x16xf32> to vector<16xf32>
      %parallel_loop3A_209 = arith.constant 8.000000e+00 : f32
      %parallel_loop3A_210 = vector.broadcast %parallel_loop3A_209 : f32 to vector<16xf32>
      %parallel_loop3A_211 = arith.mulf %parallel_loop3A_208, %parallel_loop3A_210 : vector<16xf32>
      %parallel_loop3A_212 = arith.index_cast %parallel_loop3A_204 : i32 to index
      %parallel_loop3A_213 = arith.constant 0 : index
      %parallel_loop3A_214 = tpu.vector_load %arg9[%parallel_loop3A_212, %parallel_loop3A_213] {strides = array<i32>} : memref<128x64xf32, #tpu.memory_space<vmem>>, vector<1x16xf32>,
      %parallel_loop3A_215 = vector.shape_cast %parallel_loop3A_214 : vector<1x16xf32> to vector<16xf32>
      %parallel_loop3A_216 = vector.shape_cast %parallel_loop3A_211 : vector<16xf32> to vector<1x16xf32>
      tpu.vector_store %arg9[%parallel_loop3A_212, %parallel_loop3A_213], %parallel_loop3A_216 {strides = array<i32>} : memref<128x64xf32, #tpu.memory_space<vmem>>, vector<1x16xf32>,
      %parallel_loop3A_217 = arith.index_cast %parallel_loop3A_204 : i32 to index
      %parallel_loop3A_218 = arith.constant 16 : index
      %parallel_loop3A_219 = tpu.vector_load %arg6[%parallel_loop3A_217, %parallel_loop3A_218] {strides = array<i32>} : memref<128x128xf32, #tpu.memory_space<vmem>>, vector<1x16xf32>,
      %parallel_loop3A_220 = vector.shape_cast %parallel_loop3A_219 : vector<1x16xf32> to vector<16xf32>
      %parallel_loop3A_221 = arith.constant 8.000000e+00 : f32
      %parallel_loop3A_222 = vector.broadcast %parallel_loop3A_221 : f32 to vector<16xf32>
      %parallel_loop3A_223 = arith.mulf %parallel_loop3A_220, %parallel_loop3A_222 : vector<16xf32>
      %parallel_loop3A_224 = arith.index_cast %parallel_loop3A_204 : i32 to index
      %parallel_loop3A_225 = arith.constant 16 : index
      %parallel_loop3A_226 = tpu.vector_load %arg9[%parallel_loop3A_224, %parallel_loop3A_225] {strides = array<i32>} : memref<128x64xf32, #tpu.memory_space<vmem>>, vector<1x16xf32>,
      %parallel_loop3A_227 = vector.shape_cast %parallel_loop3A_226 : vector<1x16xf32> to vector<16xf32>
      %parallel_loop3A_228 = vector.shape_cast %parallel_loop3A_223 : vector<16xf32> to vector<1x16xf32>
      tpu.vector_store %arg9[%parallel_loop3A_224, %parallel_loop3A_225], %parallel_loop3A_228 {strides = array<i32>} : memref<128x64xf32, #tpu.memory_space<vmem>>, vector<1x16xf32>,
      %parallel_loop3A_229 = arith.index_cast %parallel_loop3A_204 : i32 to index
      %parallel_loop3A_230 = arith.constant 32 : index
      %parallel_loop3A_231 = tpu.vector_load %arg6[%parallel_loop3A_229, %parallel_loop3A_230] {strides = array<i32>} : memref<128x128xf32, #tpu.memory_space<vmem>>, vector<1x16xf32>,
      %parallel_loop3A_232 = vector.shape_cast %parallel_loop3A_231 : vector<1x16xf32> to vector<16xf32>
      %parallel_loop3A_233 = arith.constant 8.000000e+00 : f32
      %parallel_loop3A_234 = vector.broadcast %parallel_loop3A_233 : f32 to vector<16xf32>
      %parallel_loop3A_235 = arith.mulf %parallel_loop3A_232, %parallel_loop3A_234 : vector<16xf32>
      %parallel_loop3A_236 = arith.index_cast %parallel_loop3A_204 : i32 to index
      %parallel_loop3A_237 = arith.constant 32 : index
      %parallel_loop3A_238 = tpu.vector_load %arg9[%parallel_loop3A_236, %parallel_loop3A_237] {strides = array<i32>} : memref<128x64xf32, #tpu.memory_space<vmem>>, vector<1x16xf32>,
      %parallel_loop3A_239 = vector.shape_cast %parallel_loop3A_238 : vector<1x16xf32> to vector<16xf32>
      %parallel_loop3A_240 = vector.shape_cast %parallel_loop3A_235 : vector<16xf32> to vector<1x16xf32>
      tpu.vector_store %arg9[%parallel_loop3A_236, %parallel_loop3A_237], %parallel_loop3A_240 {strides = array<i32>} : memref<128x64xf32, #tpu.memory_space<vmem>>, vector<1x16xf32>,
      %parallel_loop3A_241 = arith.index_cast %parallel_loop3A_204 : i32 to index
      %parallel_loop3A_242 = arith.constant 48 : index
      %parallel_loop3A_243 = tpu.vector_load %arg6[%parallel_loop3A_241, %parallel_loop3A_242] {strides = array<i32>} : memref<128x128xf32, #tpu.memory_space<vmem>>, vector<1x16xf32>,
      %parallel_loop3A_244 = vector.shape_cast %parallel_loop3A_243 : vector<1x16xf32> to vector<16xf32>
      %parallel_loop3A_245 = arith.constant 8.000000e+00 : f32
      %parallel_loop3A_246 = vector.broadcast %parallel_loop3A_245 : f32 to vector<16xf32>
      %parallel_loop3A_247 = arith.mulf %parallel_loop3A_244, %parallel_loop3A_246 : vector<16xf32>
      %parallel_loop3A_248 = arith.index_cast %parallel_loop3A_204 : i32 to index
      %parallel_loop3A_249 = arith.constant 48 : index
      %parallel_loop3A_250 = tpu.vector_load %arg9[%parallel_loop3A_248, %parallel_loop3A_249] {strides = array<i32>} : memref<128x64xf32, #tpu.memory_space<vmem>>, vector<1x16xf32>,
      %parallel_loop3A_251 = vector.shape_cast %parallel_loop3A_250 : vector<1x16xf32> to vector<16xf32>
      %parallel_loop3A_252 = vector.shape_cast %parallel_loop3A_247 : vector<16xf32> to vector<1x16xf32>
      tpu.vector_store %arg9[%parallel_loop3A_248, %parallel_loop3A_249], %parallel_loop3A_252 {strides = array<i32>} : memref<128x64xf32, #tpu.memory_space<vmem>>, vector<1x16xf32>,
    } {sc.loop_unroll_factor = 2 : i64, sc.parallel_access}
    %add3A_18 = arith.constant 0 : i32
    %add3A_19 = arith.addi %mul3A_2, %add3A_18 : i32
    %dma_start3A_20 = arith.constant 0 : i32
    %dma_start3A_21 = tpu.memref_slice %arg4[%add3A_19, %dma_start3A_20] : memref<819200x64xf32, #tpu.memory_space<hbm>> -> memref<128x64xf32, #tpu.memory_space<hbm>>
    %dma_start3A_22 = arith.constant 0 : i32
    %dma_start3A_23 = tpu.memref_slice %arg4[%add3A_19, %dma_start3A_22] : memref<819200x64xf32, #tpu.memory_space<hbm>> -> memref<128x64xf32, #tpu.memory_space<hbm>>
    tpu.enqueue_dma source(%arg9 : memref<128x64xf32, #tpu.memory_space<vmem>>) target(%dma_start3A_23 : memref<128x64xf32, #tpu.memory_space<hbm>>) target_semaphore(%arg14 : memref<!tpu.dma_semaphore, #tpu.memory_space<semaphore_mem>>)
    %dma_start3A_24 = arith.constant 256 : i32
    %dma_start3A_25 = tpu.memref_slice %arg5[%dma_start3A_24] : memref<25600xi32, #tpu.memory_space<vmem>> -> memref<128xi32, #tpu.memory_space<vmem>>
    %dma_start3A_26 = arith.constant 0 : i32
    %dma_start3A_27 = arith.constant 0 : i32
    %dma_start3A_28 = tpu.memref_slice %arg2[%dma_start3A_26, %dma_start3A_27] : memref<1000000x128xf32, #tpu.memory_space<hbm>> -> memref<1000000x128xf32, #tpu.memory_space<hbm>>
    tpu.enqueue_indirect_dma source(%dma_start3A_28 : memref<1000000x128xf32, #tpu.memory_space<hbm>>) target(%arg8 : memref<128x128xf32, #tpu.memory_space<vmem>>) offsets(%dma_start3A_25 : memref<128xi32, #tpu.memory_space<vmem>>) semaphore(%arg13 : memref<!tpu.dma_semaphore, #tpu.memory_space<semaphore_mem>>)
    %dma_wait3A_29 = arith.constant 128 : i32
    %dma_wait3A_30 = tpu.memref_slice %arg5[%dma_wait3A_29] : memref<25600xi32, #tpu.memory_space<vmem>> -> memref<128xi32, #tpu.memory_space<vmem>>
    %dma_wait3A_31 = arith.constant 0 : i32
    %dma_wait3A_32 = arith.constant 0 : i32
    %dma_wait3A_33 = tpu.memref_slice %arg2[%dma_wait3A_31, %dma_wait3A_32] : memref<1000000x128xf32, #tpu.memory_space<hbm>> -> memref<1000000x128xf32, #tpu.memory_space<hbm>>
    tpu.wait_indirect_dma semaphore(%arg12 : memref<!tpu.dma_semaphore, #tpu.memory_space<semaphore_mem>>) src(%dma_wait3A_33 : memref<1000000x128xf32, #tpu.memory_space<hbm>>) dst(%arg7 : memref<128x128xf32, #tpu.memory_space<vmem>>)
    %parallel_loop3A_34 = arith.constant 0 : i32
    %parallel_loop3A_35 = arith.constant 128 : i32
    %parallel_loop3A_36 = arith.constant 1 : i32
    scf.for %parallel_loop3A_204 = %parallel_loop3A_34 to %parallel_loop3A_35 step %parallel_loop3A_36  : i32 {
      %parallel_loop3A_205 = arith.index_cast %parallel_loop3A_204 : i32 to index
      %parallel_loop3A_206 = arith.constant 0 : index
      %parallel_loop3A_207 = tpu.vector_load %arg7[%parallel_loop3A_205, %parallel_loop3A_206] {strides = array<i32>} : memref<128x128xf32, #tpu.memory_space<vmem>>, vector<1x16xf32>,
      %parallel_loop3A_208 = vector.shape_cast %parallel_loop3A_207 : vector<1x16xf32> to vector<16xf32>
      %parallel_loop3A_209 = arith.constant 8.000000e+00 : f32
      %parallel_loop3A_210 = vector.broadcast %parallel_loop3A_209 : f32 to vector<16xf32>
      %parallel_loop3A_211 = arith.mulf %parallel_loop3A_208, %parallel_loop3A_210 : vector<16xf32>
      %parallel_loop3A_212 = arith.index_cast %parallel_loop3A_204 : i32 to index
      %parallel_loop3A_213 = arith.constant 0 : index
      %parallel_loop3A_214 = tpu.vector_load %arg10[%parallel_loop3A_212, %parallel_loop3A_213] {strides = array<i32>} : memref<128x64xf32, #tpu.memory_space<vmem>>, vector<1x16xf32>,
      %parallel_loop3A_215 = vector.shape_cast %parallel_loop3A_214 : vector<1x16xf32> to vector<16xf32>
      %parallel_loop3A_216 = vector.shape_cast %parallel_loop3A_211 : vector<16xf32> to vector<1x16xf32>
      tpu.vector_store %arg10[%parallel_loop3A_212, %parallel_loop3A_213], %parallel_loop3A_216 {strides = array<i32>} : memref<128x64xf32, #tpu.memory_space<vmem>>, vector<1x16xf32>,
      %parallel_loop3A_217 = arith.index_cast %parallel_loop3A_204 : i32 to index
      %parallel_loop3A_218 = arith.constant 16 : index
      %parallel_loop3A_219 = tpu.vector_load %arg7[%parallel_loop3A_217, %parallel_loop3A_218] {strides = array<i32>} : memref<128x128xf32, #tpu.memory_space<vmem>>, vector<1x16xf32>,
      %parallel_loop3A_220 = vector.shape_cast %parallel_loop3A_219 : vector<1x16xf32> to vector<16xf32>
      %parallel_loop3A_221 = arith.constant 8.000000e+00 : f32
      %parallel_loop3A_222 = vector.broadcast %parallel_loop3A_221 : f32 to vector<16xf32>
      %parallel_loop3A_223 = arith.mulf %parallel_loop3A_220, %parallel_loop3A_222 : vector<16xf32>
      %parallel_loop3A_224 = arith.index_cast %parallel_loop3A_204 : i32 to index
      %parallel_loop3A_225 = arith.constant 16 : index
      %parallel_loop3A_226 = tpu.vector_load %arg10[%parallel_loop3A_224, %parallel_loop3A_225] {strides = array<i32>} : memref<128x64xf32, #tpu.memory_space<vmem>>, vector<1x16xf32>,
      %parallel_loop3A_227 = vector.shape_cast %parallel_loop3A_226 : vector<1x16xf32> to vector<16xf32>
      %parallel_loop3A_228 = vector.shape_cast %parallel_loop3A_223 : vector<16xf32> to vector<1x16xf32>
      tpu.vector_store %arg10[%parallel_loop3A_224, %parallel_loop3A_225], %parallel_loop3A_228 {strides = array<i32>} : memref<128x64xf32, #tpu.memory_space<vmem>>, vector<1x16xf32>,
      %parallel_loop3A_229 = arith.index_cast %parallel_loop3A_204 : i32 to index
      %parallel_loop3A_230 = arith.constant 32 : index
      %parallel_loop3A_231 = tpu.vector_load %arg7[%parallel_loop3A_229, %parallel_loop3A_230] {strides = array<i32>} : memref<128x128xf32, #tpu.memory_space<vmem>>, vector<1x16xf32>,
      %parallel_loop3A_232 = vector.shape_cast %parallel_loop3A_231 : vector<1x16xf32> to vector<16xf32>
      %parallel_loop3A_233 = arith.constant 8.000000e+00 : f32
      %parallel_loop3A_234 = vector.broadcast %parallel_loop3A_233 : f32 to vector<16xf32>
      %parallel_loop3A_235 = arith.mulf %parallel_loop3A_232, %parallel_loop3A_234 : vector<16xf32>
      %parallel_loop3A_236 = arith.index_cast %parallel_loop3A_204 : i32 to index
      %parallel_loop3A_237 = arith.constant 32 : index
      %parallel_loop3A_238 = tpu.vector_load %arg10[%parallel_loop3A_236, %parallel_loop3A_237] {strides = array<i32>} : memref<128x64xf32, #tpu.memory_space<vmem>>, vector<1x16xf32>,
      %parallel_loop3A_239 = vector.shape_cast %parallel_loop3A_238 : vector<1x16xf32> to vector<16xf32>
      %parallel_loop3A_240 = vector.shape_cast %parallel_loop3A_235 : vector<16xf32> to vector<1x16xf32>
      tpu.vector_store %arg10[%parallel_loop3A_236, %parallel_loop3A_237], %parallel_loop3A_240 {strides = array<i32>} : memref<128x64xf32, #tpu.memory_space<vmem>>, vector<1x16xf32>,
      %parallel_loop3A_241 = arith.index_cast %parallel_loop3A_204 : i32 to index
      %parallel_loop3A_242 = arith.constant 48 : index
      %parallel_loop3A_243 = tpu.vector_load %arg7[%parallel_loop3A_241, %parallel_loop3A_242] {strides = array<i32>} : memref<128x128xf32, #tpu.memory_space<vmem>>, vector<1x16xf32>,
      %parallel_loop3A_244 = vector.shape_cast %parallel_loop3A_243 : vector<1x16xf32> to vector<16xf32>
      %parallel_loop3A_245 = arith.constant 8.000000e+00 : f32
      %parallel_loop3A_246 = vector.broadcast %parallel_loop3A_245 : f32 to vector<16xf32>
      %parallel_loop3A_247 = arith.mulf %parallel_loop3A_244, %parallel_loop3A_246 : vector<16xf32>
      %parallel_loop3A_248 = arith.index_cast %parallel_loop3A_204 : i32 to index
      %parallel_loop3A_249 = arith.constant 48 : index
      %parallel_loop3A_250 = tpu.vector_load %arg10[%parallel_loop3A_248, %parallel_loop3A_249] {strides = array<i32>} : memref<128x64xf32, #tpu.memory_space<vmem>>, vector<1x16xf32>,
      %parallel_loop3A_251 = vector.shape_cast %parallel_loop3A_250 : vector<1x16xf32> to vector<16xf32>
      %parallel_loop3A_252 = vector.shape_cast %parallel_loop3A_247 : vector<16xf32> to vector<1x16xf32>
      tpu.vector_store %arg10[%parallel_loop3A_248, %parallel_loop3A_249], %parallel_loop3A_252 {strides = array<i32>} : memref<128x64xf32, #tpu.memory_space<vmem>>, vector<1x16xf32>,
    } {sc.loop_unroll_factor = 2 : i64, sc.parallel_access}
    %add3A_37 = arith.constant 128 : i32
    %add3A_38 = arith.addi %mul3A_2, %add3A_37 : i32
    %dma_start3A_39 = arith.constant 0 : i32
    %dma_start3A_40 = tpu.memref_slice %arg4[%add3A_38, %dma_start3A_39] : memref<819200x64xf32, #tpu.memory_space<hbm>> -> memref<128x64xf32, #tpu.memory_space<hbm>>
    %dma_start3A_41 = arith.constant 0 : i32
    %dma_start3A_42 = tpu.memref_slice %arg4[%add3A_38, %dma_start3A_41] : memref<819200x64xf32, #tpu.memory_space<hbm>> -> memref<128x64xf32, #tpu.memory_space<hbm>>
    tpu.enqueue_dma source(%arg10 : memref<128x64xf32, #tpu.memory_space<vmem>>) target(%dma_start3A_42 : memref<128x64xf32, #tpu.memory_space<hbm>>) target_semaphore(%arg15 : memref<!tpu.dma_semaphore, #tpu.memory_space<semaphore_mem>>)
    %dma_start3A_43 = arith.constant 384 : i32
    %dma_start3A_44 = tpu.memref_slice %arg5[%dma_start3A_43] : memref<25600xi32, #tpu.memory_space<vmem>> -> memref<128xi32, #tpu.memory_space<vmem>>
    %dma_start3A_45 = arith.constant 0 : i32
    %dma_start3A_46 = arith.constant 0 : i32
    %dma_start3A_47 = tpu.memref_slice %arg2[%dma_start3A_45, %dma_start3A_46] : memref<1000000x128xf32, #tpu.memory_space<hbm>> -> memref<1000000x128xf32, #tpu.memory_space<hbm>>
    tpu.enqueue_indirect_dma source(%dma_start3A_47 : memref<1000000x128xf32, #tpu.memory_space<hbm>>) target(%arg6 : memref<128x128xf32, #tpu.memory_space<vmem>>) offsets(%dma_start3A_44 : memref<128xi32, #tpu.memory_space<vmem>>) semaphore(%arg11 : memref<!tpu.dma_semaphore, #tpu.memory_space<semaphore_mem>>)
    %scan3A = arith.constant 0 : i32
    %scan3A_48 = arith.constant 32 : i32
    %scan3A_49 = arith.addi %scan3A, %scan3A_48 : i32
    %scan3A_50 = arith.constant 1 : i32
    scf.for %scan3A_204 = %scan3A to %scan3A_49 step %scan3A_50  : i32 {
      %mul3A_205 = arith.constant 6 : i32
      %mul3A_206 = arith.muli %scan3A_204, %mul3A_205 : i32
      %add3A_207 = arith.constant 2 : i32
      %add3A_208 = arith.addi %add3A_207, %mul3A_206 : i32
      %add3A_209 = arith.constant 0 : i32
      %add3A_210 = arith.addi %add3A_208, %add3A_209 : i32
      %mul3A_211 = arith.constant 128 : i32
      %mul3A_212 = arith.muli %add3A_210, %mul3A_211 : i32
      %dma_wait3A_213 = tpu.memref_slice %arg5[%mul3A_212] : memref<25600xi32, #tpu.memory_space<vmem>> -> memref<128xi32, #tpu.memory_space<vmem>>
      %dma_wait3A_214 = arith.constant 0 : i32
      %dma_wait3A_215 = arith.constant 0 : i32
      %dma_wait3A_216 = tpu.memref_slice %arg2[%dma_wait3A_214, %dma_wait3A_215] : memref<1000000x128xf32, #tpu.memory_space<hbm>> -> memref<1000000x128xf32, #tpu.memory_space<hbm>>
      tpu.wait_indirect_dma semaphore(%arg13 : memref<!tpu.dma_semaphore, #tpu.memory_space<semaphore_mem>>) src(%dma_wait3A_216 : memref<1000000x128xf32, #tpu.memory_space<hbm>>) dst(%arg8 : memref<128x128xf32, #tpu.memory_space<vmem>>)
      %sub3A = arith.constant 2 : i32
      %sub3A_217 = arith.subi %add3A_210, %sub3A : i32
      %mul3A_218 = arith.constant 128 : i32
      %mul3A_219 = arith.muli %sub3A_217, %mul3A_218 : i32
      %add3A_220 = arith.addi %mul3A_2, %mul3A_219 : i32
      %dma_wait3A_221 = arith.constant 0 : i32
      %dma_wait3A_222 = tpu.memref_slice %arg4[%add3A_220, %dma_wait3A_221] : memref<819200x64xf32, #tpu.memory_space<hbm>> -> memref<128x64xf32, #tpu.memory_space<hbm>>
      %dma_wait3A_223 = arith.constant 0 : i32
      %dma_wait3A_224 = tpu.memref_slice %arg4[%add3A_220, %dma_wait3A_223] : memref<819200x64xf32, #tpu.memory_space<hbm>> -> memref<128x64xf32, #tpu.memory_space<hbm>>
      tpu.wait_dma2 semaphore(%arg14 : memref<!tpu.dma_semaphore, #tpu.memory_space<semaphore_mem>>) src(%arg9 : memref<128x64xf32, #tpu.memory_space<vmem>>) dst(%dma_wait3A_224 : memref<128x64xf32, #tpu.memory_space<hbm>>)
      %parallel_loop3A_225 = arith.constant 0 : i32
      %parallel_loop3A_226 = arith.constant 128 : i32
      %parallel_loop3A_227 = arith.constant 1 : i32
      scf.for %parallel_loop3A_418 = %parallel_loop3A_225 to %parallel_loop3A_226 step %parallel_loop3A_227  : i32 {
        %parallel_loop3A_419 = arith.index_cast %parallel_loop3A_418 : i32 to index
        %parallel_loop3A_420 = arith.constant 0 : index
        %parallel_loop3A_421 = tpu.vector_load %arg8[%parallel_loop3A_419, %parallel_loop3A_420] {strides = array<i32>} : memref<128x128xf32, #tpu.memory_space<vmem>>, vector<1x16xf32>,
        %parallel_loop3A_422 = vector.shape_cast %parallel_loop3A_421 : vector<1x16xf32> to vector<16xf32>
        %parallel_loop3A_423 = arith.constant 8.000000e+00 : f32
        %parallel_loop3A_424 = vector.broadcast %parallel_loop3A_423 : f32 to vector<16xf32>
        %parallel_loop3A_425 = arith.mulf %parallel_loop3A_422, %parallel_loop3A_424 : vector<16xf32>
        %parallel_loop3A_426 = arith.index_cast %parallel_loop3A_418 : i32 to index
        %parallel_loop3A_427 = arith.constant 0 : index
        %parallel_loop3A_428 = tpu.vector_load %arg9[%parallel_loop3A_426, %parallel_loop3A_427] {strides = array<i32>} : memref<128x64xf32, #tpu.memory_space<vmem>>, vector<1x16xf32>,
        %parallel_loop3A_429 = vector.shape_cast %parallel_loop3A_428 : vector<1x16xf32> to vector<16xf32>
        %parallel_loop3A_430 = vector.shape_cast %parallel_loop3A_425 : vector<16xf32> to vector<1x16xf32>
        tpu.vector_store %arg9[%parallel_loop3A_426, %parallel_loop3A_427], %parallel_loop3A_430 {strides = array<i32>} : memref<128x64xf32, #tpu.memory_space<vmem>>, vector<1x16xf32>,
        %parallel_loop3A_431 = arith.index_cast %parallel_loop3A_418 : i32 to index
        %parallel_loop3A_432 = arith.constant 16 : index
        %parallel_loop3A_433 = tpu.vector_load %arg8[%parallel_loop3A_431, %parallel_loop3A_432] {strides = array<i32>} : memref<128x128xf32, #tpu.memory_space<vmem>>, vector<1x16xf32>,
        %parallel_loop3A_434 = vector.shape_cast %parallel_loop3A_433 : vector<1x16xf32> to vector<16xf32>
        %parallel_loop3A_435 = arith.constant 8.000000e+00 : f32
        %parallel_loop3A_436 = vector.broadcast %parallel_loop3A_435 : f32 to vector<16xf32>
        %parallel_loop3A_437 = arith.mulf %parallel_loop3A_434, %parallel_loop3A_436 : vector<16xf32>
        %parallel_loop3A_438 = arith.index_cast %parallel_loop3A_418 : i32 to index
        %parallel_loop3A_439 = arith.constant 16 : index
        %parallel_loop3A_440 = tpu.vector_load %arg9[%parallel_loop3A_438, %parallel_loop3A_439] {strides = array<i32>} : memref<128x64xf32, #tpu.memory_space<vmem>>, vector<1x16xf32>,
        %parallel_loop3A_441 = vector.shape_cast %parallel_loop3A_440 : vector<1x16xf32> to vector<16xf32>
        %parallel_loop3A_442 = vector.shape_cast %parallel_loop3A_437 : vector<16xf32> to vector<1x16xf32>
        tpu.vector_store %arg9[%parallel_loop3A_438, %parallel_loop3A_439], %parallel_loop3A_442 {strides = array<i32>} : memref<128x64xf32, #tpu.memory_space<vmem>>, vector<1x16xf32>,
        %parallel_loop3A_443 = arith.index_cast %parallel_loop3A_418 : i32 to index
        %parallel_loop3A_444 = arith.constant 32 : index
        %parallel_loop3A_445 = tpu.vector_load %arg8[%parallel_loop3A_443, %parallel_loop3A_444] {strides = array<i32>} : memref<128x128xf32, #tpu.memory_space<vmem>>, vector<1x16xf32>,
        %parallel_loop3A_446 = vector.shape_cast %parallel_loop3A_445 : vector<1x16xf32> to vector<16xf32>
        %parallel_loop3A_447 = arith.constant 8.000000e+00 : f32
        %parallel_loop3A_448 = vector.broadcast %parallel_loop3A_447 : f32 to vector<16xf32>
        %parallel_loop3A_449 = arith.mulf %parallel_loop3A_446, %parallel_loop3A_448 : vector<16xf32>
        %parallel_loop3A_450 = arith.index_cast %parallel_loop3A_418 : i32 to index
        %parallel_loop3A_451 = arith.constant 32 : index
        %parallel_loop3A_452 = tpu.vector_load %arg9[%parallel_loop3A_450, %parallel_loop3A_451] {strides = array<i32>} : memref<128x64xf32, #tpu.memory_space<vmem>>, vector<1x16xf32>,
        %parallel_loop3A_453 = vector.shape_cast %parallel_loop3A_452 : vector<1x16xf32> to vector<16xf32>
        %parallel_loop3A_454 = vector.shape_cast %parallel_loop3A_449 : vector<16xf32> to vector<1x16xf32>
        tpu.vector_store %arg9[%parallel_loop3A_450, %parallel_loop3A_451], %parallel_loop3A_454 {strides = array<i32>} : memref<128x64xf32, #tpu.memory_space<vmem>>, vector<1x16xf32>,
        %parallel_loop3A_455 = arith.index_cast %parallel_loop3A_418 : i32 to index
        %parallel_loop3A_456 = arith.constant 48 : index
        %parallel_loop3A_457 = tpu.vector_load %arg8[%parallel_loop3A_455, %parallel_loop3A_456] {strides = array<i32>} : memref<128x128xf32, #tpu.memory_space<vmem>>, vector<1x16xf32>,
        %parallel_loop3A_458 = vector.shape_cast %parallel_loop3A_457 : vector<1x16xf32> to vector<16xf32>
        %parallel_loop3A_459 = arith.constant 8.000000e+00 : f32
        %parallel_loop3A_460 = vector.broadcast %parallel_loop3A_459 : f32 to vector<16xf32>
        %parallel_loop3A_461 = arith.mulf %parallel_loop3A_458, %parallel_loop3A_460 : vector<16xf32>
        %parallel_loop3A_462 = arith.index_cast %parallel_loop3A_418 : i32 to index
        %parallel_loop3A_463 = arith.constant 48 : index
        %parallel_loop3A_464 = tpu.vector_load %arg9[%parallel_loop3A_462, %parallel_loop3A_463] {strides = array<i32>} : memref<128x64xf32, #tpu.memory_space<vmem>>, vector<1x16xf32>,
        %parallel_loop3A_465 = vector.shape_cast %parallel_loop3A_464 : vector<1x16xf32> to vector<16xf32>
        %parallel_loop3A_466 = vector.shape_cast %parallel_loop3A_461 : vector<16xf32> to vector<1x16xf32>
        tpu.vector_store %arg9[%parallel_loop3A_462, %parallel_loop3A_463], %parallel_loop3A_466 {strides = array<i32>} : memref<128x64xf32, #tpu.memory_space<vmem>>, vector<1x16xf32>,
      } {sc.loop_unroll_factor = 2 : i64, sc.parallel_access}
      %mul3A_228 = arith.constant 128 : i32
      %mul3A_229 = arith.muli %add3A_210, %mul3A_228 : i32
      %add3A_230 = arith.addi %mul3A_2, %mul3A_229 : i32
      %dma_start3A_231 = arith.constant 0 : i32
      %dma_start3A_232 = tpu.memref_slice %arg4[%add3A_230, %dma_start3A_231] : memref<819200x64xf32, #tpu.memory_space<hbm>> -> memref<128x64xf32, #tpu.memory_space<hbm>>
      %dma_start3A_233 = arith.constant 0 : i32
      %dma_start3A_234 = tpu.memref_slice %arg4[%add3A_230, %dma_start3A_233] : memref<819200x64xf32, #tpu.memory_space<hbm>> -> memref<128x64xf32, #tpu.memory_space<hbm>>
      tpu.enqueue_dma source(%arg9 : memref<128x64xf32, #tpu.memory_space<vmem>>) target(%dma_start3A_234 : memref<128x64xf32, #tpu.memory_space<hbm>>) target_semaphore(%arg14 : memref<!tpu.dma_semaphore, #tpu.memory_space<semaphore_mem>>)
      %add3A_235 = arith.constant 2 : i32
      %add3A_236 = arith.addi %add3A_210, %add3A_235 : i32
      %mul3A_237 = arith.constant 128 : i32
      %mul3A_238 = arith.muli %add3A_236, %mul3A_237 : i32
      %dma_start3A_239 = tpu.memref_slice %arg5[%mul3A_238] : memref<25600xi32, #tpu.memory_space<vmem>> -> memref<128xi32, #tpu.memory_space<vmem>>
      %dma_start3A_240 = arith.constant 0 : i32
      %dma_start3A_241 = arith.constant 0 : i32
      %dma_start3A_242 = tpu.memref_slice %arg2[%dma_start3A_240, %dma_start3A_241] : memref<1000000x128xf32, #tpu.memory_space<hbm>> -> memref<1000000x128xf32, #tpu.memory_space<hbm>>
      tpu.enqueue_indirect_dma source(%dma_start3A_242 : memref<1000000x128xf32, #tpu.memory_space<hbm>>) target(%arg7 : memref<128x128xf32, #tpu.memory_space<vmem>>) offsets(%dma_start3A_239 : memref<128xi32, #tpu.memory_space<vmem>>) semaphore(%arg12 : memref<!tpu.dma_semaphore, #tpu.memory_space<semaphore_mem>>)
      %add3A_243 = arith.constant 1 : i32
      %add3A_244 = arith.addi %add3A_208, %add3A_243 : i32
      %mul3A_245 = arith.constant 128 : i32
      %mul3A_246 = arith.muli %add3A_244, %mul3A_245 : i32
      %dma_wait3A_247 = tpu.memref_slice %arg5[%mul3A_246] : memref<25600xi32, #tpu.memory_space<vmem>> -> memref<128xi32, #tpu.memory_space<vmem>>
      %dma_wait3A_248 = arith.constant 0 : i32
      %dma_wait3A_249 = arith.constant 0 : i32
      %dma_wait3A_250 = tpu.memref_slice %arg2[%dma_wait3A_248, %dma_wait3A_249] : memref<1000000x128xf32, #tpu.memory_space<hbm>> -> memref<1000000x128xf32, #tpu.memory_space<hbm>>
      tpu.wait_indirect_dma semaphore(%arg11 : memref<!tpu.dma_semaphore, #tpu.memory_space<semaphore_mem>>) src(%dma_wait3A_250 : memref<1000000x128xf32, #tpu.memory_space<hbm>>) dst(%arg6 : memref<128x128xf32, #tpu.memory_space<vmem>>)
      %sub3A_251 = arith.constant 2 : i32
      %sub3A_252 = arith.subi %add3A_244, %sub3A_251 : i32
      %mul3A_253 = arith.constant 128 : i32
      %mul3A_254 = arith.muli %sub3A_252, %mul3A_253 : i32
      %add3A_255 = arith.addi %mul3A_2, %mul3A_254 : i32
      %dma_wait3A_256 = arith.constant 0 : i32
      %dma_wait3A_257 = tpu.memref_slice %arg4[%add3A_255, %dma_wait3A_256] : memref<819200x64xf32, #tpu.memory_space<hbm>> -> memref<128x64xf32, #tpu.memory_space<hbm>>
      %dma_wait3A_258 = arith.constant 0 : i32
      %dma_wait3A_259 = tpu.memref_slice %arg4[%add3A_255, %dma_wait3A_258] : memref<819200x64xf32, #tpu.memory_space<hbm>> -> memref<128x64xf32, #tpu.memory_space<hbm>>
      tpu.wait_dma2 semaphore(%arg15 : memref<!tpu.dma_semaphore, #tpu.memory_space<semaphore_mem>>) src(%arg10 : memref<128x64xf32, #tpu.memory_space<vmem>>) dst(%dma_wait3A_259 : memref<128x64xf32, #tpu.memory_space<hbm>>)
      %parallel_loop3A_260 = arith.constant 0 : i32
      %parallel_loop3A_261 = arith.constant 128 : i32
      %parallel_loop3A_262 = arith.constant 1 : i32
      scf.for %parallel_loop3A_418 = %parallel_loop3A_260 to %parallel_loop3A_261 step %parallel_loop3A_262  : i32 {
        %parallel_loop3A_419 = arith.index_cast %parallel_loop3A_418 : i32 to index
        %parallel_loop3A_420 = arith.constant 0 : index
        %parallel_loop3A_421 = tpu.vector_load %arg6[%parallel_loop3A_419, %parallel_loop3A_420] {strides = array<i32>} : memref<128x128xf32, #tpu.memory_space<vmem>>, vector<1x16xf32>,
        %parallel_loop3A_422 = vector.shape_cast %parallel_loop3A_421 : vector<1x16xf32> to vector<16xf32>
        %parallel_loop3A_423 = arith.constant 8.000000e+00 : f32
        %parallel_loop3A_424 = vector.broadcast %parallel_loop3A_423 : f32 to vector<16xf32>
        %parallel_loop3A_425 = arith.mulf %parallel_loop3A_422, %parallel_loop3A_424 : vector<16xf32>
        %parallel_loop3A_426 = arith.index_cast %parallel_loop3A_418 : i32 to index
        %parallel_loop3A_427 = arith.constant 0 : index
        %parallel_loop3A_428 = tpu.vector_load %arg10[%parallel_loop3A_426, %parallel_loop3A_427] {strides = array<i32>} : memref<128x64xf32, #tpu.memory_space<vmem>>, vector<1x16xf32>,
        %parallel_loop3A_429 = vector.shape_cast %parallel_loop3A_428 : vector<1x16xf32> to vector<16xf32>
        %parallel_loop3A_430 = vector.shape_cast %parallel_loop3A_425 : vector<16xf32> to vector<1x16xf32>
        tpu.vector_store %arg10[%parallel_loop3A_426, %parallel_loop3A_427], %parallel_loop3A_430 {strides = array<i32>} : memref<128x64xf32, #tpu.memory_space<vmem>>, vector<1x16xf32>,
        %parallel_loop3A_431 = arith.index_cast %parallel_loop3A_418 : i32 to index
        %parallel_loop3A_432 = arith.constant 16 : index
        %parallel_loop3A_433 = tpu.vector_load %arg6[%parallel_loop3A_431, %parallel_loop3A_432] {strides = array<i32>} : memref<128x128xf32, #tpu.memory_space<vmem>>, vector<1x16xf32>,
        %parallel_loop3A_434 = vector.shape_cast %parallel_loop3A_433 : vector<1x16xf32> to vector<16xf32>
        %parallel_loop3A_435 = arith.constant 8.000000e+00 : f32
        %parallel_loop3A_436 = vector.broadcast %parallel_loop3A_435 : f32 to vector<16xf32>
        %parallel_loop3A_437 = arith.mulf %parallel_loop3A_434, %parallel_loop3A_436 : vector<16xf32>
        %parallel_loop3A_438 = arith.index_cast %parallel_loop3A_418 : i32 to index
        %parallel_loop3A_439 = arith.constant 16 : index
        %parallel_loop3A_440 = tpu.vector_load %arg10[%parallel_loop3A_438, %parallel_loop3A_439] {strides = array<i32>} : memref<128x64xf32, #tpu.memory_space<vmem>>, vector<1x16xf32>,
        %parallel_loop3A_441 = vector.shape_cast %parallel_loop3A_440 : vector<1x16xf32> to vector<16xf32>
        %parallel_loop3A_442 = vector.shape_cast %parallel_loop3A_437 : vector<16xf32> to vector<1x16xf32>
        tpu.vector_store %arg10[%parallel_loop3A_438, %parallel_loop3A_439], %parallel_loop3A_442 {strides = array<i32>} : memref<128x64xf32, #tpu.memory_space<vmem>>, vector<1x16xf32>,
        %parallel_loop3A_443 = arith.index_cast %parallel_loop3A_418 : i32 to index
        %parallel_loop3A_444 = arith.constant 32 : index
        %parallel_loop3A_445 = tpu.vector_load %arg6[%parallel_loop3A_443, %parallel_loop3A_444] {strides = array<i32>} : memref<128x128xf32, #tpu.memory_space<vmem>>, vector<1x16xf32>,
        %parallel_loop3A_446 = vector.shape_cast %parallel_loop3A_445 : vector<1x16xf32> to vector<16xf32>
        %parallel_loop3A_447 = arith.constant 8.000000e+00 : f32
        %parallel_loop3A_448 = vector.broadcast %parallel_loop3A_447 : f32 to vector<16xf32>
        %parallel_loop3A_449 = arith.mulf %parallel_loop3A_446, %parallel_loop3A_448 : vector<16xf32>
        %parallel_loop3A_450 = arith.index_cast %parallel_loop3A_418 : i32 to index
        %parallel_loop3A_451 = arith.constant 32 : index
        %parallel_loop3A_452 = tpu.vector_load %arg10[%parallel_loop3A_450, %parallel_loop3A_451] {strides = array<i32>} : memref<128x64xf32, #tpu.memory_space<vmem>>, vector<1x16xf32>,
        %parallel_loop3A_453 = vector.shape_cast %parallel_loop3A_452 : vector<1x16xf32> to vector<16xf32>
        %parallel_loop3A_454 = vector.shape_cast %parallel_loop3A_449 : vector<16xf32> to vector<1x16xf32>
        tpu.vector_store %arg10[%parallel_loop3A_450, %parallel_loop3A_451], %parallel_loop3A_454 {strides = array<i32>} : memref<128x64xf32, #tpu.memory_space<vmem>>, vector<1x16xf32>,
        %parallel_loop3A_455 = arith.index_cast %parallel_loop3A_418 : i32 to index
        %parallel_loop3A_456 = arith.constant 48 : index
        %parallel_loop3A_457 = tpu.vector_load %arg6[%parallel_loop3A_455, %parallel_loop3A_456] {strides = array<i32>} : memref<128x128xf32, #tpu.memory_space<vmem>>, vector<1x16xf32>,
        %parallel_loop3A_458 = vector.shape_cast %parallel_loop3A_457 : vector<1x16xf32> to vector<16xf32>
        %parallel_loop3A_459 = arith.constant 8.000000e+00 : f32
        %parallel_loop3A_460 = vector.broadcast %parallel_loop3A_459 : f32 to vector<16xf32>
        %parallel_loop3A_461 = arith.mulf %parallel_loop3A_458, %parallel_loop3A_460 : vector<16xf32>
        %parallel_loop3A_462 = arith.index_cast %parallel_loop3A_418 : i32 to index
        %parallel_loop3A_463 = arith.constant 48 : index
        %parallel_loop3A_464 = tpu.vector_load %arg10[%parallel_loop3A_462, %parallel_loop3A_463] {strides = array<i32>} : memref<128x64xf32, #tpu.memory_space<vmem>>, vector<1x16xf32>,
        %parallel_loop3A_465 = vector.shape_cast %parallel_loop3A_464 : vector<1x16xf32> to vector<16xf32>
        %parallel_loop3A_466 = vector.shape_cast %parallel_loop3A_461 : vector<16xf32> to vector<1x16xf32>
        tpu.vector_store %arg10[%parallel_loop3A_462, %parallel_loop3A_463], %parallel_loop3A_466 {strides = array<i32>} : memref<128x64xf32, #tpu.memory_space<vmem>>, vector<1x16xf32>,
      } {sc.loop_unroll_factor = 2 : i64, sc.parallel_access}
      %mul3A_263 = arith.constant 128 : i32
      %mul3A_264 = arith.muli %add3A_244, %mul3A_263 : i32
      %add3A_265 = arith.addi %mul3A_2, %mul3A_264 : i32
      %dma_start3A_266 = arith.constant 0 : i32
      %dma_start3A_267 = tpu.memref_slice %arg4[%add3A_265, %dma_start3A_266] : memref<819200x64xf32, #tpu.memory_space<hbm>> -> memref<128x64xf32, #tpu.memory_space<hbm>>
      %dma_start3A_268 = arith.constant 0 : i32
      %dma_start3A_269 = tpu.memref_slice %arg4[%add3A_265, %dma_start3A_268] : memref<819200x64xf32, #tpu.memory_space<hbm>> -> memref<128x64xf32, #tpu.memory_space<hbm>>
      tpu.enqueue_dma source(%arg10 : memref<128x64xf32, #tpu.memory_space<vmem>>) target(%dma_start3A_269 : memref<128x64xf32, #tpu.memory_space<hbm>>) target_semaphore(%arg15 : memref<!tpu.dma_semaphore, #tpu.memory_space<semaphore_mem>>)
      %add3A_270 = arith.constant 2 : i32
      %add3A_271 = arith.addi %add3A_244, %add3A_270 : i32
      %mul3A_272 = arith.constant 128 : i32
      %mul3A_273 = arith.muli %add3A_271, %mul3A_272 : i32
      %dma_start3A_274 = tpu.memref_slice %arg5[%mul3A_273] : memref<25600xi32, #tpu.memory_space<vmem>> -> memref<128xi32, #tpu.memory_space<vmem>>
      %dma_start3A_275 = arith.constant 0 : i32
      %dma_start3A_276 = arith.constant 0 : i32
      %dma_start3A_277 = tpu.memref_slice %arg2[%dma_start3A_275, %dma_start3A_276] : memref<1000000x128xf32, #tpu.memory_space<hbm>> -> memref<1000000x128xf32, #tpu.memory_space<hbm>>
      tpu.enqueue_indirect_dma source(%dma_start3A_277 : memref<1000000x128xf32, #tpu.memory_space<hbm>>) target(%arg8 : memref<128x128xf32, #tpu.memory_space<vmem>>) offsets(%dma_start3A_274 : memref<128xi32, #tpu.memory_space<vmem>>) semaphore(%arg13 : memref<!tpu.dma_semaphore, #tpu.memory_space<semaphore_mem>>)
      %add3A_278 = arith.constant 2 : i32
      %add3A_279 = arith.addi %add3A_208, %add3A_278 : i32
      %mul3A_280 = arith.constant 128 : i32
      %mul3A_281 = arith.muli %add3A_279, %mul3A_280 : i32
      %dma_wait3A_282 = tpu.memref_slice %arg5[%mul3A_281] : memref<25600xi32, #tpu.memory_space<vmem>> -> memref<128xi32, #tpu.memory_space<vmem>>
      %dma_wait3A_283 = arith.constant 0 : i32
      %dma_wait3A_284 = arith.constant 0 : i32
      %dma_wait3A_285 = tpu.memref_slice %arg2[%dma_wait3A_283, %dma_wait3A_284] : memref<1000000x128xf32, #tpu.memory_space<hbm>> -> memref<1000000x128xf32, #tpu.memory_space<hbm>>
      tpu.wait_indirect_dma semaphore(%arg12 : memref<!tpu.dma_semaphore, #tpu.memory_space<semaphore_mem>>) src(%dma_wait3A_285 : memref<1000000x128xf32, #tpu.memory_space<hbm>>) dst(%arg7 : memref<128x128xf32, #tpu.memory_space<vmem>>)
      %sub3A_286 = arith.constant 2 : i32
      %sub3A_287 = arith.subi %add3A_279, %sub3A_286 : i32
      %mul3A_288 = arith.constant 128 : i32
      %mul3A_289 = arith.muli %sub3A_287, %mul3A_288 : i32
      %add3A_290 = arith.addi %mul3A_2, %mul3A_289 : i32
      %dma_wait3A_291 = arith.constant 0 : i32
      %dma_wait3A_292 = tpu.memref_slice %arg4[%add3A_290, %dma_wait3A_291] : memref<819200x64xf32, #tpu.memory_space<hbm>> -> memref<128x64xf32, #tpu.memory_space<hbm>>
      %dma_wait3A_293 = arith.constant 0 : i32
      %dma_wait3A_294 = tpu.memref_slice %arg4[%add3A_290, %dma_wait3A_293] : memref<819200x64xf32, #tpu.memory_space<hbm>> -> memref<128x64xf32, #tpu.memory_space<hbm>>
      tpu.wait_dma2 semaphore(%arg14 : memref<!tpu.dma_semaphore, #tpu.memory_space<semaphore_mem>>) src(%arg9 : memref<128x64xf32, #tpu.memory_space<vmem>>) dst(%dma_wait3A_294 : memref<128x64xf32, #tpu.memory_space<hbm>>)
      %parallel_loop3A_295 = arith.constant 0 : i32
      %parallel_loop3A_296 = arith.constant 128 : i32
      %parallel_loop3A_297 = arith.constant 1 : i32
      scf.for %parallel_loop3A_418 = %parallel_loop3A_295 to %parallel_loop3A_296 step %parallel_loop3A_297  : i32 {
        %parallel_loop3A_419 = arith.index_cast %parallel_loop3A_418 : i32 to index
        %parallel_loop3A_420 = arith.constant 0 : index
        %parallel_loop3A_421 = tpu.vector_load %arg7[%parallel_loop3A_419, %parallel_loop3A_420] {strides = array<i32>} : memref<128x128xf32, #tpu.memory_space<vmem>>, vector<1x16xf32>,
        %parallel_loop3A_422 = vector.shape_cast %parallel_loop3A_421 : vector<1x16xf32> to vector<16xf32>
        %parallel_loop3A_423 = arith.constant 8.000000e+00 : f32
        %parallel_loop3A_424 = vector.broadcast %parallel_loop3A_423 : f32 to vector<16xf32>
        %parallel_loop3A_425 = arith.mulf %parallel_loop3A_422, %parallel_loop3A_424 : vector<16xf32>
        %parallel_loop3A_426 = arith.index_cast %parallel_loop3A_418 : i32 to index
        %parallel_loop3A_427 = arith.constant 0 : index
        %parallel_loop3A_428 = tpu.vector_load %arg9[%parallel_loop3A_426, %parallel_loop3A_427] {strides = array<i32>} : memref<128x64xf32, #tpu.memory_space<vmem>>, vector<1x16xf32>,
        %parallel_loop3A_429 = vector.shape_cast %parallel_loop3A_428 : vector<1x16xf32> to vector<16xf32>
        %parallel_loop3A_430 = vector.shape_cast %parallel_loop3A_425 : vector<16xf32> to vector<1x16xf32>
        tpu.vector_store %arg9[%parallel_loop3A_426, %parallel_loop3A_427], %parallel_loop3A_430 {strides = array<i32>} : memref<128x64xf32, #tpu.memory_space<vmem>>, vector<1x16xf32>,
        %parallel_loop3A_431 = arith.index_cast %parallel_loop3A_418 : i32 to index
        %parallel_loop3A_432 = arith.constant 16 : index
        %parallel_loop3A_433 = tpu.vector_load %arg7[%parallel_loop3A_431, %parallel_loop3A_432] {strides = array<i32>} : memref<128x128xf32, #tpu.memory_space<vmem>>, vector<1x16xf32>,
        %parallel_loop3A_434 = vector.shape_cast %parallel_loop3A_433 : vector<1x16xf32> to vector<16xf32>
        %parallel_loop3A_435 = arith.constant 8.000000e+00 : f32
        %parallel_loop3A_436 = vector.broadcast %parallel_loop3A_435 : f32 to vector<16xf32>
        %parallel_loop3A_437 = arith.mulf %parallel_loop3A_434, %parallel_loop3A_436 : vector<16xf32>
        %parallel_loop3A_438 = arith.index_cast %parallel_loop3A_418 : i32 to index
        %parallel_loop3A_439 = arith.constant 16 : index
        %parallel_loop3A_440 = tpu.vector_load %arg9[%parallel_loop3A_438, %parallel_loop3A_439] {strides = array<i32>} : memref<128x64xf32, #tpu.memory_space<vmem>>, vector<1x16xf32>,
        %parallel_loop3A_441 = vector.shape_cast %parallel_loop3A_440 : vector<1x16xf32> to vector<16xf32>
        %parallel_loop3A_442 = vector.shape_cast %parallel_loop3A_437 : vector<16xf32> to vector<1x16xf32>
        tpu.vector_store %arg9[%parallel_loop3A_438, %parallel_loop3A_439], %parallel_loop3A_442 {strides = array<i32>} : memref<128x64xf32, #tpu.memory_space<vmem>>, vector<1x16xf32>,
        %parallel_loop3A_443 = arith.index_cast %parallel_loop3A_418 : i32 to index
        %parallel_loop3A_444 = arith.constant 32 : index
        %parallel_loop3A_445 = tpu.vector_load %arg7[%parallel_loop3A_443, %parallel_loop3A_444] {strides = array<i32>} : memref<128x128xf32, #tpu.memory_space<vmem>>, vector<1x16xf32>,
        %parallel_loop3A_446 = vector.shape_cast %parallel_loop3A_445 : vector<1x16xf32> to vector<16xf32>
        %parallel_loop3A_447 = arith.constant 8.000000e+00 : f32
        %parallel_loop3A_448 = vector.broadcast %parallel_loop3A_447 : f32 to vector<16xf32>
        %parallel_loop3A_449 = arith.mulf %parallel_loop3A_446, %parallel_loop3A_448 : vector<16xf32>
        %parallel_loop3A_450 = arith.index_cast %parallel_loop3A_418 : i32 to index
        %parallel_loop3A_451 = arith.constant 32 : index
        %parallel_loop3A_452 = tpu.vector_load %arg9[%parallel_loop3A_450, %parallel_loop3A_451] {strides = array<i32>} : memref<128x64xf32, #tpu.memory_space<vmem>>, vector<1x16xf32>,
        %parallel_loop3A_453 = vector.shape_cast %parallel_loop3A_452 : vector<1x16xf32> to vector<16xf32>
        %parallel_loop3A_454 = vector.shape_cast %parallel_loop3A_449 : vector<16xf32> to vector<1x16xf32>
        tpu.vector_store %arg9[%parallel_loop3A_450, %parallel_loop3A_451], %parallel_loop3A_454 {strides = array<i32>} : memref<128x64xf32, #tpu.memory_space<vmem>>, vector<1x16xf32>,
        %parallel_loop3A_455 = arith.index_cast %parallel_loop3A_418 : i32 to index
        %parallel_loop3A_456 = arith.constant 48 : index
        %parallel_loop3A_457 = tpu.vector_load %arg7[%parallel_loop3A_455, %parallel_loop3A_456] {strides = array<i32>} : memref<128x128xf32, #tpu.memory_space<vmem>>, vector<1x16xf32>,
        %parallel_loop3A_458 = vector.shape_cast %parallel_loop3A_457 : vector<1x16xf32> to vector<16xf32>
        %parallel_loop3A_459 = arith.constant 8.000000e+00 : f32
        %parallel_loop3A_460 = vector.broadcast %parallel_loop3A_459 : f32 to vector<16xf32>
        %parallel_loop3A_461 = arith.mulf %parallel_loop3A_458, %parallel_loop3A_460 : vector<16xf32>
        %parallel_loop3A_462 = arith.index_cast %parallel_loop3A_418 : i32 to index
        %parallel_loop3A_463 = arith.constant 48 : index
        %parallel_loop3A_464 = tpu.vector_load %arg9[%parallel_loop3A_462, %parallel_loop3A_463] {strides = array<i32>} : memref<128x64xf32, #tpu.memory_space<vmem>>, vector<1x16xf32>,
        %parallel_loop3A_465 = vector.shape_cast %parallel_loop3A_464 : vector<1x16xf32> to vector<16xf32>
        %parallel_loop3A_466 = vector.shape_cast %parallel_loop3A_461 : vector<16xf32> to vector<1x16xf32>
        tpu.vector_store %arg9[%parallel_loop3A_462, %parallel_loop3A_463], %parallel_loop3A_466 {strides = array<i32>} : memref<128x64xf32, #tpu.memory_space<vmem>>, vector<1x16xf32>,
      } {sc.loop_unroll_factor = 2 : i64, sc.parallel_access}
      %mul3A_298 = arith.constant 128 : i32
      %mul3A_299 = arith.muli %add3A_279, %mul3A_298 : i32
      %add3A_300 = arith.addi %mul3A_2, %mul3A_299 : i32
      %dma_start3A_301 = arith.constant 0 : i32
      %dma_start3A_302 = tpu.memref_slice %arg4[%add3A_300, %dma_start3A_301] : memref<819200x64xf32, #tpu.memory_space<hbm>> -> memref<128x64xf32, #tpu.memory_space<hbm>>
      %dma_start3A_303 = arith.constant 0 : i32
      %dma_start3A_304 = tpu.memref_slice %arg4[%add3A_300, %dma_start3A_303] : memref<819200x64xf32, #tpu.memory_space<hbm>> -> memref<128x64xf32, #tpu.memory_space<hbm>>
      tpu.enqueue_dma source(%arg9 : memref<128x64xf32, #tpu.memory_space<vmem>>) target(%dma_start3A_304 : memref<128x64xf32, #tpu.memory_space<hbm>>) target_semaphore(%arg14 : memref<!tpu.dma_semaphore, #tpu.memory_space<semaphore_mem>>)
      %add3A_305 = arith.constant 2 : i32
      %add3A_306 = arith.addi %add3A_279, %add3A_305 : i32
      %mul3A_307 = arith.constant 128 : i32
      %mul3A_308 = arith.muli %add3A_306, %mul3A_307 : i32
      %dma_start3A_309 = tpu.memref_slice %arg5[%mul3A_308] : memref<25600xi32, #tpu.memory_space<vmem>> -> memref<128xi32, #tpu.memory_space<vmem>>
      %dma_start3A_310 = arith.constant 0 : i32
      %dma_start3A_311 = arith.constant 0 : i32
      %dma_start3A_312 = tpu.memref_slice %arg2[%dma_start3A_310, %dma_start3A_311] : memref<1000000x128xf32, #tpu.memory_space<hbm>> -> memref<1000000x128xf32, #tpu.memory_space<hbm>>
      tpu.enqueue_indirect_dma source(%dma_start3A_312 : memref<1000000x128xf32, #tpu.memory_space<hbm>>) target(%arg6 : memref<128x128xf32, #tpu.memory_space<vmem>>) offsets(%dma_start3A_309 : memref<128xi32, #tpu.memory_space<vmem>>) semaphore(%arg11 : memref<!tpu.dma_semaphore, #tpu.memory_space<semaphore_mem>>)
      %add3A_313 = arith.constant 3 : i32
      %add3A_314 = arith.addi %add3A_208, %add3A_313 : i32
      %mul3A_315 = arith.constant 128 : i32
      %mul3A_316 = arith.muli %add3A_314, %mul3A_315 : i32
      %dma_wait3A_317 = tpu.memref_slice %arg5[%mul3A_316] : memref<25600xi32, #tpu.memory_space<vmem>> -> memref<128xi32, #tpu.memory_space<vmem>>
      %dma_wait3A_318 = arith.constant 0 : i32
      %dma_wait3A_319 = arith.constant 0 : i32
      %dma_wait3A_320 = tpu.memref_slice %arg2[%dma_wait3A_318, %dma_wait3A_319] : memref<1000000x128xf32, #tpu.memory_space<hbm>> -> memref<1000000x128xf32, #tpu.memory_space<hbm>>
      tpu.wait_indirect_dma semaphore(%arg13 : memref<!tpu.dma_semaphore, #tpu.memory_space<semaphore_mem>>) src(%dma_wait3A_320 : memref<1000000x128xf32, #tpu.memory_space<hbm>>) dst(%arg8 : memref<128x128xf32, #tpu.memory_space<vmem>>)
      %sub3A_321 = arith.constant 2 : i32
      %sub3A_322 = arith.subi %add3A_314, %sub3A_321 : i32
      %mul3A_323 = arith.constant 128 : i32
      %mul3A_324 = arith.muli %sub3A_322, %mul3A_323 : i32
      %add3A_325 = arith.addi %mul3A_2, %mul3A_324 : i32
      %dma_wait3A_326 = arith.constant 0 : i32
      %dma_wait3A_327 = tpu.memref_slice %arg4[%add3A_325, %dma_wait3A_326] : memref<819200x64xf32, #tpu.memory_space<hbm>> -> memref<128x64xf32, #tpu.memory_space<hbm>>
      %dma_wait3A_328 = arith.constant 0 : i32
      %dma_wait3A_329 = tpu.memref_slice %arg4[%add3A_325, %dma_wait3A_328] : memref<819200x64xf32, #tpu.memory_space<hbm>> -> memref<128x64xf32, #tpu.memory_space<hbm>>
      tpu.wait_dma2 semaphore(%arg15 : memref<!tpu.dma_semaphore, #tpu.memory_space<semaphore_mem>>) src(%arg10 : memref<128x64xf32, #tpu.memory_space<vmem>>) dst(%dma_wait3A_329 : memref<128x64xf32, #tpu.memory_space<hbm>>)
      %parallel_loop3A_330 = arith.constant 0 : i32
      %parallel_loop3A_331 = arith.constant 128 : i32
      %parallel_loop3A_332 = arith.constant 1 : i32
      scf.for %parallel_loop3A_418 = %parallel_loop3A_330 to %parallel_loop3A_331 step %parallel_loop3A_332  : i32 {
        %parallel_loop3A_419 = arith.index_cast %parallel_loop3A_418 : i32 to index
        %parallel_loop3A_420 = arith.constant 0 : index
        %parallel_loop3A_421 = tpu.vector_load %arg8[%parallel_loop3A_419, %parallel_loop3A_420] {strides = array<i32>} : memref<128x128xf32, #tpu.memory_space<vmem>>, vector<1x16xf32>,
        %parallel_loop3A_422 = vector.shape_cast %parallel_loop3A_421 : vector<1x16xf32> to vector<16xf32>
        %parallel_loop3A_423 = arith.constant 8.000000e+00 : f32
        %parallel_loop3A_424 = vector.broadcast %parallel_loop3A_423 : f32 to vector<16xf32>
        %parallel_loop3A_425 = arith.mulf %parallel_loop3A_422, %parallel_loop3A_424 : vector<16xf32>
        %parallel_loop3A_426 = arith.index_cast %parallel_loop3A_418 : i32 to index
        %parallel_loop3A_427 = arith.constant 0 : index
        %parallel_loop3A_428 = tpu.vector_load %arg10[%parallel_loop3A_426, %parallel_loop3A_427] {strides = array<i32>} : memref<128x64xf32, #tpu.memory_space<vmem>>, vector<1x16xf32>,
        %parallel_loop3A_429 = vector.shape_cast %parallel_loop3A_428 : vector<1x16xf32> to vector<16xf32>
        %parallel_loop3A_430 = vector.shape_cast %parallel_loop3A_425 : vector<16xf32> to vector<1x16xf32>
        tpu.vector_store %arg10[%parallel_loop3A_426, %parallel_loop3A_427], %parallel_loop3A_430 {strides = array<i32>} : memref<128x64xf32, #tpu.memory_space<vmem>>, vector<1x16xf32>,
        %parallel_loop3A_431 = arith.index_cast %parallel_loop3A_418 : i32 to index
        %parallel_loop3A_432 = arith.constant 16 : index
        %parallel_loop3A_433 = tpu.vector_load %arg8[%parallel_loop3A_431, %parallel_loop3A_432] {strides = array<i32>} : memref<128x128xf32, #tpu.memory_space<vmem>>, vector<1x16xf32>,
        %parallel_loop3A_434 = vector.shape_cast %parallel_loop3A_433 : vector<1x16xf32> to vector<16xf32>
        %parallel_loop3A_435 = arith.constant 8.000000e+00 : f32
        %parallel_loop3A_436 = vector.broadcast %parallel_loop3A_435 : f32 to vector<16xf32>
        %parallel_loop3A_437 = arith.mulf %parallel_loop3A_434, %parallel_loop3A_436 : vector<16xf32>
        %parallel_loop3A_438 = arith.index_cast %parallel_loop3A_418 : i32 to index
        %parallel_loop3A_439 = arith.constant 16 : index
        %parallel_loop3A_440 = tpu.vector_load %arg10[%parallel_loop3A_438, %parallel_loop3A_439] {strides = array<i32>} : memref<128x64xf32, #tpu.memory_space<vmem>>, vector<1x16xf32>,
        %parallel_loop3A_441 = vector.shape_cast %parallel_loop3A_440 : vector<1x16xf32> to vector<16xf32>
        %parallel_loop3A_442 = vector.shape_cast %parallel_loop3A_437 : vector<16xf32> to vector<1x16xf32>
        tpu.vector_store %arg10[%parallel_loop3A_438, %parallel_loop3A_439], %parallel_loop3A_442 {strides = array<i32>} : memref<128x64xf32, #tpu.memory_space<vmem>>, vector<1x16xf32>,
        %parallel_loop3A_443 = arith.index_cast %parallel_loop3A_418 : i32 to index
        %parallel_loop3A_444 = arith.constant 32 : index
        %parallel_loop3A_445 = tpu.vector_load %arg8[%parallel_loop3A_443, %parallel_loop3A_444] {strides = array<i32>} : memref<128x128xf32, #tpu.memory_space<vmem>>, vector<1x16xf32>,
        %parallel_loop3A_446 = vector.shape_cast %parallel_loop3A_445 : vector<1x16xf32> to vector<16xf32>
        %parallel_loop3A_447 = arith.constant 8.000000e+00 : f32
        %parallel_loop3A_448 = vector.broadcast %parallel_loop3A_447 : f32 to vector<16xf32>
        %parallel_loop3A_449 = arith.mulf %parallel_loop3A_446, %parallel_loop3A_448 : vector<16xf32>
        %parallel_loop3A_450 = arith.index_cast %parallel_loop3A_418 : i32 to index
        %parallel_loop3A_451 = arith.constant 32 : index
        %parallel_loop3A_452 = tpu.vector_load %arg10[%parallel_loop3A_450, %parallel_loop3A_451] {strides = array<i32>} : memref<128x64xf32, #tpu.memory_space<vmem>>, vector<1x16xf32>,
        %parallel_loop3A_453 = vector.shape_cast %parallel_loop3A_452 : vector<1x16xf32> to vector<16xf32>
        %parallel_loop3A_454 = vector.shape_cast %parallel_loop3A_449 : vector<16xf32> to vector<1x16xf32>
        tpu.vector_store %arg10[%parallel_loop3A_450, %parallel_loop3A_451], %parallel_loop3A_454 {strides = array<i32>} : memref<128x64xf32, #tpu.memory_space<vmem>>, vector<1x16xf32>,
        %parallel_loop3A_455 = arith.index_cast %parallel_loop3A_418 : i32 to index
        %parallel_loop3A_456 = arith.constant 48 : index
        %parallel_loop3A_457 = tpu.vector_load %arg8[%parallel_loop3A_455, %parallel_loop3A_456] {strides = array<i32>} : memref<128x128xf32, #tpu.memory_space<vmem>>, vector<1x16xf32>,
        %parallel_loop3A_458 = vector.shape_cast %parallel_loop3A_457 : vector<1x16xf32> to vector<16xf32>
        %parallel_loop3A_459 = arith.constant 8.000000e+00 : f32
        %parallel_loop3A_460 = vector.broadcast %parallel_loop3A_459 : f32 to vector<16xf32>
        %parallel_loop3A_461 = arith.mulf %parallel_loop3A_458, %parallel_loop3A_460 : vector<16xf32>
        %parallel_loop3A_462 = arith.index_cast %parallel_loop3A_418 : i32 to index
        %parallel_loop3A_463 = arith.constant 48 : index
        %parallel_loop3A_464 = tpu.vector_load %arg10[%parallel_loop3A_462, %parallel_loop3A_463] {strides = array<i32>} : memref<128x64xf32, #tpu.memory_space<vmem>>, vector<1x16xf32>,
        %parallel_loop3A_465 = vector.shape_cast %parallel_loop3A_464 : vector<1x16xf32> to vector<16xf32>
        %parallel_loop3A_466 = vector.shape_cast %parallel_loop3A_461 : vector<16xf32> to vector<1x16xf32>
        tpu.vector_store %arg10[%parallel_loop3A_462, %parallel_loop3A_463], %parallel_loop3A_466 {strides = array<i32>} : memref<128x64xf32, #tpu.memory_space<vmem>>, vector<1x16xf32>,
      } {sc.loop_unroll_factor = 2 : i64, sc.parallel_access}
      %mul3A_333 = arith.constant 128 : i32
      %mul3A_334 = arith.muli %add3A_314, %mul3A_333 : i32
      %add3A_335 = arith.addi %mul3A_2, %mul3A_334 : i32
      %dma_start3A_336 = arith.constant 0 : i32
      %dma_start3A_337 = tpu.memref_slice %arg4[%add3A_335, %dma_start3A_336] : memref<819200x64xf32, #tpu.memory_space<hbm>> -> memref<128x64xf32, #tpu.memory_space<hbm>>
      %dma_start3A_338 = arith.constant 0 : i32
      %dma_start3A_339 = tpu.memref_slice %arg4[%add3A_335, %dma_start3A_338] : memref<819200x64xf32, #tpu.memory_space<hbm>> -> memref<128x64xf32, #tpu.memory_space<hbm>>
      tpu.enqueue_dma source(%arg10 : memref<128x64xf32, #tpu.memory_space<vmem>>) target(%dma_start3A_339 : memref<128x64xf32, #tpu.memory_space<hbm>>) target_semaphore(%arg15 : memref<!tpu.dma_semaphore, #tpu.memory_space<semaphore_mem>>)
      %add3A_340 = arith.constant 2 : i32
      %add3A_341 = arith.addi %add3A_314, %add3A_340 : i32
      %mul3A_342 = arith.constant 128 : i32
      %mul3A_343 = arith.muli %add3A_341, %mul3A_342 : i32
      %dma_start3A_344 = tpu.memref_slice %arg5[%mul3A_343] : memref<25600xi32, #tpu.memory_space<vmem>> -> memref<128xi32, #tpu.memory_space<vmem>>
      %dma_start3A_345 = arith.constant 0 : i32
      %dma_start3A_346 = arith.constant 0 : i32
      %dma_start3A_347 = tpu.memref_slice %arg2[%dma_start3A_345, %dma_start3A_346] : memref<1000000x128xf32, #tpu.memory_space<hbm>> -> memref<1000000x128xf32, #tpu.memory_space<hbm>>
      tpu.enqueue_indirect_dma source(%dma_start3A_347 : memref<1000000x128xf32, #tpu.memory_space<hbm>>) target(%arg7 : memref<128x128xf32, #tpu.memory_space<vmem>>) offsets(%dma_start3A_344 : memref<128xi32, #tpu.memory_space<vmem>>) semaphore(%arg12 : memref<!tpu.dma_semaphore, #tpu.memory_space<semaphore_mem>>)
      %add3A_348 = arith.constant 4 : i32
      %add3A_349 = arith.addi %add3A_208, %add3A_348 : i32
      %mul3A_350 = arith.constant 128 : i32
      %mul3A_351 = arith.muli %add3A_349, %mul3A_350 : i32
      %dma_wait3A_352 = tpu.memref_slice %arg5[%mul3A_351] : memref<25600xi32, #tpu.memory_space<vmem>> -> memref<128xi32, #tpu.memory_space<vmem>>
      %dma_wait3A_353 = arith.constant 0 : i32
      %dma_wait3A_354 = arith.constant 0 : i32
      %dma_wait3A_355 = tpu.memref_slice %arg2[%dma_wait3A_353, %dma_wait3A_354] : memref<1000000x128xf32, #tpu.memory_space<hbm>> -> memref<1000000x128xf32, #tpu.memory_space<hbm>>
      tpu.wait_indirect_dma semaphore(%arg11 : memref<!tpu.dma_semaphore, #tpu.memory_space<semaphore_mem>>) src(%dma_wait3A_355 : memref<1000000x128xf32, #tpu.memory_space<hbm>>) dst(%arg6 : memref<128x128xf32, #tpu.memory_space<vmem>>)
      %sub3A_356 = arith.constant 2 : i32
      %sub3A_357 = arith.subi %add3A_349, %sub3A_356 : i32
      %mul3A_358 = arith.constant 128 : i32
      %mul3A_359 = arith.muli %sub3A_357, %mul3A_358 : i32
      %add3A_360 = arith.addi %mul3A_2, %mul3A_359 : i32
      %dma_wait3A_361 = arith.constant 0 : i32
      %dma_wait3A_362 = tpu.memref_slice %arg4[%add3A_360, %dma_wait3A_361] : memref<819200x64xf32, #tpu.memory_space<hbm>> -> memref<128x64xf32, #tpu.memory_space<hbm>>
      %dma_wait3A_363 = arith.constant 0 : i32
      %dma_wait3A_364 = tpu.memref_slice %arg4[%add3A_360, %dma_wait3A_363] : memref<819200x64xf32, #tpu.memory_space<hbm>> -> memref<128x64xf32, #tpu.memory_space<hbm>>
      tpu.wait_dma2 semaphore(%arg14 : memref<!tpu.dma_semaphore, #tpu.memory_space<semaphore_mem>>) src(%arg9 : memref<128x64xf32, #tpu.memory_space<vmem>>) dst(%dma_wait3A_364 : memref<128x64xf32, #tpu.memory_space<hbm>>)
      %parallel_loop3A_365 = arith.constant 0 : i32
      %parallel_loop3A_366 = arith.constant 128 : i32
      %parallel_loop3A_367 = arith.constant 1 : i32
      scf.for %parallel_loop3A_418 = %parallel_loop3A_365 to %parallel_loop3A_366 step %parallel_loop3A_367  : i32 {
        %parallel_loop3A_419 = arith.index_cast %parallel_loop3A_418 : i32 to index
        %parallel_loop3A_420 = arith.constant 0 : index
        %parallel_loop3A_421 = tpu.vector_load %arg6[%parallel_loop3A_419, %parallel_loop3A_420] {strides = array<i32>} : memref<128x128xf32, #tpu.memory_space<vmem>>, vector<1x16xf32>,
        %parallel_loop3A_422 = vector.shape_cast %parallel_loop3A_421 : vector<1x16xf32> to vector<16xf32>
        %parallel_loop3A_423 = arith.constant 8.000000e+00 : f32
        %parallel_loop3A_424 = vector.broadcast %parallel_loop3A_423 : f32 to vector<16xf32>
        %parallel_loop3A_425 = arith.mulf %parallel_loop3A_422, %parallel_loop3A_424 : vector<16xf32>
        %parallel_loop3A_426 = arith.index_cast %parallel_loop3A_418 : i32 to index
        %parallel_loop3A_427 = arith.constant 0 : index
        %parallel_loop3A_428 = tpu.vector_load %arg9[%parallel_loop3A_426, %parallel_loop3A_427] {strides = array<i32>} : memref<128x64xf32, #tpu.memory_space<vmem>>, vector<1x16xf32>,
        %parallel_loop3A_429 = vector.shape_cast %parallel_loop3A_428 : vector<1x16xf32> to vector<16xf32>
        %parallel_loop3A_430 = vector.shape_cast %parallel_loop3A_425 : vector<16xf32> to vector<1x16xf32>
        tpu.vector_store %arg9[%parallel_loop3A_426, %parallel_loop3A_427], %parallel_loop3A_430 {strides = array<i32>} : memref<128x64xf32, #tpu.memory_space<vmem>>, vector<1x16xf32>,
        %parallel_loop3A_431 = arith.index_cast %parallel_loop3A_418 : i32 to index
        %parallel_loop3A_432 = arith.constant 16 : index
        %parallel_loop3A_433 = tpu.vector_load %arg6[%parallel_loop3A_431, %parallel_loop3A_432] {strides = array<i32>} : memref<128x128xf32, #tpu.memory_space<vmem>>, vector<1x16xf32>,
        %parallel_loop3A_434 = vector.shape_cast %parallel_loop3A_433 : vector<1x16xf32> to vector<16xf32>
        %parallel_loop3A_435 = arith.constant 8.000000e+00 : f32
        %parallel_loop3A_436 = vector.broadcast %parallel_loop3A_435 : f32 to vector<16xf32>
        %parallel_loop3A_437 = arith.mulf %parallel_loop3A_434, %parallel_loop3A_436 : vector<16xf32>
        %parallel_loop3A_438 = arith.index_cast %parallel_loop3A_418 : i32 to index
        %parallel_loop3A_439 = arith.constant 16 : index
        %parallel_loop3A_440 = tpu.vector_load %arg9[%parallel_loop3A_438, %parallel_loop3A_439] {strides = array<i32>} : memref<128x64xf32, #tpu.memory_space<vmem>>, vector<1x16xf32>,
        %parallel_loop3A_441 = vector.shape_cast %parallel_loop3A_440 : vector<1x16xf32> to vector<16xf32>
        %parallel_loop3A_442 = vector.shape_cast %parallel_loop3A_437 : vector<16xf32> to vector<1x16xf32>
        tpu.vector_store %arg9[%parallel_loop3A_438, %parallel_loop3A_439], %parallel_loop3A_442 {strides = array<i32>} : memref<128x64xf32, #tpu.memory_space<vmem>>, vector<1x16xf32>,
        %parallel_loop3A_443 = arith.index_cast %parallel_loop3A_418 : i32 to index
        %parallel_loop3A_444 = arith.constant 32 : index
        %parallel_loop3A_445 = tpu.vector_load %arg6[%parallel_loop3A_443, %parallel_loop3A_444] {strides = array<i32>} : memref<128x128xf32, #tpu.memory_space<vmem>>, vector<1x16xf32>,
        %parallel_loop3A_446 = vector.shape_cast %parallel_loop3A_445 : vector<1x16xf32> to vector<16xf32>
        %parallel_loop3A_447 = arith.constant 8.000000e+00 : f32
        %parallel_loop3A_448 = vector.broadcast %parallel_loop3A_447 : f32 to vector<16xf32>
        %parallel_loop3A_449 = arith.mulf %parallel_loop3A_446, %parallel_loop3A_448 : vector<16xf32>
        %parallel_loop3A_450 = arith.index_cast %parallel_loop3A_418 : i32 to index
        %parallel_loop3A_451 = arith.constant 32 : index
        %parallel_loop3A_452 = tpu.vector_load %arg9[%parallel_loop3A_450, %parallel_loop3A_451] {strides = array<i32>} : memref<128x64xf32, #tpu.memory_space<vmem>>, vector<1x16xf32>,
        %parallel_loop3A_453 = vector.shape_cast %parallel_loop3A_452 : vector<1x16xf32> to vector<16xf32>
        %parallel_loop3A_454 = vector.shape_cast %parallel_loop3A_449 : vector<16xf32> to vector<1x16xf32>
        tpu.vector_store %arg9[%parallel_loop3A_450, %parallel_loop3A_451], %parallel_loop3A_454 {strides = array<i32>} : memref<128x64xf32, #tpu.memory_space<vmem>>, vector<1x16xf32>,
        %parallel_loop3A_455 = arith.index_cast %parallel_loop3A_418 : i32 to index
        %parallel_loop3A_456 = arith.constant 48 : index
        %parallel_loop3A_457 = tpu.vector_load %arg6[%parallel_loop3A_455, %parallel_loop3A_456] {strides = array<i32>} : memref<128x128xf32, #tpu.memory_space<vmem>>, vector<1x16xf32>,
        %parallel_loop3A_458 = vector.shape_cast %parallel_loop3A_457 : vector<1x16xf32> to vector<16xf32>
        %parallel_loop3A_459 = arith.constant 8.000000e+00 : f32
        %parallel_loop3A_460 = vector.broadcast %parallel_loop3A_459 : f32 to vector<16xf32>
        %parallel_loop3A_461 = arith.mulf %parallel_loop3A_458, %parallel_loop3A_460 : vector<16xf32>
        %parallel_loop3A_462 = arith.index_cast %parallel_loop3A_418 : i32 to index
        %parallel_loop3A_463 = arith.constant 48 : index
        %parallel_loop3A_464 = tpu.vector_load %arg9[%parallel_loop3A_462, %parallel_loop3A_463] {strides = array<i32>} : memref<128x64xf32, #tpu.memory_space<vmem>>, vector<1x16xf32>,
        %parallel_loop3A_465 = vector.shape_cast %parallel_loop3A_464 : vector<1x16xf32> to vector<16xf32>
        %parallel_loop3A_466 = vector.shape_cast %parallel_loop3A_461 : vector<16xf32> to vector<1x16xf32>
        tpu.vector_store %arg9[%parallel_loop3A_462, %parallel_loop3A_463], %parallel_loop3A_466 {strides = array<i32>} : memref<128x64xf32, #tpu.memory_space<vmem>>, vector<1x16xf32>,
      } {sc.loop_unroll_factor = 2 : i64, sc.parallel_access}
      %mul3A_368 = arith.constant 128 : i32
      %mul3A_369 = arith.muli %add3A_349, %mul3A_368 : i32
      %add3A_370 = arith.addi %mul3A_2, %mul3A_369 : i32
      %dma_start3A_371 = arith.constant 0 : i32
      %dma_start3A_372 = tpu.memref_slice %arg4[%add3A_370, %dma_start3A_371] : memref<819200x64xf32, #tpu.memory_space<hbm>> -> memref<128x64xf32, #tpu.memory_space<hbm>>
      %dma_start3A_373 = arith.constant 0 : i32
      %dma_start3A_374 = tpu.memref_slice %arg4[%add3A_370, %dma_start3A_373] : memref<819200x64xf32, #tpu.memory_space<hbm>> -> memref<128x64xf32, #tpu.memory_space<hbm>>
      tpu.enqueue_dma source(%arg9 : memref<128x64xf32, #tpu.memory_space<vmem>>) target(%dma_start3A_374 : memref<128x64xf32, #tpu.memory_space<hbm>>) target_semaphore(%arg14 : memref<!tpu.dma_semaphore, #tpu.memory_space<semaphore_mem>>)
      %add3A_375 = arith.constant 2 : i32
      %add3A_376 = arith.addi %add3A_349, %add3A_375 : i32
      %mul3A_377 = arith.constant 128 : i32
      %mul3A_378 = arith.muli %add3A_376, %mul3A_377 : i32
      %dma_start3A_379 = tpu.memref_slice %arg5[%mul3A_378] : memref<25600xi32, #tpu.memory_space<vmem>> -> memref<128xi32, #tpu.memory_space<vmem>>
      %dma_start3A_380 = arith.constant 0 : i32
      %dma_start3A_381 = arith.constant 0 : i32
      %dma_start3A_382 = tpu.memref_slice %arg2[%dma_start3A_380, %dma_start3A_381] : memref<1000000x128xf32, #tpu.memory_space<hbm>> -> memref<1000000x128xf32, #tpu.memory_space<hbm>>
      tpu.enqueue_indirect_dma source(%dma_start3A_382 : memref<1000000x128xf32, #tpu.memory_space<hbm>>) target(%arg8 : memref<128x128xf32, #tpu.memory_space<vmem>>) offsets(%dma_start3A_379 : memref<128xi32, #tpu.memory_space<vmem>>) semaphore(%arg13 : memref<!tpu.dma_semaphore, #tpu.memory_space<semaphore_mem>>)
      %add3A_383 = arith.constant 5 : i32
      %add3A_384 = arith.addi %add3A_208, %add3A_383 : i32
      %mul3A_385 = arith.constant 128 : i32
      %mul3A_386 = arith.muli %add3A_384, %mul3A_385 : i32
      %dma_wait3A_387 = tpu.memref_slice %arg5[%mul3A_386] : memref<25600xi32, #tpu.memory_space<vmem>> -> memref<128xi32, #tpu.memory_space<vmem>>
      %dma_wait3A_388 = arith.constant 0 : i32
      %dma_wait3A_389 = arith.constant 0 : i32
      %dma_wait3A_390 = tpu.memref_slice %arg2[%dma_wait3A_388, %dma_wait3A_389] : memref<1000000x128xf32, #tpu.memory_space<hbm>> -> memref<1000000x128xf32, #tpu.memory_space<hbm>>
      tpu.wait_indirect_dma semaphore(%arg12 : memref<!tpu.dma_semaphore, #tpu.memory_space<semaphore_mem>>) src(%dma_wait3A_390 : memref<1000000x128xf32, #tpu.memory_space<hbm>>) dst(%arg7 : memref<128x128xf32, #tpu.memory_space<vmem>>)
      %sub3A_391 = arith.constant 2 : i32
      %sub3A_392 = arith.subi %add3A_384, %sub3A_391 : i32
      %mul3A_393 = arith.constant 128 : i32
      %mul3A_394 = arith.muli %sub3A_392, %mul3A_393 : i32
      %add3A_395 = arith.addi %mul3A_2, %mul3A_394 : i32
      %dma_wait3A_396 = arith.constant 0 : i32
      %dma_wait3A_397 = tpu.memref_slice %arg4[%add3A_395, %dma_wait3A_396] : memref<819200x64xf32, #tpu.memory_space<hbm>> -> memref<128x64xf32, #tpu.memory_space<hbm>>
      %dma_wait3A_398 = arith.constant 0 : i32
      %dma_wait3A_399 = tpu.memref_slice %arg4[%add3A_395, %dma_wait3A_398] : memref<819200x64xf32, #tpu.memory_space<hbm>> -> memref<128x64xf32, #tpu.memory_space<hbm>>
      tpu.wait_dma2 semaphore(%arg15 : memref<!tpu.dma_semaphore, #tpu.memory_space<semaphore_mem>>) src(%arg10 : memref<128x64xf32, #tpu.memory_space<vmem>>) dst(%dma_wait3A_399 : memref<128x64xf32, #tpu.memory_space<hbm>>)
      %parallel_loop3A_400 = arith.constant 0 : i32
      %parallel_loop3A_401 = arith.constant 128 : i32
      %parallel_loop3A_402 = arith.constant 1 : i32
      scf.for %parallel_loop3A_418 = %parallel_loop3A_400 to %parallel_loop3A_401 step %parallel_loop3A_402  : i32 {
        %parallel_loop3A_419 = arith.index_cast %parallel_loop3A_418 : i32 to index
        %parallel_loop3A_420 = arith.constant 0 : index
        %parallel_loop3A_421 = tpu.vector_load %arg7[%parallel_loop3A_419, %parallel_loop3A_420] {strides = array<i32>} : memref<128x128xf32, #tpu.memory_space<vmem>>, vector<1x16xf32>,
        %parallel_loop3A_422 = vector.shape_cast %parallel_loop3A_421 : vector<1x16xf32> to vector<16xf32>
        %parallel_loop3A_423 = arith.constant 8.000000e+00 : f32
        %parallel_loop3A_424 = vector.broadcast %parallel_loop3A_423 : f32 to vector<16xf32>
        %parallel_loop3A_425 = arith.mulf %parallel_loop3A_422, %parallel_loop3A_424 : vector<16xf32>
        %parallel_loop3A_426 = arith.index_cast %parallel_loop3A_418 : i32 to index
        %parallel_loop3A_427 = arith.constant 0 : index
        %parallel_loop3A_428 = tpu.vector_load %arg10[%parallel_loop3A_426, %parallel_loop3A_427] {strides = array<i32>} : memref<128x64xf32, #tpu.memory_space<vmem>>, vector<1x16xf32>,
        %parallel_loop3A_429 = vector.shape_cast %parallel_loop3A_428 : vector<1x16xf32> to vector<16xf32>
        %parallel_loop3A_430 = vector.shape_cast %parallel_loop3A_425 : vector<16xf32> to vector<1x16xf32>
        tpu.vector_store %arg10[%parallel_loop3A_426, %parallel_loop3A_427], %parallel_loop3A_430 {strides = array<i32>} : memref<128x64xf32, #tpu.memory_space<vmem>>, vector<1x16xf32>,
        %parallel_loop3A_431 = arith.index_cast %parallel_loop3A_418 : i32 to index
        %parallel_loop3A_432 = arith.constant 16 : index
        %parallel_loop3A_433 = tpu.vector_load %arg7[%parallel_loop3A_431, %parallel_loop3A_432] {strides = array<i32>} : memref<128x128xf32, #tpu.memory_space<vmem>>, vector<1x16xf32>,
        %parallel_loop3A_434 = vector.shape_cast %parallel_loop3A_433 : vector<1x16xf32> to vector<16xf32>
        %parallel_loop3A_435 = arith.constant 8.000000e+00 : f32
        %parallel_loop3A_436 = vector.broadcast %parallel_loop3A_435 : f32 to vector<16xf32>
        %parallel_loop3A_437 = arith.mulf %parallel_loop3A_434, %parallel_loop3A_436 : vector<16xf32>
        %parallel_loop3A_438 = arith.index_cast %parallel_loop3A_418 : i32 to index
        %parallel_loop3A_439 = arith.constant 16 : index
        %parallel_loop3A_440 = tpu.vector_load %arg10[%parallel_loop3A_438, %parallel_loop3A_439] {strides = array<i32>} : memref<128x64xf32, #tpu.memory_space<vmem>>, vector<1x16xf32>,
        %parallel_loop3A_441 = vector.shape_cast %parallel_loop3A_440 : vector<1x16xf32> to vector<16xf32>
        %parallel_loop3A_442 = vector.shape_cast %parallel_loop3A_437 : vector<16xf32> to vector<1x16xf32>
        tpu.vector_store %arg10[%parallel_loop3A_438, %parallel_loop3A_439], %parallel_loop3A_442 {strides = array<i32>} : memref<128x64xf32, #tpu.memory_space<vmem>>, vector<1x16xf32>,
        %parallel_loop3A_443 = arith.index_cast %parallel_loop3A_418 : i32 to index
        %parallel_loop3A_444 = arith.constant 32 : index
        %parallel_loop3A_445 = tpu.vector_load %arg7[%parallel_loop3A_443, %parallel_loop3A_444] {strides = array<i32>} : memref<128x128xf32, #tpu.memory_space<vmem>>, vector<1x16xf32>,
        %parallel_loop3A_446 = vector.shape_cast %parallel_loop3A_445 : vector<1x16xf32> to vector<16xf32>
        %parallel_loop3A_447 = arith.constant 8.000000e+00 : f32
        %parallel_loop3A_448 = vector.broadcast %parallel_loop3A_447 : f32 to vector<16xf32>
        %parallel_loop3A_449 = arith.mulf %parallel_loop3A_446, %parallel_loop3A_448 : vector<16xf32>
        %parallel_loop3A_450 = arith.index_cast %parallel_loop3A_418 : i32 to index
        %parallel_loop3A_451 = arith.constant 32 : index
        %parallel_loop3A_452 = tpu.vector_load %arg10[%parallel_loop3A_450, %parallel_loop3A_451] {strides = array<i32>} : memref<128x64xf32, #tpu.memory_space<vmem>>, vector<1x16xf32>,
        %parallel_loop3A_453 = vector.shape_cast %parallel_loop3A_452 : vector<1x16xf32> to vector<16xf32>
        %parallel_loop3A_454 = vector.shape_cast %parallel_loop3A_449 : vector<16xf32> to vector<1x16xf32>
        tpu.vector_store %arg10[%parallel_loop3A_450, %parallel_loop3A_451], %parallel_loop3A_454 {strides = array<i32>} : memref<128x64xf32, #tpu.memory_space<vmem>>, vector<1x16xf32>,
        %parallel_loop3A_455 = arith.index_cast %parallel_loop3A_418 : i32 to index
        %parallel_loop3A_456 = arith.constant 48 : index
        %parallel_loop3A_457 = tpu.vector_load %arg7[%parallel_loop3A_455, %parallel_loop3A_456] {strides = array<i32>} : memref<128x128xf32, #tpu.memory_space<vmem>>, vector<1x16xf32>,
        %parallel_loop3A_458 = vector.shape_cast %parallel_loop3A_457 : vector<1x16xf32> to vector<16xf32>
        %parallel_loop3A_459 = arith.constant 8.000000e+00 : f32
        %parallel_loop3A_460 = vector.broadcast %parallel_loop3A_459 : f32 to vector<16xf32>
        %parallel_loop3A_461 = arith.mulf %parallel_loop3A_458, %parallel_loop3A_460 : vector<16xf32>
        %parallel_loop3A_462 = arith.index_cast %parallel_loop3A_418 : i32 to index
        %parallel_loop3A_463 = arith.constant 48 : index
        %parallel_loop3A_464 = tpu.vector_load %arg10[%parallel_loop3A_462, %parallel_loop3A_463] {strides = array<i32>} : memref<128x64xf32, #tpu.memory_space<vmem>>, vector<1x16xf32>,
        %parallel_loop3A_465 = vector.shape_cast %parallel_loop3A_464 : vector<1x16xf32> to vector<16xf32>
        %parallel_loop3A_466 = vector.shape_cast %parallel_loop3A_461 : vector<16xf32> to vector<1x16xf32>
        tpu.vector_store %arg10[%parallel_loop3A_462, %parallel_loop3A_463], %parallel_loop3A_466 {strides = array<i32>} : memref<128x64xf32, #tpu.memory_space<vmem>>, vector<1x16xf32>,
      } {sc.loop_unroll_factor = 2 : i64, sc.parallel_access}
      %mul3A_403 = arith.constant 128 : i32
      %mul3A_404 = arith.muli %add3A_384, %mul3A_403 : i32
      %add3A_405 = arith.addi %mul3A_2, %mul3A_404 : i32
      %dma_start3A_406 = arith.constant 0 : i32
      %dma_start3A_407 = tpu.memref_slice %arg4[%add3A_405, %dma_start3A_406] : memref<819200x64xf32, #tpu.memory_space<hbm>> -> memref<128x64xf32, #tpu.memory_space<hbm>>
      %dma_start3A_408 = arith.constant 0 : i32
      %dma_start3A_409 = tpu.memref_slice %arg4[%add3A_405, %dma_start3A_408] : memref<819200x64xf32, #tpu.memory_space<hbm>> -> memref<128x64xf32, #tpu.memory_space<hbm>>
      tpu.enqueue_dma source(%arg10 : memref<128x64xf32, #tpu.memory_space<vmem>>) target(%dma_start3A_409 : memref<128x64xf32, #tpu.memory_space<hbm>>) target_semaphore(%arg15 : memref<!tpu.dma_semaphore, #tpu.memory_space<semaphore_mem>>)
      %add3A_410 = arith.constant 2 : i32
      %add3A_411 = arith.addi %add3A_384, %add3A_410 : i32
      %mul3A_412 = arith.constant 128 : i32
      %mul3A_413 = arith.muli %add3A_411, %mul3A_412 : i32
      %dma_start3A_414 = tpu.memref_slice %arg5[%mul3A_413] : memref<25600xi32, #tpu.memory_space<vmem>> -> memref<128xi32, #tpu.memory_space<vmem>>
      %dma_start3A_415 = arith.constant 0 : i32
      %dma_start3A_416 = arith.constant 0 : i32
      %dma_start3A_417 = tpu.memref_slice %arg2[%dma_start3A_415, %dma_start3A_416] : memref<1000000x128xf32, #tpu.memory_space<hbm>> -> memref<1000000x128xf32, #tpu.memory_space<hbm>>
      tpu.enqueue_indirect_dma source(%dma_start3A_417 : memref<1000000x128xf32, #tpu.memory_space<hbm>>) target(%arg6 : memref<128x128xf32, #tpu.memory_space<vmem>>) offsets(%dma_start3A_414 : memref<128xi32, #tpu.memory_space<vmem>>) semaphore(%arg11 : memref<!tpu.dma_semaphore, #tpu.memory_space<semaphore_mem>>)
    }
    %scan3A_51 = arith.constant 32 : i32
    %dma_wait3A_52 = arith.constant 24832 : i32
    %dma_wait3A_53 = tpu.memref_slice %arg5[%dma_wait3A_52] : memref<25600xi32, #tpu.memory_space<vmem>> -> memref<128xi32, #tpu.memory_space<vmem>>
    %dma_wait3A_54 = arith.constant 0 : i32
    %dma_wait3A_55 = arith.constant 0 : i32
    %dma_wait3A_56 = tpu.memref_slice %arg2[%dma_wait3A_54, %dma_wait3A_55] : memref<1000000x128xf32, #tpu.memory_space<hbm>> -> memref<1000000x128xf32, #tpu.memory_space<hbm>>
    tpu.wait_indirect_dma semaphore(%arg13 : memref<!tpu.dma_semaphore, #tpu.memory_space<semaphore_mem>>) src(%dma_wait3A_56 : memref<1000000x128xf32, #tpu.memory_space<hbm>>) dst(%arg8 : memref<128x128xf32, #tpu.memory_space<vmem>>)
    %add3A_57 = arith.constant 24576 : i32
    %add3A_58 = arith.addi %mul3A_2, %add3A_57 : i32
    %dma_wait3A_59 = arith.constant 0 : i32
    %dma_wait3A_60 = tpu.memref_slice %arg4[%add3A_58, %dma_wait3A_59] : memref<819200x64xf32, #tpu.memory_space<hbm>> -> memref<128x64xf32, #tpu.memory_space<hbm>>
    %dma_wait3A_61 = arith.constant 0 : i32
    %dma_wait3A_62 = tpu.memref_slice %arg4[%add3A_58, %dma_wait3A_61] : memref<819200x64xf32, #tpu.memory_space<hbm>> -> memref<128x64xf32, #tpu.memory_space<hbm>>
    tpu.wait_dma2 semaphore(%arg14 : memref<!tpu.dma_semaphore, #tpu.memory_space<semaphore_mem>>) src(%arg9 : memref<128x64xf32, #tpu.memory_space<vmem>>) dst(%dma_wait3A_62 : memref<128x64xf32, #tpu.memory_space<hbm>>)
    %parallel_loop3A_63 = arith.constant 0 : i32
    %parallel_loop3A_64 = arith.constant 128 : i32
    %parallel_loop3A_65 = arith.constant 1 : i32
    scf.for %parallel_loop3A_204 = %parallel_loop3A_63 to %parallel_loop3A_64 step %parallel_loop3A_65  : i32 {
      %parallel_loop3A_205 = arith.index_cast %parallel_loop3A_204 : i32 to index
      %parallel_loop3A_206 = arith.constant 0 : index
      %parallel_loop3A_207 = tpu.vector_load %arg8[%parallel_loop3A_205, %parallel_loop3A_206] {strides = array<i32>} : memref<128x128xf32, #tpu.memory_space<vmem>>, vector<1x16xf32>,
      %parallel_loop3A_208 = vector.shape_cast %parallel_loop3A_207 : vector<1x16xf32> to vector<16xf32>
      %parallel_loop3A_209 = arith.constant 8.000000e+00 : f32
      %parallel_loop3A_210 = vector.broadcast %parallel_loop3A_209 : f32 to vector<16xf32>
      %parallel_loop3A_211 = arith.mulf %parallel_loop3A_208, %parallel_loop3A_210 : vector<16xf32>
      %parallel_loop3A_212 = arith.index_cast %parallel_loop3A_204 : i32 to index
      %parallel_loop3A_213 = arith.constant 0 : index
      %parallel_loop3A_214 = tpu.vector_load %arg9[%parallel_loop3A_212, %parallel_loop3A_213] {strides = array<i32>} : memref<128x64xf32, #tpu.memory_space<vmem>>, vector<1x16xf32>,
      %parallel_loop3A_215 = vector.shape_cast %parallel_loop3A_214 : vector<1x16xf32> to vector<16xf32>
      %parallel_loop3A_216 = vector.shape_cast %parallel_loop3A_211 : vector<16xf32> to vector<1x16xf32>
      tpu.vector_store %arg9[%parallel_loop3A_212, %parallel_loop3A_213], %parallel_loop3A_216 {strides = array<i32>} : memref<128x64xf32, #tpu.memory_space<vmem>>, vector<1x16xf32>,
      %parallel_loop3A_217 = arith.index_cast %parallel_loop3A_204 : i32 to index
      %parallel_loop3A_218 = arith.constant 16 : index
      %parallel_loop3A_219 = tpu.vector_load %arg8[%parallel_loop3A_217, %parallel_loop3A_218] {strides = array<i32>} : memref<128x128xf32, #tpu.memory_space<vmem>>, vector<1x16xf32>,
      %parallel_loop3A_220 = vector.shape_cast %parallel_loop3A_219 : vector<1x16xf32> to vector<16xf32>
      %parallel_loop3A_221 = arith.constant 8.000000e+00 : f32
      %parallel_loop3A_222 = vector.broadcast %parallel_loop3A_221 : f32 to vector<16xf32>
      %parallel_loop3A_223 = arith.mulf %parallel_loop3A_220, %parallel_loop3A_222 : vector<16xf32>
      %parallel_loop3A_224 = arith.index_cast %parallel_loop3A_204 : i32 to index
      %parallel_loop3A_225 = arith.constant 16 : index
      %parallel_loop3A_226 = tpu.vector_load %arg9[%parallel_loop3A_224, %parallel_loop3A_225] {strides = array<i32>} : memref<128x64xf32, #tpu.memory_space<vmem>>, vector<1x16xf32>,
      %parallel_loop3A_227 = vector.shape_cast %parallel_loop3A_226 : vector<1x16xf32> to vector<16xf32>
      %parallel_loop3A_228 = vector.shape_cast %parallel_loop3A_223 : vector<16xf32> to vector<1x16xf32>
      tpu.vector_store %arg9[%parallel_loop3A_224, %parallel_loop3A_225], %parallel_loop3A_228 {strides = array<i32>} : memref<128x64xf32, #tpu.memory_space<vmem>>, vector<1x16xf32>,
      %parallel_loop3A_229 = arith.index_cast %parallel_loop3A_204 : i32 to index
      %parallel_loop3A_230 = arith.constant 32 : index
      %parallel_loop3A_231 = tpu.vector_load %arg8[%parallel_loop3A_229, %parallel_loop3A_230] {strides = array<i32>} : memref<128x128xf32, #tpu.memory_space<vmem>>, vector<1x16xf32>,
      %parallel_loop3A_232 = vector.shape_cast %parallel_loop3A_231 : vector<1x16xf32> to vector<16xf32>
      %parallel_loop3A_233 = arith.constant 8.000000e+00 : f32
      %parallel_loop3A_234 = vector.broadcast %parallel_loop3A_233 : f32 to vector<16xf32>
      %parallel_loop3A_235 = arith.mulf %parallel_loop3A_232, %parallel_loop3A_234 : vector<16xf32>
      %parallel_loop3A_236 = arith.index_cast %parallel_loop3A_204 : i32 to index
      %parallel_loop3A_237 = arith.constant 32 : index
      %parallel_loop3A_238 = tpu.vector_load %arg9[%parallel_loop3A_236, %parallel_loop3A_237] {strides = array<i32>} : memref<128x64xf32, #tpu.memory_space<vmem>>, vector<1x16xf32>,
      %parallel_loop3A_239 = vector.shape_cast %parallel_loop3A_238 : vector<1x16xf32> to vector<16xf32>
      %parallel_loop3A_240 = vector.shape_cast %parallel_loop3A_235 : vector<16xf32> to vector<1x16xf32>
      tpu.vector_store %arg9[%parallel_loop3A_236, %parallel_loop3A_237], %parallel_loop3A_240 {strides = array<i32>} : memref<128x64xf32, #tpu.memory_space<vmem>>, vector<1x16xf32>,
      %parallel_loop3A_241 = arith.index_cast %parallel_loop3A_204 : i32 to index
      %parallel_loop3A_242 = arith.constant 48 : index
      %parallel_loop3A_243 = tpu.vector_load %arg8[%parallel_loop3A_241, %parallel_loop3A_242] {strides = array<i32>} : memref<128x128xf32, #tpu.memory_space<vmem>>, vector<1x16xf32>,
      %parallel_loop3A_244 = vector.shape_cast %parallel_loop3A_243 : vector<1x16xf32> to vector<16xf32>
      %parallel_loop3A_245 = arith.constant 8.000000e+00 : f32
      %parallel_loop3A_246 = vector.broadcast %parallel_loop3A_245 : f32 to vector<16xf32>
      %parallel_loop3A_247 = arith.mulf %parallel_loop3A_244, %parallel_loop3A_246 : vector<16xf32>
      %parallel_loop3A_248 = arith.index_cast %parallel_loop3A_204 : i32 to index
      %parallel_loop3A_249 = arith.constant 48 : index
      %parallel_loop3A_250 = tpu.vector_load %arg9[%parallel_loop3A_248, %parallel_loop3A_249] {strides = array<i32>} : memref<128x64xf32, #tpu.memory_space<vmem>>, vector<1x16xf32>,
      %parallel_loop3A_251 = vector.shape_cast %parallel_loop3A_250 : vector<1x16xf32> to vector<16xf32>
      %parallel_loop3A_252 = vector.shape_cast %parallel_loop3A_247 : vector<16xf32> to vector<1x16xf32>
      tpu.vector_store %arg9[%parallel_loop3A_248, %parallel_loop3A_249], %parallel_loop3A_252 {strides = array<i32>} : memref<128x64xf32, #tpu.memory_space<vmem>>, vector<1x16xf32>,
    } {sc.loop_unroll_factor = 2 : i64, sc.parallel_access}
    %add3A_66 = arith.constant 24832 : i32
    %add3A_67 = arith.addi %mul3A_2, %add3A_66 : i32
    %dma_start3A_68 = arith.constant 0 : i32
    %dma_start3A_69 = tpu.memref_slice %arg4[%add3A_67, %dma_start3A_68] : memref<819200x64xf32, #tpu.memory_space<hbm>> -> memref<128x64xf32, #tpu.memory_space<hbm>>
    %dma_start3A_70 = arith.constant 0 : i32
    %dma_start3A_71 = tpu.memref_slice %arg4[%add3A_67, %dma_start3A_70] : memref<819200x64xf32, #tpu.memory_space<hbm>> -> memref<128x64xf32, #tpu.memory_space<hbm>>
    tpu.enqueue_dma source(%arg9 : memref<128x64xf32, #tpu.memory_space<vmem>>) target(%dma_start3A_71 : memref<128x64xf32, #tpu.memory_space<hbm>>) target_semaphore(%arg14 : memref<!tpu.dma_semaphore, #tpu.memory_space<semaphore_mem>>)
    %dma_start3A_72 = arith.constant 25088 : i32
    %dma_start3A_73 = tpu.memref_slice %arg5[%dma_start3A_72] : memref<25600xi32, #tpu.memory_space<vmem>> -> memref<128xi32, #tpu.memory_space<vmem>>
    %dma_start3A_74 = arith.constant 0 : i32
    %dma_start3A_75 = arith.constant 0 : i32
    %dma_start3A_76 = tpu.memref_slice %arg2[%dma_start3A_74, %dma_start3A_75] : memref<1000000x128xf32, #tpu.memory_space<hbm>> -> memref<1000000x128xf32, #tpu.memory_space<hbm>>
    tpu.enqueue_indirect_dma source(%dma_start3A_76 : memref<1000000x128xf32, #tpu.memory_space<hbm>>) target(%arg7 : memref<128x128xf32, #tpu.memory_space<vmem>>) offsets(%dma_start3A_73 : memref<128xi32, #tpu.memory_space<vmem>>) semaphore(%arg12 : memref<!tpu.dma_semaphore, #tpu.memory_space<semaphore_mem>>)
    %dma_wait3A_77 = arith.constant 24960 : i32
    %dma_wait3A_78 = tpu.memref_slice %arg5[%dma_wait3A_77] : memref<25600xi32, #tpu.memory_space<vmem>> -> memref<128xi32, #tpu.memory_space<vmem>>
    %dma_wait3A_79 = arith.constant 0 : i32
    %dma_wait3A_80 = arith.constant 0 : i32
    %dma_wait3A_81 = tpu.memref_slice %arg2[%dma_wait3A_79, %dma_wait3A_80] : memref<1000000x128xf32, #tpu.memory_space<hbm>> -> memref<1000000x128xf32, #tpu.memory_space<hbm>>
    tpu.wait_indirect_dma semaphore(%arg11 : memref<!tpu.dma_semaphore, #tpu.memory_space<semaphore_mem>>) src(%dma_wait3A_81 : memref<1000000x128xf32, #tpu.memory_space<hbm>>) dst(%arg6 : memref<128x128xf32, #tpu.memory_space<vmem>>)
    %add3A_82 = arith.constant 24704 : i32
    %add3A_83 = arith.addi %mul3A_2, %add3A_82 : i32
    %dma_wait3A_84 = arith.constant 0 : i32
    %dma_wait3A_85 = tpu.memref_slice %arg4[%add3A_83, %dma_wait3A_84] : memref<819200x64xf32, #tpu.memory_space<hbm>> -> memref<128x64xf32, #tpu.memory_space<hbm>>
    %dma_wait3A_86 = arith.constant 0 : i32
    %dma_wait3A_87 = tpu.memref_slice %arg4[%add3A_83, %dma_wait3A_86] : memref<819200x64xf32, #tpu.memory_space<hbm>> -> memref<128x64xf32, #tpu.memory_space<hbm>>
    tpu.wait_dma2 semaphore(%arg15 : memref<!tpu.dma_semaphore, #tpu.memory_space<semaphore_mem>>) src(%arg10 : memref<128x64xf32, #tpu.memory_space<vmem>>) dst(%dma_wait3A_87 : memref<128x64xf32, #tpu.memory_space<hbm>>)
    %parallel_loop3A_88 = arith.constant 0 : i32
    %parallel_loop3A_89 = arith.constant 128 : i32
    %parallel_loop3A_90 = arith.constant 1 : i32
    scf.for %parallel_loop3A_204 = %parallel_loop3A_88 to %parallel_loop3A_89 step %parallel_loop3A_90  : i32 {
      %parallel_loop3A_205 = arith.index_cast %parallel_loop3A_204 : i32 to index
      %parallel_loop3A_206 = arith.constant 0 : index
      %parallel_loop3A_207 = tpu.vector_load %arg6[%parallel_loop3A_205, %parallel_loop3A_206] {strides = array<i32>} : memref<128x128xf32, #tpu.memory_space<vmem>>, vector<1x16xf32>,
      %parallel_loop3A_208 = vector.shape_cast %parallel_loop3A_207 : vector<1x16xf32> to vector<16xf32>
      %parallel_loop3A_209 = arith.constant 8.000000e+00 : f32
      %parallel_loop3A_210 = vector.broadcast %parallel_loop3A_209 : f32 to vector<16xf32>
      %parallel_loop3A_211 = arith.mulf %parallel_loop3A_208, %parallel_loop3A_210 : vector<16xf32>
      %parallel_loop3A_212 = arith.index_cast %parallel_loop3A_204 : i32 to index
      %parallel_loop3A_213 = arith.constant 0 : index
      %parallel_loop3A_214 = tpu.vector_load %arg10[%parallel_loop3A_212, %parallel_loop3A_213] {strides = array<i32>} : memref<128x64xf32, #tpu.memory_space<vmem>>, vector<1x16xf32>,
      %parallel_loop3A_215 = vector.shape_cast %parallel_loop3A_214 : vector<1x16xf32> to vector<16xf32>
      %parallel_loop3A_216 = vector.shape_cast %parallel_loop3A_211 : vector<16xf32> to vector<1x16xf32>
      tpu.vector_store %arg10[%parallel_loop3A_212, %parallel_loop3A_213], %parallel_loop3A_216 {strides = array<i32>} : memref<128x64xf32, #tpu.memory_space<vmem>>, vector<1x16xf32>,
      %parallel_loop3A_217 = arith.index_cast %parallel_loop3A_204 : i32 to index
      %parallel_loop3A_218 = arith.constant 16 : index
      %parallel_loop3A_219 = tpu.vector_load %arg6[%parallel_loop3A_217, %parallel_loop3A_218] {strides = array<i32>} : memref<128x128xf32, #tpu.memory_space<vmem>>, vector<1x16xf32>,
      %parallel_loop3A_220 = vector.shape_cast %parallel_loop3A_219 : vector<1x16xf32> to vector<16xf32>
      %parallel_loop3A_221 = arith.constant 8.000000e+00 : f32
      %parallel_loop3A_222 = vector.broadcast %parallel_loop3A_221 : f32 to vector<16xf32>
      %parallel_loop3A_223 = arith.mulf %parallel_loop3A_220, %parallel_loop3A_222 : vector<16xf32>
      %parallel_loop3A_224 = arith.index_cast %parallel_loop3A_204 : i32 to index
      %parallel_loop3A_225 = arith.constant 16 : index
      %parallel_loop3A_226 = tpu.vector_load %arg10[%parallel_loop3A_224, %parallel_loop3A_225] {strides = array<i32>} : memref<128x64xf32, #tpu.memory_space<vmem>>, vector<1x16xf32>,
      %parallel_loop3A_227 = vector.shape_cast %parallel_loop3A_226 : vector<1x16xf32> to vector<16xf32>
      %parallel_loop3A_228 = vector.shape_cast %parallel_loop3A_223 : vector<16xf32> to vector<1x16xf32>
      tpu.vector_store %arg10[%parallel_loop3A_224, %parallel_loop3A_225], %parallel_loop3A_228 {strides = array<i32>} : memref<128x64xf32, #tpu.memory_space<vmem>>, vector<1x16xf32>,
      %parallel_loop3A_229 = arith.index_cast %parallel_loop3A_204 : i32 to index
      %parallel_loop3A_230 = arith.constant 32 : index
      %parallel_loop3A_231 = tpu.vector_load %arg6[%parallel_loop3A_229, %parallel_loop3A_230] {strides = array<i32>} : memref<128x128xf32, #tpu.memory_space<vmem>>, vector<1x16xf32>,
      %parallel_loop3A_232 = vector.shape_cast %parallel_loop3A_231 : vector<1x16xf32> to vector<16xf32>
      %parallel_loop3A_233 = arith.constant 8.000000e+00 : f32
      %parallel_loop3A_234 = vector.broadcast %parallel_loop3A_233 : f32 to vector<16xf32>
      %parallel_loop3A_235 = arith.mulf %parallel_loop3A_232, %parallel_loop3A_234 : vector<16xf32>
      %parallel_loop3A_236 = arith.index_cast %parallel_loop3A_204 : i32 to index
      %parallel_loop3A_237 = arith.constant 32 : index
      %parallel_loop3A_238 = tpu.vector_load %arg10[%parallel_loop3A_236, %parallel_loop3A_237] {strides = array<i32>} : memref<128x64xf32, #tpu.memory_space<vmem>>, vector<1x16xf32>,
      %parallel_loop3A_239 = vector.shape_cast %parallel_loop3A_238 : vector<1x16xf32> to vector<16xf32>
      %parallel_loop3A_240 = vector.shape_cast %parallel_loop3A_235 : vector<16xf32> to vector<1x16xf32>
      tpu.vector_store %arg10[%parallel_loop3A_236, %parallel_loop3A_237], %parallel_loop3A_240 {strides = array<i32>} : memref<128x64xf32, #tpu.memory_space<vmem>>, vector<1x16xf32>,
      %parallel_loop3A_241 = arith.index_cast %parallel_loop3A_204 : i32 to index
      %parallel_loop3A_242 = arith.constant 48 : index
      %parallel_loop3A_243 = tpu.vector_load %arg6[%parallel_loop3A_241, %parallel_loop3A_242] {strides = array<i32>} : memref<128x128xf32, #tpu.memory_space<vmem>>, vector<1x16xf32>,
      %parallel_loop3A_244 = vector.shape_cast %parallel_loop3A_243 : vector<1x16xf32> to vector<16xf32>
      %parallel_loop3A_245 = arith.constant 8.000000e+00 : f32
      %parallel_loop3A_246 = vector.broadcast %parallel_loop3A_245 : f32 to vector<16xf32>
      %parallel_loop3A_247 = arith.mulf %parallel_loop3A_244, %parallel_loop3A_246 : vector<16xf32>
      %parallel_loop3A_248 = arith.index_cast %parallel_loop3A_204 : i32 to index
      %parallel_loop3A_249 = arith.constant 48 : index
      %parallel_loop3A_250 = tpu.vector_load %arg10[%parallel_loop3A_248, %parallel_loop3A_249] {strides = array<i32>} : memref<128x64xf32, #tpu.memory_space<vmem>>, vector<1x16xf32>,
      %parallel_loop3A_251 = vector.shape_cast %parallel_loop3A_250 : vector<1x16xf32> to vector<16xf32>
      %parallel_loop3A_252 = vector.shape_cast %parallel_loop3A_247 : vector<16xf32> to vector<1x16xf32>
      tpu.vector_store %arg10[%parallel_loop3A_248, %parallel_loop3A_249], %parallel_loop3A_252 {strides = array<i32>} : memref<128x64xf32, #tpu.memory_space<vmem>>, vector<1x16xf32>,
    } {sc.loop_unroll_factor = 2 : i64, sc.parallel_access}
    %add3A_91 = arith.constant 24960 : i32
    %add3A_92 = arith.addi %mul3A_2, %add3A_91 : i32
    %dma_start3A_93 = arith.constant 0 : i32
    %dma_start3A_94 = tpu.memref_slice %arg4[%add3A_92, %dma_start3A_93] : memref<819200x64xf32, #tpu.memory_space<hbm>> -> memref<128x64xf32, #tpu.memory_space<hbm>>
    %dma_start3A_95 = arith.constant 0 : i32
    %dma_start3A_96 = tpu.memref_slice %arg4[%add3A_92, %dma_start3A_95] : memref<819200x64xf32, #tpu.memory_space<hbm>> -> memref<128x64xf32, #tpu.memory_space<hbm>>
    tpu.enqueue_dma source(%arg10 : memref<128x64xf32, #tpu.memory_space<vmem>>) target(%dma_start3A_96 : memref<128x64xf32, #tpu.memory_space<hbm>>) target_semaphore(%arg15 : memref<!tpu.dma_semaphore, #tpu.memory_space<semaphore_mem>>)
    %dma_start3A_97 = arith.constant 25216 : i32
    %dma_start3A_98 = tpu.memref_slice %arg5[%dma_start3A_97] : memref<25600xi32, #tpu.memory_space<vmem>> -> memref<128xi32, #tpu.memory_space<vmem>>
    %dma_start3A_99 = arith.constant 0 : i32
    %dma_start3A_100 = arith.constant 0 : i32
    %dma_start3A_101 = tpu.memref_slice %arg2[%dma_start3A_99, %dma_start3A_100] : memref<1000000x128xf32, #tpu.memory_space<hbm>> -> memref<1000000x128xf32, #tpu.memory_space<hbm>>
    tpu.enqueue_indirect_dma source(%dma_start3A_101 : memref<1000000x128xf32, #tpu.memory_space<hbm>>) target(%arg8 : memref<128x128xf32, #tpu.memory_space<vmem>>) offsets(%dma_start3A_98 : memref<128xi32, #tpu.memory_space<vmem>>) semaphore(%arg13 : memref<!tpu.dma_semaphore, #tpu.memory_space<semaphore_mem>>)
    %dma_wait3A_102 = arith.constant 25088 : i32
    %dma_wait3A_103 = tpu.memref_slice %arg5[%dma_wait3A_102] : memref<25600xi32, #tpu.memory_space<vmem>> -> memref<128xi32, #tpu.memory_space<vmem>>
    %dma_wait3A_104 = arith.constant 0 : i32
    %dma_wait3A_105 = arith.constant 0 : i32
    %dma_wait3A_106 = tpu.memref_slice %arg2[%dma_wait3A_104, %dma_wait3A_105] : memref<1000000x128xf32, #tpu.memory_space<hbm>> -> memref<1000000x128xf32, #tpu.memory_space<hbm>>
    tpu.wait_indirect_dma semaphore(%arg12 : memref<!tpu.dma_semaphore, #tpu.memory_space<semaphore_mem>>) src(%dma_wait3A_106 : memref<1000000x128xf32, #tpu.memory_space<hbm>>) dst(%arg7 : memref<128x128xf32, #tpu.memory_space<vmem>>)
    %add3A_107 = arith.constant 24832 : i32
    %add3A_108 = arith.addi %mul3A_2, %add3A_107 : i32
    %dma_wait3A_109 = arith.constant 0 : i32
    %dma_wait3A_110 = tpu.memref_slice %arg4[%add3A_108, %dma_wait3A_109] : memref<819200x64xf32, #tpu.memory_space<hbm>> -> memref<128x64xf32, #tpu.memory_space<hbm>>
    %dma_wait3A_111 = arith.constant 0 : i32
    %dma_wait3A_112 = tpu.memref_slice %arg4[%add3A_108, %dma_wait3A_111] : memref<819200x64xf32, #tpu.memory_space<hbm>> -> memref<128x64xf32, #tpu.memory_space<hbm>>
    tpu.wait_dma2 semaphore(%arg14 : memref<!tpu.dma_semaphore, #tpu.memory_space<semaphore_mem>>) src(%arg9 : memref<128x64xf32, #tpu.memory_space<vmem>>) dst(%dma_wait3A_112 : memref<128x64xf32, #tpu.memory_space<hbm>>)
    %parallel_loop3A_113 = arith.constant 0 : i32
    %parallel_loop3A_114 = arith.constant 128 : i32
    %parallel_loop3A_115 = arith.constant 1 : i32
    scf.for %parallel_loop3A_204 = %parallel_loop3A_113 to %parallel_loop3A_114 step %parallel_loop3A_115  : i32 {
      %parallel_loop3A_205 = arith.index_cast %parallel_loop3A_204 : i32 to index
      %parallel_loop3A_206 = arith.constant 0 : index
      %parallel_loop3A_207 = tpu.vector_load %arg7[%parallel_loop3A_205, %parallel_loop3A_206] {strides = array<i32>} : memref<128x128xf32, #tpu.memory_space<vmem>>, vector<1x16xf32>,
      %parallel_loop3A_208 = vector.shape_cast %parallel_loop3A_207 : vector<1x16xf32> to vector<16xf32>
      %parallel_loop3A_209 = arith.constant 8.000000e+00 : f32
      %parallel_loop3A_210 = vector.broadcast %parallel_loop3A_209 : f32 to vector<16xf32>
      %parallel_loop3A_211 = arith.mulf %parallel_loop3A_208, %parallel_loop3A_210 : vector<16xf32>
      %parallel_loop3A_212 = arith.index_cast %parallel_loop3A_204 : i32 to index
      %parallel_loop3A_213 = arith.constant 0 : index
      %parallel_loop3A_214 = tpu.vector_load %arg9[%parallel_loop3A_212, %parallel_loop3A_213] {strides = array<i32>} : memref<128x64xf32, #tpu.memory_space<vmem>>, vector<1x16xf32>,
      %parallel_loop3A_215 = vector.shape_cast %parallel_loop3A_214 : vector<1x16xf32> to vector<16xf32>
      %parallel_loop3A_216 = vector.shape_cast %parallel_loop3A_211 : vector<16xf32> to vector<1x16xf32>
      tpu.vector_store %arg9[%parallel_loop3A_212, %parallel_loop3A_213], %parallel_loop3A_216 {strides = array<i32>} : memref<128x64xf32, #tpu.memory_space<vmem>>, vector<1x16xf32>,
      %parallel_loop3A_217 = arith.index_cast %parallel_loop3A_204 : i32 to index
      %parallel_loop3A_218 = arith.constant 16 : index
      %parallel_loop3A_219 = tpu.vector_load %arg7[%parallel_loop3A_217, %parallel_loop3A_218] {strides = array<i32>} : memref<128x128xf32, #tpu.memory_space<vmem>>, vector<1x16xf32>,
      %parallel_loop3A_220 = vector.shape_cast %parallel_loop3A_219 : vector<1x16xf32> to vector<16xf32>
      %parallel_loop3A_221 = arith.constant 8.000000e+00 : f32
      %parallel_loop3A_222 = vector.broadcast %parallel_loop3A_221 : f32 to vector<16xf32>
      %parallel_loop3A_223 = arith.mulf %parallel_loop3A_220, %parallel_loop3A_222 : vector<16xf32>
      %parallel_loop3A_224 = arith.index_cast %parallel_loop3A_204 : i32 to index
      %parallel_loop3A_225 = arith.constant 16 : index
      %parallel_loop3A_226 = tpu.vector_load %arg9[%parallel_loop3A_224, %parallel_loop3A_225] {strides = array<i32>} : memref<128x64xf32, #tpu.memory_space<vmem>>, vector<1x16xf32>,
      %parallel_loop3A_227 = vector.shape_cast %parallel_loop3A_226 : vector<1x16xf32> to vector<16xf32>
      %parallel_loop3A_228 = vector.shape_cast %parallel_loop3A_223 : vector<16xf32> to vector<1x16xf32>
      tpu.vector_store %arg9[%parallel_loop3A_224, %parallel_loop3A_225], %parallel_loop3A_228 {strides = array<i32>} : memref<128x64xf32, #tpu.memory_space<vmem>>, vector<1x16xf32>,
      %parallel_loop3A_229 = arith.index_cast %parallel_loop3A_204 : i32 to index
      %parallel_loop3A_230 = arith.constant 32 : index
      %parallel_loop3A_231 = tpu.vector_load %arg7[%parallel_loop3A_229, %parallel_loop3A_230] {strides = array<i32>} : memref<128x128xf32, #tpu.memory_space<vmem>>, vector<1x16xf32>,
      %parallel_loop3A_232 = vector.shape_cast %parallel_loop3A_231 : vector<1x16xf32> to vector<16xf32>
      %parallel_loop3A_233 = arith.constant 8.000000e+00 : f32
      %parallel_loop3A_234 = vector.broadcast %parallel_loop3A_233 : f32 to vector<16xf32>
      %parallel_loop3A_235 = arith.mulf %parallel_loop3A_232, %parallel_loop3A_234 : vector<16xf32>
      %parallel_loop3A_236 = arith.index_cast %parallel_loop3A_204 : i32 to index
      %parallel_loop3A_237 = arith.constant 32 : index
      %parallel_loop3A_238 = tpu.vector_load %arg9[%parallel_loop3A_236, %parallel_loop3A_237] {strides = array<i32>} : memref<128x64xf32, #tpu.memory_space<vmem>>, vector<1x16xf32>,
      %parallel_loop3A_239 = vector.shape_cast %parallel_loop3A_238 : vector<1x16xf32> to vector<16xf32>
      %parallel_loop3A_240 = vector.shape_cast %parallel_loop3A_235 : vector<16xf32> to vector<1x16xf32>
      tpu.vector_store %arg9[%parallel_loop3A_236, %parallel_loop3A_237], %parallel_loop3A_240 {strides = array<i32>} : memref<128x64xf32, #tpu.memory_space<vmem>>, vector<1x16xf32>,
      %parallel_loop3A_241 = arith.index_cast %parallel_loop3A_204 : i32 to index
      %parallel_loop3A_242 = arith.constant 48 : index
      %parallel_loop3A_243 = tpu.vector_load %arg7[%parallel_loop3A_241, %parallel_loop3A_242] {strides = array<i32>} : memref<128x128xf32, #tpu.memory_space<vmem>>, vector<1x16xf32>,
      %parallel_loop3A_244 = vector.shape_cast %parallel_loop3A_243 : vector<1x16xf32> to vector<16xf32>
      %parallel_loop3A_245 = arith.constant 8.000000e+00 : f32
      %parallel_loop3A_246 = vector.broadcast %parallel_loop3A_245 : f32 to vector<16xf32>
      %parallel_loop3A_247 = arith.mulf %parallel_loop3A_244, %parallel_loop3A_246 : vector<16xf32>
      %parallel_loop3A_248 = arith.index_cast %parallel_loop3A_204 : i32 to index
      %parallel_loop3A_249 = arith.constant 48 : index
      %parallel_loop3A_250 = tpu.vector_load %arg9[%parallel_loop3A_248, %parallel_loop3A_249] {strides = array<i32>} : memref<128x64xf32, #tpu.memory_space<vmem>>, vector<1x16xf32>,
      %parallel_loop3A_251 = vector.shape_cast %parallel_loop3A_250 : vector<1x16xf32> to vector<16xf32>
      %parallel_loop3A_252 = vector.shape_cast %parallel_loop3A_247 : vector<16xf32> to vector<1x16xf32>
      tpu.vector_store %arg9[%parallel_loop3A_248, %parallel_loop3A_249], %parallel_loop3A_252 {strides = array<i32>} : memref<128x64xf32, #tpu.memory_space<vmem>>, vector<1x16xf32>,
    } {sc.loop_unroll_factor = 2 : i64, sc.parallel_access}
    %add3A_116 = arith.constant 25088 : i32
    %add3A_117 = arith.addi %mul3A_2, %add3A_116 : i32
    %dma_start3A_118 = arith.constant 0 : i32
    %dma_start3A_119 = tpu.memref_slice %arg4[%add3A_117, %dma_start3A_118] : memref<819200x64xf32, #tpu.memory_space<hbm>> -> memref<128x64xf32, #tpu.memory_space<hbm>>
    %dma_start3A_120 = arith.constant 0 : i32
    %dma_start3A_121 = tpu.memref_slice %arg4[%add3A_117, %dma_start3A_120] : memref<819200x64xf32, #tpu.memory_space<hbm>> -> memref<128x64xf32, #tpu.memory_space<hbm>>
    tpu.enqueue_dma source(%arg9 : memref<128x64xf32, #tpu.memory_space<vmem>>) target(%dma_start3A_121 : memref<128x64xf32, #tpu.memory_space<hbm>>) target_semaphore(%arg14 : memref<!tpu.dma_semaphore, #tpu.memory_space<semaphore_mem>>)
    %dma_start3A_122 = arith.constant 25344 : i32
    %dma_start3A_123 = tpu.memref_slice %arg5[%dma_start3A_122] : memref<25600xi32, #tpu.memory_space<vmem>> -> memref<128xi32, #tpu.memory_space<vmem>>
    %dma_start3A_124 = arith.constant 0 : i32
    %dma_start3A_125 = arith.constant 0 : i32
    %dma_start3A_126 = tpu.memref_slice %arg2[%dma_start3A_124, %dma_start3A_125] : memref<1000000x128xf32, #tpu.memory_space<hbm>> -> memref<1000000x128xf32, #tpu.memory_space<hbm>>
    tpu.enqueue_indirect_dma source(%dma_start3A_126 : memref<1000000x128xf32, #tpu.memory_space<hbm>>) target(%arg6 : memref<128x128xf32, #tpu.memory_space<vmem>>) offsets(%dma_start3A_123 : memref<128xi32, #tpu.memory_space<vmem>>) semaphore(%arg11 : memref<!tpu.dma_semaphore, #tpu.memory_space<semaphore_mem>>)
    %dma_wait3A_127 = arith.constant 25216 : i32
    %dma_wait3A_128 = tpu.memref_slice %arg5[%dma_wait3A_127] : memref<25600xi32, #tpu.memory_space<vmem>> -> memref<128xi32, #tpu.memory_space<vmem>>
    %dma_wait3A_129 = arith.constant 0 : i32
    %dma_wait3A_130 = arith.constant 0 : i32
    %dma_wait3A_131 = tpu.memref_slice %arg2[%dma_wait3A_129, %dma_wait3A_130] : memref<1000000x128xf32, #tpu.memory_space<hbm>> -> memref<1000000x128xf32, #tpu.memory_space<hbm>>
    tpu.wait_indirect_dma semaphore(%arg13 : memref<!tpu.dma_semaphore, #tpu.memory_space<semaphore_mem>>) src(%dma_wait3A_131 : memref<1000000x128xf32, #tpu.memory_space<hbm>>) dst(%arg8 : memref<128x128xf32, #tpu.memory_space<vmem>>)
    %add3A_132 = arith.constant 24960 : i32
    %add3A_133 = arith.addi %mul3A_2, %add3A_132 : i32
    %dma_wait3A_134 = arith.constant 0 : i32
    %dma_wait3A_135 = tpu.memref_slice %arg4[%add3A_133, %dma_wait3A_134] : memref<819200x64xf32, #tpu.memory_space<hbm>> -> memref<128x64xf32, #tpu.memory_space<hbm>>
    %dma_wait3A_136 = arith.constant 0 : i32
    %dma_wait3A_137 = tpu.memref_slice %arg4[%add3A_133, %dma_wait3A_136] : memref<819200x64xf32, #tpu.memory_space<hbm>> -> memref<128x64xf32, #tpu.memory_space<hbm>>
    tpu.wait_dma2 semaphore(%arg15 : memref<!tpu.dma_semaphore, #tpu.memory_space<semaphore_mem>>) src(%arg10 : memref<128x64xf32, #tpu.memory_space<vmem>>) dst(%dma_wait3A_137 : memref<128x64xf32, #tpu.memory_space<hbm>>)
    %parallel_loop3A_138 = arith.constant 0 : i32
    %parallel_loop3A_139 = arith.constant 128 : i32
    %parallel_loop3A_140 = arith.constant 1 : i32
    scf.for %parallel_loop3A_204 = %parallel_loop3A_138 to %parallel_loop3A_139 step %parallel_loop3A_140  : i32 {
      %parallel_loop3A_205 = arith.index_cast %parallel_loop3A_204 : i32 to index
      %parallel_loop3A_206 = arith.constant 0 : index
      %parallel_loop3A_207 = tpu.vector_load %arg8[%parallel_loop3A_205, %parallel_loop3A_206] {strides = array<i32>} : memref<128x128xf32, #tpu.memory_space<vmem>>, vector<1x16xf32>,
      %parallel_loop3A_208 = vector.shape_cast %parallel_loop3A_207 : vector<1x16xf32> to vector<16xf32>
      %parallel_loop3A_209 = arith.constant 8.000000e+00 : f32
      %parallel_loop3A_210 = vector.broadcast %parallel_loop3A_209 : f32 to vector<16xf32>
      %parallel_loop3A_211 = arith.mulf %parallel_loop3A_208, %parallel_loop3A_210 : vector<16xf32>
      %parallel_loop3A_212 = arith.index_cast %parallel_loop3A_204 : i32 to index
      %parallel_loop3A_213 = arith.constant 0 : index
      %parallel_loop3A_214 = tpu.vector_load %arg10[%parallel_loop3A_212, %parallel_loop3A_213] {strides = array<i32>} : memref<128x64xf32, #tpu.memory_space<vmem>>, vector<1x16xf32>,
      %parallel_loop3A_215 = vector.shape_cast %parallel_loop3A_214 : vector<1x16xf32> to vector<16xf32>
      %parallel_loop3A_216 = vector.shape_cast %parallel_loop3A_211 : vector<16xf32> to vector<1x16xf32>
      tpu.vector_store %arg10[%parallel_loop3A_212, %parallel_loop3A_213], %parallel_loop3A_216 {strides = array<i32>} : memref<128x64xf32, #tpu.memory_space<vmem>>, vector<1x16xf32>,
      %parallel_loop3A_217 = arith.index_cast %parallel_loop3A_204 : i32 to index
      %parallel_loop3A_218 = arith.constant 16 : index
      %parallel_loop3A_219 = tpu.vector_load %arg8[%parallel_loop3A_217, %parallel_loop3A_218] {strides = array<i32>} : memref<128x128xf32, #tpu.memory_space<vmem>>, vector<1x16xf32>,
      %parallel_loop3A_220 = vector.shape_cast %parallel_loop3A_219 : vector<1x16xf32> to vector<16xf32>
      %parallel_loop3A_221 = arith.constant 8.000000e+00 : f32
      %parallel_loop3A_222 = vector.broadcast %parallel_loop3A_221 : f32 to vector<16xf32>
      %parallel_loop3A_223 = arith.mulf %parallel_loop3A_220, %parallel_loop3A_222 : vector<16xf32>
      %parallel_loop3A_224 = arith.index_cast %parallel_loop3A_204 : i32 to index
      %parallel_loop3A_225 = arith.constant 16 : index
      %parallel_loop3A_226 = tpu.vector_load %arg10[%parallel_loop3A_224, %parallel_loop3A_225] {strides = array<i32>} : memref<128x64xf32, #tpu.memory_space<vmem>>, vector<1x16xf32>,
      %parallel_loop3A_227 = vector.shape_cast %parallel_loop3A_226 : vector<1x16xf32> to vector<16xf32>
      %parallel_loop3A_228 = vector.shape_cast %parallel_loop3A_223 : vector<16xf32> to vector<1x16xf32>
      tpu.vector_store %arg10[%parallel_loop3A_224, %parallel_loop3A_225], %parallel_loop3A_228 {strides = array<i32>} : memref<128x64xf32, #tpu.memory_space<vmem>>, vector<1x16xf32>,
      %parallel_loop3A_229 = arith.index_cast %parallel_loop3A_204 : i32 to index
      %parallel_loop3A_230 = arith.constant 32 : index
      %parallel_loop3A_231 = tpu.vector_load %arg8[%parallel_loop3A_229, %parallel_loop3A_230] {strides = array<i32>} : memref<128x128xf32, #tpu.memory_space<vmem>>, vector<1x16xf32>,
      %parallel_loop3A_232 = vector.shape_cast %parallel_loop3A_231 : vector<1x16xf32> to vector<16xf32>
      %parallel_loop3A_233 = arith.constant 8.000000e+00 : f32
      %parallel_loop3A_234 = vector.broadcast %parallel_loop3A_233 : f32 to vector<16xf32>
      %parallel_loop3A_235 = arith.mulf %parallel_loop3A_232, %parallel_loop3A_234 : vector<16xf32>
      %parallel_loop3A_236 = arith.index_cast %parallel_loop3A_204 : i32 to index
      %parallel_loop3A_237 = arith.constant 32 : index
      %parallel_loop3A_238 = tpu.vector_load %arg10[%parallel_loop3A_236, %parallel_loop3A_237] {strides = array<i32>} : memref<128x64xf32, #tpu.memory_space<vmem>>, vector<1x16xf32>,
      %parallel_loop3A_239 = vector.shape_cast %parallel_loop3A_238 : vector<1x16xf32> to vector<16xf32>
      %parallel_loop3A_240 = vector.shape_cast %parallel_loop3A_235 : vector<16xf32> to vector<1x16xf32>
      tpu.vector_store %arg10[%parallel_loop3A_236, %parallel_loop3A_237], %parallel_loop3A_240 {strides = array<i32>} : memref<128x64xf32, #tpu.memory_space<vmem>>, vector<1x16xf32>,
      %parallel_loop3A_241 = arith.index_cast %parallel_loop3A_204 : i32 to index
      %parallel_loop3A_242 = arith.constant 48 : index
      %parallel_loop3A_243 = tpu.vector_load %arg8[%parallel_loop3A_241, %parallel_loop3A_242] {strides = array<i32>} : memref<128x128xf32, #tpu.memory_space<vmem>>, vector<1x16xf32>,
      %parallel_loop3A_244 = vector.shape_cast %parallel_loop3A_243 : vector<1x16xf32> to vector<16xf32>
      %parallel_loop3A_245 = arith.constant 8.000000e+00 : f32
      %parallel_loop3A_246 = vector.broadcast %parallel_loop3A_245 : f32 to vector<16xf32>
      %parallel_loop3A_247 = arith.mulf %parallel_loop3A_244, %parallel_loop3A_246 : vector<16xf32>
      %parallel_loop3A_248 = arith.index_cast %parallel_loop3A_204 : i32 to index
      %parallel_loop3A_249 = arith.constant 48 : index
      %parallel_loop3A_250 = tpu.vector_load %arg10[%parallel_loop3A_248, %parallel_loop3A_249] {strides = array<i32>} : memref<128x64xf32, #tpu.memory_space<vmem>>, vector<1x16xf32>,
      %parallel_loop3A_251 = vector.shape_cast %parallel_loop3A_250 : vector<1x16xf32> to vector<16xf32>
      %parallel_loop3A_252 = vector.shape_cast %parallel_loop3A_247 : vector<16xf32> to vector<1x16xf32>
      tpu.vector_store %arg10[%parallel_loop3A_248, %parallel_loop3A_249], %parallel_loop3A_252 {strides = array<i32>} : memref<128x64xf32, #tpu.memory_space<vmem>>, vector<1x16xf32>,
    } {sc.loop_unroll_factor = 2 : i64, sc.parallel_access}
    %add3A_141 = arith.constant 25216 : i32
    %add3A_142 = arith.addi %mul3A_2, %add3A_141 : i32
    %dma_start3A_143 = arith.constant 0 : i32
    %dma_start3A_144 = tpu.memref_slice %arg4[%add3A_142, %dma_start3A_143] : memref<819200x64xf32, #tpu.memory_space<hbm>> -> memref<128x64xf32, #tpu.memory_space<hbm>>
    %dma_start3A_145 = arith.constant 0 : i32
    %dma_start3A_146 = tpu.memref_slice %arg4[%add3A_142, %dma_start3A_145] : memref<819200x64xf32, #tpu.memory_space<hbm>> -> memref<128x64xf32, #tpu.memory_space<hbm>>
    tpu.enqueue_dma source(%arg10 : memref<128x64xf32, #tpu.memory_space<vmem>>) target(%dma_start3A_146 : memref<128x64xf32, #tpu.memory_space<hbm>>) target_semaphore(%arg15 : memref<!tpu.dma_semaphore, #tpu.memory_space<semaphore_mem>>)
    %dma_start3A_147 = arith.constant 25472 : i32
    %dma_start3A_148 = tpu.memref_slice %arg5[%dma_start3A_147] : memref<25600xi32, #tpu.memory_space<vmem>> -> memref<128xi32, #tpu.memory_space<vmem>>
    %dma_start3A_149 = arith.constant 0 : i32
    %dma_start3A_150 = arith.constant 0 : i32
    %dma_start3A_151 = tpu.memref_slice %arg2[%dma_start3A_149, %dma_start3A_150] : memref<1000000x128xf32, #tpu.memory_space<hbm>> -> memref<1000000x128xf32, #tpu.memory_space<hbm>>
    tpu.enqueue_indirect_dma source(%dma_start3A_151 : memref<1000000x128xf32, #tpu.memory_space<hbm>>) target(%arg7 : memref<128x128xf32, #tpu.memory_space<vmem>>) offsets(%dma_start3A_148 : memref<128xi32, #tpu.memory_space<vmem>>) semaphore(%arg12 : memref<!tpu.dma_semaphore, #tpu.memory_space<semaphore_mem>>)
    %dma_wait3A_152 = arith.constant 25344 : i32
    %dma_wait3A_153 = tpu.memref_slice %arg5[%dma_wait3A_152] : memref<25600xi32, #tpu.memory_space<vmem>> -> memref<128xi32, #tpu.memory_space<vmem>>
    %dma_wait3A_154 = arith.constant 0 : i32
    %dma_wait3A_155 = arith.constant 0 : i32
    %dma_wait3A_156 = tpu.memref_slice %arg2[%dma_wait3A_154, %dma_wait3A_155] : memref<1000000x128xf32, #tpu.memory_space<hbm>> -> memref<1000000x128xf32, #tpu.memory_space<hbm>>
    tpu.wait_indirect_dma semaphore(%arg11 : memref<!tpu.dma_semaphore, #tpu.memory_space<semaphore_mem>>) src(%dma_wait3A_156 : memref<1000000x128xf32, #tpu.memory_space<hbm>>) dst(%arg6 : memref<128x128xf32, #tpu.memory_space<vmem>>)
    %add3A_157 = arith.constant 25088 : i32
    %add3A_158 = arith.addi %mul3A_2, %add3A_157 : i32
    %dma_wait3A_159 = arith.constant 0 : i32
    %dma_wait3A_160 = tpu.memref_slice %arg4[%add3A_158, %dma_wait3A_159] : memref<819200x64xf32, #tpu.memory_space<hbm>> -> memref<128x64xf32, #tpu.memory_space<hbm>>
    %dma_wait3A_161 = arith.constant 0 : i32
    %dma_wait3A_162 = tpu.memref_slice %arg4[%add3A_158, %dma_wait3A_161] : memref<819200x64xf32, #tpu.memory_space<hbm>> -> memref<128x64xf32, #tpu.memory_space<hbm>>
    tpu.wait_dma2 semaphore(%arg14 : memref<!tpu.dma_semaphore, #tpu.memory_space<semaphore_mem>>) src(%arg9 : memref<128x64xf32, #tpu.memory_space<vmem>>) dst(%dma_wait3A_162 : memref<128x64xf32, #tpu.memory_space<hbm>>)
    %parallel_loop3A_163 = arith.constant 0 : i32
    %parallel_loop3A_164 = arith.constant 128 : i32
    %parallel_loop3A_165 = arith.constant 1 : i32
    scf.for %parallel_loop3A_204 = %parallel_loop3A_163 to %parallel_loop3A_164 step %parallel_loop3A_165  : i32 {
      %parallel_loop3A_205 = arith.index_cast %parallel_loop3A_204 : i32 to index
      %parallel_loop3A_206 = arith.constant 0 : index
      %parallel_loop3A_207 = tpu.vector_load %arg6[%parallel_loop3A_205, %parallel_loop3A_206] {strides = array<i32>} : memref<128x128xf32, #tpu.memory_space<vmem>>, vector<1x16xf32>,
      %parallel_loop3A_208 = vector.shape_cast %parallel_loop3A_207 : vector<1x16xf32> to vector<16xf32>
      %parallel_loop3A_209 = arith.constant 8.000000e+00 : f32
      %parallel_loop3A_210 = vector.broadcast %parallel_loop3A_209 : f32 to vector<16xf32>
      %parallel_loop3A_211 = arith.mulf %parallel_loop3A_208, %parallel_loop3A_210 : vector<16xf32>
      %parallel_loop3A_212 = arith.index_cast %parallel_loop3A_204 : i32 to index
      %parallel_loop3A_213 = arith.constant 0 : index
      %parallel_loop3A_214 = tpu.vector_load %arg9[%parallel_loop3A_212, %parallel_loop3A_213] {strides = array<i32>} : memref<128x64xf32, #tpu.memory_space<vmem>>, vector<1x16xf32>,
      %parallel_loop3A_215 = vector.shape_cast %parallel_loop3A_214 : vector<1x16xf32> to vector<16xf32>
      %parallel_loop3A_216 = vector.shape_cast %parallel_loop3A_211 : vector<16xf32> to vector<1x16xf32>
      tpu.vector_store %arg9[%parallel_loop3A_212, %parallel_loop3A_213], %parallel_loop3A_216 {strides = array<i32>} : memref<128x64xf32, #tpu.memory_space<vmem>>, vector<1x16xf32>,
      %parallel_loop3A_217 = arith.index_cast %parallel_loop3A_204 : i32 to index
      %parallel_loop3A_218 = arith.constant 16 : index
      %parallel_loop3A_219 = tpu.vector_load %arg6[%parallel_loop3A_217, %parallel_loop3A_218] {strides = array<i32>} : memref<128x128xf32, #tpu.memory_space<vmem>>, vector<1x16xf32>,
      %parallel_loop3A_220 = vector.shape_cast %parallel_loop3A_219 : vector<1x16xf32> to vector<16xf32>
      %parallel_loop3A_221 = arith.constant 8.000000e+00 : f32
      %parallel_loop3A_222 = vector.broadcast %parallel_loop3A_221 : f32 to vector<16xf32>
      %parallel_loop3A_223 = arith.mulf %parallel_loop3A_220, %parallel_loop3A_222 : vector<16xf32>
      %parallel_loop3A_224 = arith.index_cast %parallel_loop3A_204 : i32 to index
      %parallel_loop3A_225 = arith.constant 16 : index
      %parallel_loop3A_226 = tpu.vector_load %arg9[%parallel_loop3A_224, %parallel_loop3A_225] {strides = array<i32>} : memref<128x64xf32, #tpu.memory_space<vmem>>, vector<1x16xf32>,
      %parallel_loop3A_227 = vector.shape_cast %parallel_loop3A_226 : vector<1x16xf32> to vector<16xf32>
      %parallel_loop3A_228 = vector.shape_cast %parallel_loop3A_223 : vector<16xf32> to vector<1x16xf32>
      tpu.vector_store %arg9[%parallel_loop3A_224, %parallel_loop3A_225], %parallel_loop3A_228 {strides = array<i32>} : memref<128x64xf32, #tpu.memory_space<vmem>>, vector<1x16xf32>,
      %parallel_loop3A_229 = arith.index_cast %parallel_loop3A_204 : i32 to index
      %parallel_loop3A_230 = arith.constant 32 : index
      %parallel_loop3A_231 = tpu.vector_load %arg6[%parallel_loop3A_229, %parallel_loop3A_230] {strides = array<i32>} : memref<128x128xf32, #tpu.memory_space<vmem>>, vector<1x16xf32>,
      %parallel_loop3A_232 = vector.shape_cast %parallel_loop3A_231 : vector<1x16xf32> to vector<16xf32>
      %parallel_loop3A_233 = arith.constant 8.000000e+00 : f32
      %parallel_loop3A_234 = vector.broadcast %parallel_loop3A_233 : f32 to vector<16xf32>
      %parallel_loop3A_235 = arith.mulf %parallel_loop3A_232, %parallel_loop3A_234 : vector<16xf32>
      %parallel_loop3A_236 = arith.index_cast %parallel_loop3A_204 : i32 to index
      %parallel_loop3A_237 = arith.constant 32 : index
      %parallel_loop3A_238 = tpu.vector_load %arg9[%parallel_loop3A_236, %parallel_loop3A_237] {strides = array<i32>} : memref<128x64xf32, #tpu.memory_space<vmem>>, vector<1x16xf32>,
      %parallel_loop3A_239 = vector.shape_cast %parallel_loop3A_238 : vector<1x16xf32> to vector<16xf32>
      %parallel_loop3A_240 = vector.shape_cast %parallel_loop3A_235 : vector<16xf32> to vector<1x16xf32>
      tpu.vector_store %arg9[%parallel_loop3A_236, %parallel_loop3A_237], %parallel_loop3A_240 {strides = array<i32>} : memref<128x64xf32, #tpu.memory_space<vmem>>, vector<1x16xf32>,
      %parallel_loop3A_241 = arith.index_cast %parallel_loop3A_204 : i32 to index
      %parallel_loop3A_242 = arith.constant 48 : index
      %parallel_loop3A_243 = tpu.vector_load %arg6[%parallel_loop3A_241, %parallel_loop3A_242] {strides = array<i32>} : memref<128x128xf32, #tpu.memory_space<vmem>>, vector<1x16xf32>,
      %parallel_loop3A_244 = vector.shape_cast %parallel_loop3A_243 : vector<1x16xf32> to vector<16xf32>
      %parallel_loop3A_245 = arith.constant 8.000000e+00 : f32
      %parallel_loop3A_246 = vector.broadcast %parallel_loop3A_245 : f32 to vector<16xf32>
      %parallel_loop3A_247 = arith.mulf %parallel_loop3A_244, %parallel_loop3A_246 : vector<16xf32>
      %parallel_loop3A_248 = arith.index_cast %parallel_loop3A_204 : i32 to index
      %parallel_loop3A_249 = arith.constant 48 : index
      %parallel_loop3A_250 = tpu.vector_load %arg9[%parallel_loop3A_248, %parallel_loop3A_249] {strides = array<i32>} : memref<128x64xf32, #tpu.memory_space<vmem>>, vector<1x16xf32>,
      %parallel_loop3A_251 = vector.shape_cast %parallel_loop3A_250 : vector<1x16xf32> to vector<16xf32>
      %parallel_loop3A_252 = vector.shape_cast %parallel_loop3A_247 : vector<16xf32> to vector<1x16xf32>
      tpu.vector_store %arg9[%parallel_loop3A_248, %parallel_loop3A_249], %parallel_loop3A_252 {strides = array<i32>} : memref<128x64xf32, #tpu.memory_space<vmem>>, vector<1x16xf32>,
    } {sc.loop_unroll_factor = 2 : i64, sc.parallel_access}
    %add3A_166 = arith.constant 25344 : i32
    %add3A_167 = arith.addi %mul3A_2, %add3A_166 : i32
    %dma_start3A_168 = arith.constant 0 : i32
    %dma_start3A_169 = tpu.memref_slice %arg4[%add3A_167, %dma_start3A_168] : memref<819200x64xf32, #tpu.memory_space<hbm>> -> memref<128x64xf32, #tpu.memory_space<hbm>>
    %dma_start3A_170 = arith.constant 0 : i32
    %dma_start3A_171 = tpu.memref_slice %arg4[%add3A_167, %dma_start3A_170] : memref<819200x64xf32, #tpu.memory_space<hbm>> -> memref<128x64xf32, #tpu.memory_space<hbm>>
    tpu.enqueue_dma source(%arg9 : memref<128x64xf32, #tpu.memory_space<vmem>>) target(%dma_start3A_171 : memref<128x64xf32, #tpu.memory_space<hbm>>) target_semaphore(%arg14 : memref<!tpu.dma_semaphore, #tpu.memory_space<semaphore_mem>>)
    %dma_wait3A_172 = arith.constant 25472 : i32
    %dma_wait3A_173 = tpu.memref_slice %arg5[%dma_wait3A_172] : memref<25600xi32, #tpu.memory_space<vmem>> -> memref<128xi32, #tpu.memory_space<vmem>>
    %dma_wait3A_174 = arith.constant 0 : i32
    %dma_wait3A_175 = arith.constant 0 : i32
    %dma_wait3A_176 = tpu.memref_slice %arg2[%dma_wait3A_174, %dma_wait3A_175] : memref<1000000x128xf32, #tpu.memory_space<hbm>> -> memref<1000000x128xf32, #tpu.memory_space<hbm>>
    tpu.wait_indirect_dma semaphore(%arg12 : memref<!tpu.dma_semaphore, #tpu.memory_space<semaphore_mem>>) src(%dma_wait3A_176 : memref<1000000x128xf32, #tpu.memory_space<hbm>>) dst(%arg7 : memref<128x128xf32, #tpu.memory_space<vmem>>)
    %add3A_177 = arith.constant 25216 : i32
    %add3A_178 = arith.addi %mul3A_2, %add3A_177 : i32
    %dma_wait3A_179 = arith.constant 0 : i32
    %dma_wait3A_180 = tpu.memref_slice %arg4[%add3A_178, %dma_wait3A_179] : memref<819200x64xf32, #tpu.memory_space<hbm>> -> memref<128x64xf32, #tpu.memory_space<hbm>>
    %dma_wait3A_181 = arith.constant 0 : i32
    %dma_wait3A_182 = tpu.memref_slice %arg4[%add3A_178, %dma_wait3A_181] : memref<819200x64xf32, #tpu.memory_space<hbm>> -> memref<128x64xf32, #tpu.memory_space<hbm>>
    tpu.wait_dma2 semaphore(%arg15 : memref<!tpu.dma_semaphore, #tpu.memory_space<semaphore_mem>>) src(%arg10 : memref<128x64xf32, #tpu.memory_space<vmem>>) dst(%dma_wait3A_182 : memref<128x64xf32, #tpu.memory_space<hbm>>)
    %parallel_loop3A_183 = arith.constant 0 : i32
    %parallel_loop3A_184 = arith.constant 128 : i32
    %parallel_loop3A_185 = arith.constant 1 : i32
    scf.for %parallel_loop3A_204 = %parallel_loop3A_183 to %parallel_loop3A_184 step %parallel_loop3A_185  : i32 {
      %parallel_loop3A_205 = arith.index_cast %parallel_loop3A_204 : i32 to index
      %parallel_loop3A_206 = arith.constant 0 : index
      %parallel_loop3A_207 = tpu.vector_load %arg7[%parallel_loop3A_205, %parallel_loop3A_206] {strides = array<i32>} : memref<128x128xf32, #tpu.memory_space<vmem>>, vector<1x16xf32>,
      %parallel_loop3A_208 = vector.shape_cast %parallel_loop3A_207 : vector<1x16xf32> to vector<16xf32>
      %parallel_loop3A_209 = arith.constant 8.000000e+00 : f32
      %parallel_loop3A_210 = vector.broadcast %parallel_loop3A_209 : f32 to vector<16xf32>
      %parallel_loop3A_211 = arith.mulf %parallel_loop3A_208, %parallel_loop3A_210 : vector<16xf32>
      %parallel_loop3A_212 = arith.index_cast %parallel_loop3A_204 : i32 to index
      %parallel_loop3A_213 = arith.constant 0 : index
      %parallel_loop3A_214 = tpu.vector_load %arg10[%parallel_loop3A_212, %parallel_loop3A_213] {strides = array<i32>} : memref<128x64xf32, #tpu.memory_space<vmem>>, vector<1x16xf32>,
      %parallel_loop3A_215 = vector.shape_cast %parallel_loop3A_214 : vector<1x16xf32> to vector<16xf32>
      %parallel_loop3A_216 = vector.shape_cast %parallel_loop3A_211 : vector<16xf32> to vector<1x16xf32>
      tpu.vector_store %arg10[%parallel_loop3A_212, %parallel_loop3A_213], %parallel_loop3A_216 {strides = array<i32>} : memref<128x64xf32, #tpu.memory_space<vmem>>, vector<1x16xf32>,
      %parallel_loop3A_217 = arith.index_cast %parallel_loop3A_204 : i32 to index
      %parallel_loop3A_218 = arith.constant 16 : index
      %parallel_loop3A_219 = tpu.vector_load %arg7[%parallel_loop3A_217, %parallel_loop3A_218] {strides = array<i32>} : memref<128x128xf32, #tpu.memory_space<vmem>>, vector<1x16xf32>,
      %parallel_loop3A_220 = vector.shape_cast %parallel_loop3A_219 : vector<1x16xf32> to vector<16xf32>
      %parallel_loop3A_221 = arith.constant 8.000000e+00 : f32
      %parallel_loop3A_222 = vector.broadcast %parallel_loop3A_221 : f32 to vector<16xf32>
      %parallel_loop3A_223 = arith.mulf %parallel_loop3A_220, %parallel_loop3A_222 : vector<16xf32>
      %parallel_loop3A_224 = arith.index_cast %parallel_loop3A_204 : i32 to index
      %parallel_loop3A_225 = arith.constant 16 : index
      %parallel_loop3A_226 = tpu.vector_load %arg10[%parallel_loop3A_224, %parallel_loop3A_225] {strides = array<i32>} : memref<128x64xf32, #tpu.memory_space<vmem>>, vector<1x16xf32>,
      %parallel_loop3A_227 = vector.shape_cast %parallel_loop3A_226 : vector<1x16xf32> to vector<16xf32>
      %parallel_loop3A_228 = vector.shape_cast %parallel_loop3A_223 : vector<16xf32> to vector<1x16xf32>
      tpu.vector_store %arg10[%parallel_loop3A_224, %parallel_loop3A_225], %parallel_loop3A_228 {strides = array<i32>} : memref<128x64xf32, #tpu.memory_space<vmem>>, vector<1x16xf32>,
      %parallel_loop3A_229 = arith.index_cast %parallel_loop3A_204 : i32 to index
      %parallel_loop3A_230 = arith.constant 32 : index
      %parallel_loop3A_231 = tpu.vector_load %arg7[%parallel_loop3A_229, %parallel_loop3A_230] {strides = array<i32>} : memref<128x128xf32, #tpu.memory_space<vmem>>, vector<1x16xf32>,
      %parallel_loop3A_232 = vector.shape_cast %parallel_loop3A_231 : vector<1x16xf32> to vector<16xf32>
      %parallel_loop3A_233 = arith.constant 8.000000e+00 : f32
      %parallel_loop3A_234 = vector.broadcast %parallel_loop3A_233 : f32 to vector<16xf32>
      %parallel_loop3A_235 = arith.mulf %parallel_loop3A_232, %parallel_loop3A_234 : vector<16xf32>
      %parallel_loop3A_236 = arith.index_cast %parallel_loop3A_204 : i32 to index
      %parallel_loop3A_237 = arith.constant 32 : index
      %parallel_loop3A_238 = tpu.vector_load %arg10[%parallel_loop3A_236, %parallel_loop3A_237] {strides = array<i32>} : memref<128x64xf32, #tpu.memory_space<vmem>>, vector<1x16xf32>,
      %parallel_loop3A_239 = vector.shape_cast %parallel_loop3A_238 : vector<1x16xf32> to vector<16xf32>
      %parallel_loop3A_240 = vector.shape_cast %parallel_loop3A_235 : vector<16xf32> to vector<1x16xf32>
      tpu.vector_store %arg10[%parallel_loop3A_236, %parallel_loop3A_237], %parallel_loop3A_240 {strides = array<i32>} : memref<128x64xf32, #tpu.memory_space<vmem>>, vector<1x16xf32>,
      %parallel_loop3A_241 = arith.index_cast %parallel_loop3A_204 : i32 to index
      %parallel_loop3A_242 = arith.constant 48 : index
      %parallel_loop3A_243 = tpu.vector_load %arg7[%parallel_loop3A_241, %parallel_loop3A_242] {strides = array<i32>} : memref<128x128xf32, #tpu.memory_space<vmem>>, vector<1x16xf32>,
      %parallel_loop3A_244 = vector.shape_cast %parallel_loop3A_243 : vector<1x16xf32> to vector<16xf32>
      %parallel_loop3A_245 = arith.constant 8.000000e+00 : f32
      %parallel_loop3A_246 = vector.broadcast %parallel_loop3A_245 : f32 to vector<16xf32>
      %parallel_loop3A_247 = arith.mulf %parallel_loop3A_244, %parallel_loop3A_246 : vector<16xf32>
      %parallel_loop3A_248 = arith.index_cast %parallel_loop3A_204 : i32 to index
      %parallel_loop3A_249 = arith.constant 48 : index
      %parallel_loop3A_250 = tpu.vector_load %arg10[%parallel_loop3A_248, %parallel_loop3A_249] {strides = array<i32>} : memref<128x64xf32, #tpu.memory_space<vmem>>, vector<1x16xf32>,
      %parallel_loop3A_251 = vector.shape_cast %parallel_loop3A_250 : vector<1x16xf32> to vector<16xf32>
      %parallel_loop3A_252 = vector.shape_cast %parallel_loop3A_247 : vector<16xf32> to vector<1x16xf32>
      tpu.vector_store %arg10[%parallel_loop3A_248, %parallel_loop3A_249], %parallel_loop3A_252 {strides = array<i32>} : memref<128x64xf32, #tpu.memory_space<vmem>>, vector<1x16xf32>,
    } {sc.loop_unroll_factor = 2 : i64, sc.parallel_access}
    %add3A_186 = arith.constant 25472 : i32
    %add3A_187 = arith.addi %mul3A_2, %add3A_186 : i32
    %dma_start3A_188 = arith.constant 0 : i32
    %dma_start3A_189 = tpu.memref_slice %arg4[%add3A_187, %dma_start3A_188] : memref<819200x64xf32, #tpu.memory_space<hbm>> -> memref<128x64xf32, #tpu.memory_space<hbm>>
    %dma_start3A_190 = arith.constant 0 : i32
    %dma_start3A_191 = tpu.memref_slice %arg4[%add3A_187, %dma_start3A_190] : memref<819200x64xf32, #tpu.memory_space<hbm>> -> memref<128x64xf32, #tpu.memory_space<hbm>>
    tpu.enqueue_dma source(%arg10 : memref<128x64xf32, #tpu.memory_space<vmem>>) target(%dma_start3A_191 : memref<128x64xf32, #tpu.memory_space<hbm>>) target_semaphore(%arg15 : memref<!tpu.dma_semaphore, #tpu.memory_space<semaphore_mem>>)
    %add3A_192 = arith.constant 25344 : i32
    %add3A_193 = arith.addi %mul3A_2, %add3A_192 : i32
    %dma_wait3A_194 = arith.constant 0 : i32
    %dma_wait3A_195 = tpu.memref_slice %arg4[%add3A_193, %dma_wait3A_194] : memref<819200x64xf32, #tpu.memory_space<hbm>> -> memref<128x64xf32, #tpu.memory_space<hbm>>
    %dma_wait3A_196 = arith.constant 0 : i32
    %dma_wait3A_197 = tpu.memref_slice %arg4[%add3A_193, %dma_wait3A_196] : memref<819200x64xf32, #tpu.memory_space<hbm>> -> memref<128x64xf32, #tpu.memory_space<hbm>>
    tpu.wait_dma2 semaphore(%arg14 : memref<!tpu.dma_semaphore, #tpu.memory_space<semaphore_mem>>) src(%arg9 : memref<128x64xf32, #tpu.memory_space<vmem>>) dst(%dma_wait3A_197 : memref<128x64xf32, #tpu.memory_space<hbm>>)
    %add3A_198 = arith.constant 25472 : i32
    %add3A_199 = arith.addi %mul3A_2, %add3A_198 : i32
    %dma_wait3A_200 = arith.constant 0 : i32
    %dma_wait3A_201 = tpu.memref_slice %arg4[%add3A_199, %dma_wait3A_200] : memref<819200x64xf32, #tpu.memory_space<hbm>> -> memref<128x64xf32, #tpu.memory_space<hbm>>
    %dma_wait3A_202 = arith.constant 0 : i32
    %dma_wait3A_203 = tpu.memref_slice %arg4[%add3A_199, %dma_wait3A_202] : memref<819200x64xf32, #tpu.memory_space<hbm>> -> memref<128x64xf32, #tpu.memory_space<hbm>>
    tpu.wait_dma2 semaphore(%arg15 : memref<!tpu.dma_semaphore, #tpu.memory_space<semaphore_mem>>) src(%arg10 : memref<128x64xf32, #tpu.memory_space<vmem>>) dst(%dma_wait3A_203 : memref<128x64xf32, #tpu.memory_space<hbm>>)
    return
  }
}

</mosaic_0001>

<sc_bundles>
// kernel: _emb.3.cloned.1.call-start
scs
__scs_entry_jumppad:
0x0: {  	(pc) =	sbr.rel $0x88, $3  }
0x1: {  	(tag) =	ssettag $0x0;
	lr =	simm.s32 $0x1  }
0x2: {  	[smem:$0x3F9F] =	sst lr;
	_ =	strace $0xD0000000  }
0x3: {  	_ = 	snop  }
0x4: {  	_ = 	snop  }
0x5: {  	_ = 	snop  }
0x6: {  	_ = 	snop  }
0x7: {  	_ = 	snop  }
__scs_overlays_trampoline_lowered:
0x8: {  	[smem:$0x3FAE] =	sst s0  }
0x9: {  	[smem:$0x3FAF] =	sst s1  }
0xa: {  	[smem:$0x3FB0] =	sst s2  }
0xb: {  	[smem:$0x3FB1] =	sst s3  }
0xc: {  	[smem:$0x3FB2] =	sst s4  }
0xd: {  	[smem:$0x3FB3] =	sst s5  }
0xe: {  	[smem:$0x3FB4] =	sst s6  }
0xf: {  	[smem:$0x3FB5] =	sst s7  }
0x10: {  	[smem:$0x3FB6] =	sst s8  }
0x11: {  	[smem:$0x3FB7] =	sst s9;
	s0 =	simm.s32 @!p0 $0x0  }
0x12: {  	s1 =	sld [smem:$0x3F9D];
	s0 =	simm.s32 @p0 $0x1  }
0x13: {  	[smem:$0x3FB8] =	sst s0;
	s0 =	simm.s32 @!p1 $0x0  }
0x14: {  	s2 =	sld [smem:$0x3F9C];
	s0 =	simm.s32 @p1 $0x1  }
0x15: {  	[smem:$0x3FB9] =	sst s0;
	s0 =	simm.s32 @!p2 $0x0  }
0x16: {  	s3 =	sld [smem:$0x3FDB];
	s0 =	simm.s32 @p2 $0x1  }
0x17: {  	s4 =	simm.s32 $0x1BF5;
	[smem:$0x3FBB] =	sst s0  }
0x18: {  	s0 =	sld [smem:$0x3F9E];
	_ =	swait.ge [sflag:s4], $0x0  }
0x19: {  	s7 =	sld [smem:$0x3F9F]  }
0x1a: {  	s8 =	sadd.s32 $0xFFFFE003, lr  }
0x1b: {  	s9 =	sadd.s32 $0xFFFFFEF7, lr;
	s5 =	simm.s32 $0xFFFFFFFF;
	p2 =	slt.u32 s8, $0xFFFFF086  }
0x1c: {  	p1 =	slt.u32 s9, $0xF7A;
	s5 =	simm.s32 @!p2 $0x0  }
0x1d: {  	s5 =	simm.s32 @p1 $0x1;
	p0 =	seq.s32 s7, s2  }
0x1e: {  	s7 =	smul.u32 @!p0 $0xF7A, s2;
	p2 =	seq.s32 @!p0 s5, $0x0  }
0x1f: {  	s9 =	smul.u32 $0xF7A, s1;
	s8 =	simm.s32 @!p0 $0x1BF5;
	p2 =	por !p2, p0  }
0x20: {  	[sflag:s8] =	ssyncset.s32 @!p0 $0xFFFFF086;
	s6 =	sadd.s32 @!p0 s3, s7;
	s7 =	simm.s32 @!p0 $0x108  }
0x21: {  	s3 =	sadd.s32 s3, s9;
	s6 =	sadd.s32 @!p0 $0x88, s6;
	s7 =	simm.s32 @p2 $0x1082  }
0x22: {  	[simem:s7], [sflag:s8] =	dma.local @!p0 [hbm:s6], $0xF7A  }
0x23: {  	s9 =	sor.u32 $0xD0000000, s2;
	s6 =	simm.s32 $0x108;
	_ =	swait.ge @!p0 [sflag:s8], $0x0  }
0x24: {  	s3 =	sadd.s32 $0x88, s3;
	s6 =	simm.s32 @!p1 $0x1082;
	[sflag:s4] =	ssyncset.s32 $0xFFFFF086  }
0x25: {  	[simem:s6], [sflag:s4] =	dma.local [hbm:s3], $0xF7A  }
0x26: {  	[smem:$0x3F9F] =	sst s1;
	(tag) =	ssettag s2;
	_ =	strace s9  }
0x27: {  	s1 =	sld [smem:$0x3FAF]  }
0x28: {  	s2 =	sld [smem:$0x3FB0]  }
0x29: {  	s4 =	sld [smem:$0x3FB2]  }
0x2a: {  	p0 =	seq.s32 s5, $0x0;
	s5 =	sld [smem:$0x3FB3]  }
0x2b: {  	s6 =	sld [smem:$0x3FB4]  }
0x2c: {  	s7 =	sld [smem:$0x3FB5]  }
0x2d: {  	s3 =	simm.s32 $0x108;
	s8 =	sld [smem:$0x3FB6]  }
0x2e: {  	s3 =	simm.s32 @!p0 $0x1082;
	s9 =	sld [smem:$0x3FB7]  }
0x2f: {  	lr =	sadd.s32 s0, s3;
	s0 =	sld [smem:$0x3FAE]  }
0x30: {  	s3 =	sld [smem:$0x3FB1]  }
0x31: {  	[smem:$0x3FBA] =	sst s10  }
0x32: {  	s10 =	sld [smem:$0x3FB8];
	_ =	sdelay $0x3  }
0x33: {  	p0 =	seq.s32 s10, $0x1;
	s10 =	sld [smem:$0x3FBA];
	_ =	sdelay $0x3  }
0x34: {  	[smem:$0x3FBA] =	sst s10  }
0x35: {  	s10 =	sld [smem:$0x3FB9];
	_ =	sdelay $0x3  }
0x36: {  	p1 =	seq.s32 s10, $0x1;
	s10 =	sld [smem:$0x3FBA];
	_ =	sdelay $0x3  }
0x37: {  	[smem:$0x3FBA] =	sst s10  }
0x38: {  	s10 =	sld [smem:$0x3FBB]  }
0x39: {  	_ = 	snop;
	(pc) =	sbr.ind lr, $3  }
0x3a: {  	_ = 	snop  }
0x3b: {  	_ = 	snop  }
0x3c: {  	p2 =	seq.s32 s10, $0x1;
	s10 =	sld [smem:$0x3FBA]  }
0x3d: {  	_ =	shalt  }
0x3e: {  	_ =	shalt  }
0x3f: {  	_ =	shalt  }
0x40: {  	_ =	shalt  }
0x41: {  	_ =	shalt  }
0x42: {  	_ =	shalt  }
0x43: {  	_ =	shalt  }
0x44: {  	_ =	shalt  }
0x45: {  	_ =	shalt  }
0x46: {  	_ =	shalt  }
0x47: {  	_ =	shalt  }
0x48: {  	_ =	shalt  }
0x49: {  	_ =	shalt  }
0x4a: {  	_ =	shalt  }
0x4b: {  	_ =	shalt  }
0x4c: {  	_ =	shalt  }
0x4d: {  	_ =	shalt  }
0x4e: {  	_ =	shalt  }
0x4f: {  	_ =	shalt  }
0x50: {  	_ =	shalt  }
0x51: {  	_ =	shalt  }
0x52: {  	_ =	shalt  }
0x53: {  	_ =	shalt  }
0x54: {  	_ =	shalt  }
0x55: {  	_ =	shalt  }
0x56: {  	_ =	shalt  }
0x57: {  	_ =	shalt  }
0x58: {  	_ =	shalt  }
0x59: {  	_ =	shalt  }
0x5a: {  	_ =	shalt  }
0x5b: {  	_ =	shalt  }
0x5c: {  	_ =	shalt  }
0x5d: {  	_ =	shalt  }
0x5e: {  	_ =	shalt  }
0x5f: {  	_ =	shalt  }
0x60: {  	_ =	shalt  }
0x61: {  	_ =	shalt  }
0x62: {  	_ =	shalt  }
0x63: {  	_ =	shalt  }
0x64: {  	_ =	shalt  }
0x65: {  	_ =	shalt  }
0x66: {  	_ =	shalt  }
0x67: {  	_ =	shalt  }
0x68: {  	_ =	shalt  }
0x69: {  	_ =	shalt  }
0x6a: {  	_ =	shalt  }
0x6b: {  	_ =	shalt  }
0x6c: {  	_ =	shalt  }
0x6d: {  	_ =	shalt  }
0x6e: {  	_ =	shalt  }
0x6f: {  	_ =	shalt  }
0x70: {  	_ =	shalt  }
0x71: {  	_ =	shalt  }
0x72: {  	_ =	shalt  }
0x73: {  	_ =	shalt  }
0x74: {  	_ =	shalt  }
0x75: {  	_ =	shalt  }
0x76: {  	_ =	shalt  }
0x77: {  	_ =	shalt  }
0x78: {  	_ =	shalt  }
0x79: {  	_ =	shalt  }
0x7a: {  	_ =	shalt  }
0x7b: {  	_ =	shalt  }
0x7c: {  	_ =	shalt  }
0x7d: {  	_ =	shalt  }
0x7e: {  	_ =	shalt  }
0x7f: {  	_ =	shalt  }
0x80: {  	_ =	shalt  }
0x81: {  	_ =	shalt  }
0x82: {  	_ =	shalt  }
0x83: {  	_ =	shalt  }
0x84: {  	_ =	shalt  }
0x85: {  	_ =	shalt  }
0x86: {  	_ =	shalt  }
0x87: {  	_ =	shalt  }
.Lfunc_end0:
.L_simem_size_0:
called_computation.1_lowered:
.L_overlay_start_0:
0x88: {  	s2 =	sld [smem:$0x3FD9]  }
0x89: {  	s3 =	sld [smem:$0x3FFE];
	_ =	sdelay $0x1  }
0x8a: {  	s1 =	srdreg.scid  }
0x8b: {  	s0 =	sand.u32 $0x1, s1  }
0x8c: {  	s17 =	sshll.u32 s0, $0xA;
	s2 =	sadd.s32 s3, s2  }
0x8d: {  	s2 =	sadd.s32 s2, s17  }
0x8e: {  	[smem:$0x3FC6] =	sst s2  }
0x8f: {  	_ = 	snop  }
0x90: {  	s2 =	sld [smem:$0x3FD0];
	(tm) =	ssettm $0x1  }
0x91: {  	s18 =	sld [smem:$0x3FFB];
	_ =	sdelay $0x3  }
0x92: {  	_ =	strace s18  }
0x93: {  	s3 =	sld [smem:$0x3FFC];
	_ =	sdelay $0x3  }
0x94: {  	_ =	strace s3  }
0x95: {  	s3 =	sld [smem:$0x3FFD];
	_ =	sdelay $0x3  }
0x96: {  	_ =	strace s3  }
0x97: {  	_ =	strace $0x8FFFFFFF  }
0x98: {  	s19 =	sld [smem:$0x3FDB];
	_ =	sdelay $0x1  }
0x99: {  	s4 =	simm.s32 $_scs_section_size  }
0x9a: {  	s5 =	simm.s32 $_size__tile_overlayer_lowered;
	s6 =	simm.s32 $_tile_overlayer_lowered  }
0x9b: {  	s22 =	simm.s32 $0x1BFF;
	s21 =	sshll.u32 s6, $0x1;
	s3 =	sadd.s32 s4, s19  }
0x9c: {  	s7 =	simm.s32 $0x0;
	s20 =	sshll.u32 s5, $0x1;
	s5 =	sadd.s32 s21, s3  }
0x9d: {  	[timem:s7], [sflag:s22] =	dma.local [hbm:s5], s20  }
0x9e: {  	_ =	swait.ge [sflag:s22], s20  }
0x9f: {  	s4 =	ssub.s32 $0x0, s20;
	[sflag:s22] =	ssyncset.done $0x0  }
0xa0: {  	[sflag:s22] =	ssyncadd.s32 s4;
	_ =	sdelay $0x1  }
0xa1: {  	s23 =	simm.s32 $0x1B8B  }
0xa2: {  	_ =	swait.ge [sflag:s23], $0x1  }
0xa3: {  	[sflag:s23] =	ssyncset.done $0x0  }
0xa4: {  	s25 =	simm.s32 $0x1B8E;
	s24 =	sld [smem:$0x3FFE];
	[sflag:s23] =	ssyncadd.s32 $0xFFFFFFFF  }
0xa5: {  	s26 =	simm.s32 $execute0_lowered;
	[smem:$0x3FD2] =	sst s25  }
0xa6: {  	s5 =	sshll.u32 s26, $0x1;
	_ =	strace $0x80000046;
	[dreg:$0x1] =	wrdreg $0xFFFFFFFF  }
0xa7: {  	s28 =	simm.s32 $_size_execute0_lowered;
	s3 =	sadd.s32 s3, s5;
	[dreg:$0x0] =	wrdreg $0x0  }
0xa8: {  	s5 =	sshll.u32 s28, $0x1;
	[dreg:$0x2] =	wrdreg s3  }
0xa9: {  	[dreg:$0x3] =	wrdreg s5  }
0xaa: {  	[dreg:$0x4] =	wrdreg $0xC0  }
0xab: {  	_ =	task [dreg:s7], $0x5FFFF  }
0xac: {  	[dreg:$0x1] =	wrdreg $0xFFFFFFFF  }
0xad: {  	[dreg:$0x0] =	wrdreg $0x60  }
0xae: {  	[dreg:$0x2] =	wrdreg s24  }
0xaf: {  	[dreg:$0x3] =	wrdreg s2  }
0xb0: {  	[dreg:$0x4] =	wrdreg $0x9  }
0xb1: {  	_ =	task.clear_ibuf [dreg:s7], $0x5FFFF;
	_ =	strace $0x90000046  }
0xb2: {  	s29 =	simm.s32 $0x9;
	_ =	strace $0x80000048  }
0xb3: {  	_ =	swait.ge [sflag:s29], $0x1  }
0xb4: {  	[sflag:s29] =	ssyncadd.s32 $0xFFFFFFFF  }
0xb5: {  	_ =	strace $0x90000048  }
0xb6: {  	_ =	sfence  }
0xb7: {  	s30 =	sld [smem:$0x0];
	_ =	sdelay $0x2  }
0xb8: {  	s31 =	sshll.u32 s1, $0xD;
	s1 =	sshrl.u32 s1, $0x2  }
0xb9: {  	s3 =	sand.u32 $0x4000, s31;
	s1 =	sadd.s32 s1, s30  }
0xba: {  	s0 =	sor.u32 s3, s0;
	s1 =	sshll.u32 s1, $0x11  }
0xbb: {  	s0 =	sor.u32 s1, s0  }
0xbc: {  	s0 =	sadd.s32 $0x8F2B, s0  }
0xbd: {  	[sflag:s0] =	ssyncadd.remote.s32 $0x1  }
0xbe: {  	_ =	sfence.sel $0xFFFF  }
0xbf: {  	[dreg:$0x0] =	wrdreg $0xFFFFFFFF;
	(pc) =	sbr.abs _section_cstart, $3  }
0xc0: {  	[dreg:$0x1] =	wrdreg $0xFFFFFFFF  }
0xc1: {  	_ =	task.clear_ibuf [dreg:s7], $0x2FFFF;
	_ =	strace $0x9FFFFFFF  }
0xc2: {  	(tm) =	ssettm $0x7FFFFFFF  }
0xc3: {  	_ =	shalt  }
tec
execute0_lowered:
.L_overlay_start_1:
0x0: {  	(tag) =	ssettag $0x1  }
0x1: {  	s0 =	rddreg [dreg:$0x0]  }
0x2: {  	s1 =	rddreg [dreg:$0x1];
	s2 =	simm.s32 $0x0;
	s4 =	srdreg.scid  }
0x3: {  	s7 =	stileid.u32;
	s28 =	simm.s32 $0x2;
	s29 =	simm.s32 $0x16400  }
0x4: {  	[smem:$0x7FF] =	sst s2;
	s3 =	sadd.s32 $0xF42E00, s0;
	s5 =	sand.u32 $0x1, s4  }
0x5: {  	s6 =	sshll.u32 s7, $0x1;
	s4 =	sadd.s32 $0xA00, s0;
	s14 =	sshrl.u32 s7, $0x2  }
0x6: {  	_ =	strace $0x80000047;
	s13 =	sor.u32 s5, s6;
	s6 =	smul.u32 $0x32000, s14  }
0x7: {  	s5 =	ssub.s32 $0x2, s5;
	s15 =	sshll.u32 s13, $0x7;
	s9 =	smul.u32 $0x64000, s13  }
0x8: {  	s8 =	sshrl.u32 s5, $0x1;
	s16 =	smul.u32 $0x320000, s13;
	s7 =	sand.u32 $0x380, s15  }
0x9: {  	s8 =	ssub.s32 s5, s8;
	s5 =	smul.u32 $0x6400, s13;
	s18 =	sadd.s32 s4, s9  }
0xa: {  	s6 =	sor.u32 s6, s7;
	s30 =	smax.u32 s8, $0x1;
	[dreg:$0x3] =	wrdreg s18  }
0xb: {  	s17 =	sshrl.u32 s6, $0x3;
	s19 =	sadd.s32 $0x800, s18;
	[dreg:$0xd] =	wrdreg s30  }
0xc: {  	s20 =	sshrl.u32 s16, $0x3;
	s0 =	sadd.s32 s1, s17;
	[dreg:$0x5] =	wrdreg s19  }
0xd: {  	s21 =	sor.u32 $0x100, s5;
	[dreg:$0x4] =	wrdreg s0;
	s0 =	sadd.s32 s4, s20  }
0xe: {  	s31 =	simm.s32 $0x3;
	[dreg:$0x6] =	wrdreg s21;
	s22 =	sadd.s32 $0x61000, s0  }
0xf: {  	s7 =	simm.s32 $0x0;
	s23 =	sadd.s32 $0x61800, s0;
	[dreg:$0x7] =	wrdreg s22  }
0x10: {  	s10 =	sor.u32 $0x180, s5;
	s24 =	sadd.s32 $0x62000, s0;
	[dreg:$0x8] =	wrdreg s23  }
0x11: {  	s18 =	simm.s32 $0x80;
	s25 =	sadd.s32 $0x62800, s0;
	[dreg:$0x9] =	wrdreg s24  }
0x12: {  	s21 =	simm.s32 $0x6400;
	s26 =	sadd.s32 $0x63000, s0;
	[dreg:$0xa] =	wrdreg s25  }
0x13: {  	s1 =	simm.s32 $0x5;
	s0 =	sadd.s32 $0x63800, s0;
	[dreg:$0xb] =	wrdreg s26  }
0x14: {  	[dreg:$0xc] =	wrdreg s0;
	s22 =	simm.s32 $0xA400;
	s23 =	simm.s32 $0x1  }
0x15: {  	s24 =	simm.s32 $0x12400;
	s26 =	simm.s32 $0xE400;
	s0 =	simm.s32 $0x4  }
.LBB2_1:
0x16: {  	[dreg:$0xe] =	wrdreg s7  }
0x17: {  	s6 =	rddreg [dreg:$0x4];
	s25 =	simm.s32 $0x400;
	s30 =	simm.s32 $0x6  }
0x18: {  	[tilespmem:s2], [sflag:$0x6] =	stream.strided.gather [hbm4b:s6+s18], $0x6400, s25, s18, $0x38;
	[tilespmem:$0x1A400] =	vst v63  }
0x19: {  	_ =	swait.ge [sflag:s30], $0x6400  }
0x1a: {  	[sflag:s30] =	ssyncset.done $0x0  }
0x1b: {  	[sflag:s30] =	ssyncadd.s32 $0xFFFF9C00  }
0x1c: {  	[tilespmem:s21], [sflag:$0x1] =	stream.indirect.gather [hbm4b:s3+s18], $0x80, s2, s18, $0xb8;
	[tilespmem:$0x1A400] =	vst v63  }
0x1d: {  	_ = 	snop  }
0x1e: {  	[tilespmem:s22], [sflag:$0x2] =	stream.indirect.gather [hbm4b:s3+s18], $0x80, s18, s18, $0xb8;
	[tilespmem:$0x1A400] =	vst v63  }
0x1f: {  	_ =	swait.ge [sflag:s23], $0x4000  }
0x20: {  	[sflag:s23] =	ssyncset.done $0x0  }
0x21: {  	s15 =	simm.s32 $0x6480;
	[sflag:s23] =	ssyncadd.s32 $0xFFFFC000  }
0x22: {  	v0 =	vld [tilespmem:s15+$0x0];
	_ =	sdelay $0x3  }
0x23: {  	v1 =	vld [tilespmem:s15+$0xFFFFFF80]  }
0x24: {  	v0 =	vmul.f32 $8.000000000e+00, v0  }
0x25: {  	s7 =	simm.s32 $0x12480;
	s11 =	simm.s32 $0x6580  }
0x26: {  	[tilespmem:s7+$0x0] =	vst v0;
	v0 =	vld [tilespmem:s11+$0x0]  }
0x27: {  	v2 =	vld [tilespmem:s15+$0x10]  }
0x28: {  	v1 =	vmul.f32 $8.000000000e+00, v1;
	_ =	sdelay $0x1  }
0x29: {  	[tilespmem:s7+$0xFFFFFF80] =	vst v1;
	v1 =	vld [tilespmem:s11+$0xFFFFFF80]  }
0x2a: {  	v3 =	vld [tilespmem:s15+$0xFFFFFF90];
	v0 =	vmul.f32 $8.000000000e+00, v0  }
0x2b: {  	s8 =	simm.s32 $0x12580;
	s12 =	simm.s32 $0x6680;
	v2 =	vmul.f32 $8.000000000e+00, v2  }
0x2c: {  	[tilespmem:s8+$0x0] =	vst v0;
	v0 =	vld [tilespmem:s12+$0x0]  }
0x2d: {  	[tilespmem:s7+$0x10] =	vst v2;
	v2 =	vld [tilespmem:s11+$0x10]  }
0x2e: {  	v1 =	vmul.f32 $8.000000000e+00, v1;
	v4 =	vld [tilespmem:s15+$0x20]  }
0x2f: {  	v3 =	vmul.f32 $8.000000000e+00, v3  }
0x30: {  	[tilespmem:s8+$0xFFFFFF80] =	vst v1;
	v1 =	vld [tilespmem:s12+$0xFFFFFF80]  }
0x31: {  	[tilespmem:s7+$0xFFFFFF90] =	vst v3;
	v3 =	vld [tilespmem:s11+$0xFFFFFF90];
	v0 =	vmul.f32 $8.000000000e+00, v0  }
0x32: {  	s13 =	simm.s32 $0x12680;
	s14 =	simm.s32 $0x6780;
	v5 =	vld [tilespmem:s15+$0xFFFFFFA0];
	v2 =	vmul.f32 $8.000000000e+00, v2  }
0x33: {  	[tilespmem:s13+$0x0] =	vst v0;
	v0 =	vmul.f32 $8.000000000e+00, v4;
	v4 =	vld [tilespmem:s14+$0x0]  }
0x34: {  	[tilespmem:s8+$0x10] =	vst v2;
	v6 =	vld [tilespmem:s12+$0x10]  }
0x35: {  	v1 =	vmul.f32 $8.000000000e+00, v1;
	[tilespmem:s7+$0x20] =	vst v0;
	v7 =	vld [tilespmem:s11+$0x20]  }
0x36: {  	v2 =	vmul.f32 $8.000000000e+00, v3;
	v0 =	vld [tilespmem:s15+$0x30]  }
0x37: {  	[tilespmem:s13+$0xFFFFFF80] =	vst v1;
	v1 =	vmul.f32 $8.000000000e+00, v5;
	v3 =	vld [tilespmem:s14+$0xFFFFFF80]  }
0x38: {  	[tilespmem:s8+$0xFFFFFF90] =	vst v2;
	v5 =	vmul.f32 $8.000000000e+00, v4;
	v4 =	vld [tilespmem:s12+$0xFFFFFF90]  }
0x39: {  	s16 =	simm.s32 $0x12780;
	[tilespmem:s7+$0xFFFFFFA0] =	vst v1;
	v2 =	vld [tilespmem:s11+$0xFFFFFFA0];
	v6 =	vmul.f32 $8.000000000e+00, v6  }
0x3a: {  	s17 =	simm.s32 $0x6880;
	s6 =	simm.s32 $0x6;
	v1 =	vld [tilespmem:s15+$0xFFFFFFB0];
	s15 =	simm.s32 $0x12780;
	[tilespmem:s16+$0x0] =	vst v5;
	v5 =	vmul.f32 $8.000000000e+00, v7  }
.LBB2_2:
0x3b: {  	v7 =	vld [tilespmem:s17+$0x0];
	[tilespmem:s13+$0x10] =	vst v6;
	v0 =	vmul.f32 $8.000000000e+00, v0;
	s19 =	smov.u32 s11;
	s11 =	smov.u32 s12;
	s12 =	smov.u32 s14  }
0x3c: {  	s14 =	smov.u32 s17;
	s6 =	sadd.s32 $0x2, s6;
	v3 =	vmul.f32 $8.000000000e+00, v3;
	v6 =	vld [tilespmem:s12+$0x10];
	[tilespmem:s8+$0x20] =	vst v5  }
0x3d: {  	p0 =	slt.u32 s6, $0x7E;
	v4 =	vmul.f32 $8.000000000e+00, v4;
	v5 =	vld [tilespmem:s11+$0x20];
	[tilespmem:s7+$0x30] =	vst v0  }
.Ltmp0:
0x3e: {  	[tilespmem:s16+$0xFFFFFF80] =	vst v3;
	v2 =	vmul.f32 $8.000000000e+00, v2;
	v0 =	vld [tilespmem:s19+$0x30];
	(pc) =	sbr.rel @p0 .LBB2_2-.Ltmp0, $4  }
0x3f: {  	v3 =	vld [tilespmem:s17+$0xFFFFFF80];
	[tilespmem:s13+$0xFFFFFF90] =	vst v4;
	v1 =	vmul.f32 $8.000000000e+00, v1  }
0x40: {  	v7 =	vmul.f32 $8.000000000e+00, v7;
	v4 =	vld [tilespmem:s12+$0xFFFFFF90];
	[tilespmem:s8+$0xFFFFFFA0] =	vst v2  }
0x41: {  	s16 =	sadd.s32 $0x100, s16;
	v6 =	vmul.f32 $8.000000000e+00, v6;
	v2 =	vld [tilespmem:s11+$0xFFFFFFA0];
	[tilespmem:s7+$0xFFFFFFB0] =	vst v1;
	s7 =	smov.u32 s8;
	s8 =	smov.u32 s13  }
0x42: {  	s17 =	sadd.s32 $0x100, s17;
	s13 =	smov.u32 s15;
	s15 =	smov.u32 s16;
	[tilespmem:s16+$0x0] =	vst v7;
	v5 =	vmul.f32 $8.000000000e+00, v5;
	v1 =	vld [tilespmem:s19+$0xFFFFFFB0]  }
0x43: {  	_ = 	snop  }
0x44: {  	v3 =	vmul.f32 $8.000000000e+00, v3;
	_ =	sdelay $0x1  }
0x45: {  	v7 =	vld [tilespmem:s14+$0x10];
	[tilespmem:s16+$0xFFFFFF80] =	vst v3  }
0x46: {  	v3 =	vld [tilespmem:s14+$0xFFFFFF90];
	_ =	sdelay $0x2  }
0x47: {  	v4 =	vmul.f32 $8.000000000e+00, v4  }
0x48: {  	[tilespmem:s13+$0x10] =	vst v6;
	v6 =	vmul.f32 $8.000000000e+00, v7  }
0x49: {  	[tilespmem:s13+$0xFFFFFF90] =	vst v4;
	v7 =	vld [tilespmem:s12+$0x20];
	v3 =	vmul.f32 $8.000000000e+00, v3  }
0x4a: {  	v4 =	vld [tilespmem:s12+$0xFFFFFFA0];
	[tilespmem:s15+$0x10] =	vst v6  }
0x4b: {  	v6 =	vld [tilespmem:s14+$0x20];
	[tilespmem:s15+$0xFFFFFF90] =	vst v3  }
0x4c: {  	v3 =	vld [tilespmem:s14+$0xFFFFFFA0]  }
0x4d: {  	v2 =	vmul.f32 $8.000000000e+00, v2  }
0x4e: {  	[tilespmem:s8+$0x20] =	vst v5;
	v5 =	vmul.f32 $8.000000000e+00, v7  }
0x4f: {  	[tilespmem:s8+$0xFFFFFFA0] =	vst v2;
	v2 =	vld [tilespmem:s11+$0x30];
	v4 =	vmul.f32 $8.000000000e+00, v4  }
0x50: {  	[tilespmem:s13+$0x20] =	vst v5;
	v5 =	vld [tilespmem:s11+$0xFFFFFFB0];
	v6 =	vmul.f32 $8.000000000e+00, v6  }
0x51: {  	[tilespmem:s13+$0xFFFFFFA0] =	vst v4;
	v4 =	vld [tilespmem:s12+$0x30];
	v3 =	vmul.f32 $8.000000000e+00, v3  }
0x52: {  	v0 =	vmul.f32 $8.000000000e+00, v0;
	[tilespmem:s15+$0x20] =	vst v6;
	v6 =	vld [tilespmem:s12+$0xFFFFFFB0]  }
0x53: {  	v1 =	vmul.f32 $8.000000000e+00, v1;
	[tilespmem:s15+$0xFFFFFFA0] =	vst v3;
	v3 =	vld [tilespmem:s14+$0x30]  }
0x54: {  	[tilespmem:s7+$0x30] =	vst v0;
	v0 =	vmul.f32 $8.000000000e+00, v2;
	v2 =	vld [tilespmem:s14+$0xFFFFFFB0]  }
0x55: {  	[tilespmem:s7+$0xFFFFFFB0] =	vst v1;
	v1 =	vmul.f32 $8.000000000e+00, v5  }
0x56: {  	[tilespmem:s8+$0x30] =	vst v0;
	v0 =	vmul.f32 $8.000000000e+00, v4  }
0x57: {  	[tilespmem:s8+$0xFFFFFFB0] =	vst v1;
	v1 =	vmul.f32 $8.000000000e+00, v6  }
0x58: {  	[tilespmem:s13+$0x30] =	vst v0;
	v0 =	vmul.f32 $8.000000000e+00, v3  }
0x59: {  	[tilespmem:s13+$0xFFFFFFB0] =	vst v1;
	v1 =	vmul.f32 $8.000000000e+00, v2  }
0x5a: {  	[tilespmem:s15+$0x30] =	vst v0  }
0x5b: {  	[tilespmem:s15+$0xFFFFFFB0] =	vst v1  }
0x5c: {  	s6 =	rddreg [dreg:$0x3]  }
0x5d: {  	[hbm4b:s6+s2] =	stream.linear.scatter [tilespmem:s24], [sflag:$0x4], $0x4000, $0x38;
	[tilespmem:$0x1A400] =	vst v63  }
0x5e: {  	s25 =	simm.s32 $0x100  }
0x5f: {  	[tilespmem:s26], [sflag:$0x3] =	stream.indirect.gather [hbm4b:s3+s18], $0x80, s25, s18, $0xb8;
	[tilespmem:$0x1A400] =	vst v63  }
0x60: {  	_ =	swait.ge [sflag:s28], $0x4000  }
0x61: {  	[sflag:s28] =	ssyncset.done $0x0  }
0x62: {  	s30 =	simm.s32 $0xA480;
	[sflag:s28] =	ssyncadd.s32 $0xFFFFC000  }
0x63: {  	v0 =	vld [tilespmem:s30+$0x0];
	_ =	sdelay $0x3  }
0x64: {  	v1 =	vld [tilespmem:s30+$0xFFFFFF80]  }
0x65: {  	v0 =	vmul.f32 $8.000000000e+00, v0  }
0x66: {  	s7 =	simm.s32 $0x16480;
	s11 =	simm.s32 $0xA580  }
0x67: {  	[tilespmem:s7+$0x0] =	vst v0;
	v0 =	vld [tilespmem:s11+$0x0]  }
0x68: {  	v2 =	vld [tilespmem:s30+$0x10]  }
0x69: {  	v1 =	vmul.f32 $8.000000000e+00, v1;
	_ =	sdelay $0x1  }
0x6a: {  	[tilespmem:s7+$0xFFFFFF80] =	vst v1;
	v1 =	vld [tilespmem:s11+$0xFFFFFF80]  }
0x6b: {  	v3 =	vld [tilespmem:s30+$0xFFFFFF90];
	v0 =	vmul.f32 $8.000000000e+00, v0  }
0x6c: {  	s12 =	simm.s32 $0xA680;
	s8 =	simm.s32 $0x16580;
	v2 =	vmul.f32 $8.000000000e+00, v2  }
0x6d: {  	[tilespmem:s8+$0x0] =	vst v0;
	v0 =	vld [tilespmem:s12+$0x0]  }
0x6e: {  	[tilespmem:s7+$0x10] =	vst v2;
	v2 =	vld [tilespmem:s11+$0x10]  }
0x6f: {  	v1 =	vmul.f32 $8.000000000e+00, v1;
	v4 =	vld [tilespmem:s30+$0x20]  }
0x70: {  	v3 =	vmul.f32 $8.000000000e+00, v3  }
0x71: {  	[tilespmem:s8+$0xFFFFFF80] =	vst v1;
	v1 =	vld [tilespmem:s12+$0xFFFFFF80]  }
0x72: {  	[tilespmem:s7+$0xFFFFFF90] =	vst v3;
	v3 =	vld [tilespmem:s11+$0xFFFFFF90];
	v0 =	vmul.f32 $8.000000000e+00, v0  }
0x73: {  	s14 =	simm.s32 $0xA780;
	s13 =	simm.s32 $0x16680;
	v5 =	vld [tilespmem:s30+$0xFFFFFFA0];
	v2 =	vmul.f32 $8.000000000e+00, v2  }
0x74: {  	[tilespmem:s13+$0x0] =	vst v0;
	v0 =	vmul.f32 $8.000000000e+00, v4;
	v4 =	vld [tilespmem:s14+$0x0]  }
0x75: {  	[tilespmem:s8+$0x10] =	vst v2;
	v6 =	vld [tilespmem:s12+$0x10]  }
0x76: {  	v1 =	vmul.f32 $8.000000000e+00, v1;
	[tilespmem:s7+$0x20] =	vst v0;
	v7 =	vld [tilespmem:s11+$0x20]  }
0x77: {  	v2 =	vmul.f32 $8.000000000e+00, v3;
	v0 =	vld [tilespmem:s30+$0x30]  }
0x78: {  	[tilespmem:s13+$0xFFFFFF80] =	vst v1;
	v1 =	vmul.f32 $8.000000000e+00, v5;
	v3 =	vld [tilespmem:s14+$0xFFFFFF80]  }
0x79: {  	[tilespmem:s8+$0xFFFFFF90] =	vst v2;
	v5 =	vmul.f32 $8.000000000e+00, v4;
	v4 =	vld [tilespmem:s12+$0xFFFFFF90]  }
0x7a: {  	s16 =	simm.s32 $0x16780;
	[tilespmem:s7+$0xFFFFFFA0] =	vst v1;
	v2 =	vld [tilespmem:s11+$0xFFFFFFA0];
	v6 =	vmul.f32 $8.000000000e+00, v6  }
0x7b: {  	s17 =	simm.s32 $0xA880;
	s15 =	simm.s32 $0x16780;
	s6 =	simm.s32 $0x6;
	v1 =	vld [tilespmem:s30+$0xFFFFFFB0];
	[tilespmem:s16+$0x0] =	vst v5;
	v5 =	vmul.f32 $8.000000000e+00, v7  }
.LBB2_4:
0x7c: {  	v7 =	vld [tilespmem:s17+$0x0];
	[tilespmem:s13+$0x10] =	vst v6;
	v0 =	vmul.f32 $8.000000000e+00, v0;
	s19 =	smov.u32 s11;
	s11 =	smov.u32 s12;
	s12 =	smov.u32 s14  }
0x7d: {  	s14 =	smov.u32 s17;
	s6 =	sadd.s32 $0x2, s6;
	v3 =	vmul.f32 $8.000000000e+00, v3;
	v6 =	vld [tilespmem:s12+$0x10];
	[tilespmem:s8+$0x20] =	vst v5  }
0x7e: {  	p0 =	slt.u32 s6, $0x7E;
	v4 =	vmul.f32 $8.000000000e+00, v4;
	v5 =	vld [tilespmem:s11+$0x20];
	[tilespmem:s7+$0x30] =	vst v0  }
.Ltmp1:
0x7f: {  	[tilespmem:s16+$0xFFFFFF80] =	vst v3;
	v2 =	vmul.f32 $8.000000000e+00, v2;
	v0 =	vld [tilespmem:s19+$0x30];
	(pc) =	sbr.rel @p0 .LBB2_4-.Ltmp1, $4  }
0x80: {  	v3 =	vld [tilespmem:s17+$0xFFFFFF80];
	[tilespmem:s13+$0xFFFFFF90] =	vst v4;
	v1 =	vmul.f32 $8.000000000e+00, v1  }
0x81: {  	v7 =	vmul.f32 $8.000000000e+00, v7;
	v4 =	vld [tilespmem:s12+$0xFFFFFF90];
	[tilespmem:s8+$0xFFFFFFA0] =	vst v2  }
0x82: {  	s16 =	sadd.s32 $0x100, s16;
	v6 =	vmul.f32 $8.000000000e+00, v6;
	v2 =	vld [tilespmem:s11+$0xFFFFFFA0];
	[tilespmem:s7+$0xFFFFFFB0] =	vst v1;
	s7 =	smov.u32 s8;
	s8 =	smov.u32 s13  }
0x83: {  	s17 =	sadd.s32 $0x100, s17;
	s13 =	smov.u32 s15;
	s15 =	smov.u32 s16;
	[tilespmem:s16+$0x0] =	vst v7;
	v5 =	vmul.f32 $8.000000000e+00, v5;
	v1 =	vld [tilespmem:s19+$0xFFFFFFB0]  }
0x84: {  	_ = 	snop  }
0x85: {  	v3 =	vmul.f32 $8.000000000e+00, v3;
	_ =	sdelay $0x1  }
0x86: {  	v7 =	vld [tilespmem:s14+$0x10];
	[tilespmem:s16+$0xFFFFFF80] =	vst v3  }
0x87: {  	v3 =	vld [tilespmem:s14+$0xFFFFFF90];
	_ =	sdelay $0x2  }
0x88: {  	v4 =	vmul.f32 $8.000000000e+00, v4  }
0x89: {  	[tilespmem:s13+$0x10] =	vst v6;
	v49 =	vmul.f32 $8.000000000e+00, v7  }
0x8a: {  	v50 =	vld [tilespmem:s12+$0x20];
	[tilespmem:s13+$0xFFFFFF90] =	vst v4;
	v3 =	vmul.f32 $8.000000000e+00, v3  }
0x8b: {  	v4 =	vld [tilespmem:s12+$0xFFFFFFA0];
	[tilespmem:s15+$0x10] =	vst v49  }
0x8c: {  	v6 =	vld [tilespmem:s14+$0x20];
	[tilespmem:s15+$0xFFFFFF90] =	vst v3  }
0x8d: {  	v3 =	vld [tilespmem:s14+$0xFFFFFFA0]  }
0x8e: {  	v2 =	vmul.f32 $8.000000000e+00, v2  }
0x8f: {  	[tilespmem:s8+$0x20] =	vst v5;
	v51 =	vmul.f32 $8.000000000e+00, v50  }
0x90: {  	v52 =	vld [tilespmem:s11+$0x30];
	[tilespmem:s8+$0xFFFFFFA0] =	vst v2;
	v4 =	vmul.f32 $8.000000000e+00, v4  }
0x91: {  	v53 =	vld [tilespmem:s11+$0xFFFFFFB0];
	[tilespmem:s13+$0x20] =	vst v51;
	v6 =	vmul.f32 $8.000000000e+00, v6  }
0x92: {  	v54 =	vld [tilespmem:s12+$0x30];
	[tilespmem:s13+$0xFFFFFFA0] =	vst v4;
	v3 =	vmul.f32 $8.000000000e+00, v3  }
0x93: {  	v0 =	vmul.f32 $8.000000000e+00, v0;
	v55 =	vld [tilespmem:s12+$0xFFFFFFB0];
	[tilespmem:s15+$0x20] =	vst v6  }
0x94: {  	v1 =	vmul.f32 $8.000000000e+00, v1;
	v56 =	vld [tilespmem:s14+$0x30];
	[tilespmem:s15+$0xFFFFFFA0] =	vst v3  }
0x95: {  	[tilespmem:s7+$0x30] =	vst v0;
	v57 =	vmul.f32 $8.000000000e+00, v52;
	v58 =	vld [tilespmem:s14+$0xFFFFFFB0]  }
0x96: {  	[tilespmem:s7+$0xFFFFFFB0] =	vst v1;
	v59 =	vmul.f32 $8.000000000e+00, v53  }
0x97: {  	[tilespmem:s8+$0x30] =	vst v57;
	v60 =	vmul.f32 $8.000000000e+00, v54  }
0x98: {  	[tilespmem:s8+$0xFFFFFFB0] =	vst v59;
	v61 =	vmul.f32 $8.000000000e+00, v55  }
0x99: {  	[tilespmem:s13+$0x30] =	vst v60;
	v62 =	vmul.f32 $8.000000000e+00, v56  }
0x9a: {  	[tilespmem:s13+$0xFFFFFFB0] =	vst v61;
	v63 =	vmul.f32 $8.000000000e+00, v58  }
0x9b: {  	[tilespmem:s15+$0x30] =	vst v62  }
0x9c: {  	[tilespmem:s15+$0xFFFFFFB0] =	vst v63  }
0x9d: {  	s30 =	simm.s32 $0x0;
	s6 =	rddreg [dreg:$0x5]  }
0x9e: {  	[hbm4b:s6+s30] =	stream.linear.scatter [tilespmem:s29], [sflag:$0x5], $0x4000, $0x38;
	[tilespmem:$0x1A400] =	vst v63  }
0x9f: {  	s25 =	simm.s32 $0x180  }
0xa0: {  	[tilespmem:s21], [sflag:$0x1] =	stream.indirect.gather [hbm4b:s3+s18], $0x80, s25, s18, $0xb8;
	[tilespmem:$0x1A400] =	vst v63  }
.LBB2_6:
0xa1: {  	_ =	swait.ge [sflag:s31], $0x4000  }
0xa2: {  	[sflag:s31] =	ssyncset.done $0x0  }
0xa3: {  	[sflag:s31] =	ssyncadd.s32 $0xFFFFC000  }
0xa4: {  	_ =	swait.ge [sflag:s0], $0x4000  }
0xa5: {  	[sflag:s0] =	ssyncset.done $0x0  }
0xa6: {  	s15 =	simm.s32 $0xE480;
	[sflag:s0] =	ssyncadd.s32 $0xFFFFC000  }
0xa7: {  	v0 =	vld [tilespmem:s15+$0x0];
	_ =	sdelay $0x3  }
0xa8: {  	v1 =	vld [tilespmem:s15+$0xFFFFFF80]  }
0xa9: {  	v0 =	vmul.f32 $8.000000000e+00, v0  }
0xaa: {  	s7 =	simm.s32 $0x12480;
	s11 =	simm.s32 $0xE580  }
0xab: {  	[tilespmem:s7+$0x0] =	vst v0;
	v0 =	vld [tilespmem:s11+$0x0]  }
0xac: {  	v2 =	vld [tilespmem:s15+$0x10]  }
0xad: {  	v1 =	vmul.f32 $8.000000000e+00, v1;
	_ =	sdelay $0x1  }
0xae: {  	[tilespmem:s7+$0xFFFFFF80] =	vst v1;
	v1 =	vld [tilespmem:s11+$0xFFFFFF80]  }
0xaf: {  	v3 =	vld [tilespmem:s15+$0xFFFFFF90];
	v0 =	vmul.f32 $8.000000000e+00, v0  }
0xb0: {  	s8 =	simm.s32 $0x12580;
	s12 =	simm.s32 $0xE680;
	v2 =	vmul.f32 $8.000000000e+00, v2  }
0xb1: {  	[tilespmem:s8+$0x0] =	vst v0;
	v0 =	vld [tilespmem:s12+$0x0]  }
0xb2: {  	[tilespmem:s7+$0x10] =	vst v2;
	v2 =	vld [tilespmem:s11+$0x10]  }
0xb3: {  	v1 =	vmul.f32 $8.000000000e+00, v1;
	v4 =	vld [tilespmem:s15+$0x20]  }
0xb4: {  	v3 =	vmul.f32 $8.000000000e+00, v3  }
0xb5: {  	[tilespmem:s8+$0xFFFFFF80] =	vst v1;
	v1 =	vld [tilespmem:s12+$0xFFFFFF80]  }
0xb6: {  	[tilespmem:s7+$0xFFFFFF90] =	vst v3;
	v3 =	vld [tilespmem:s11+$0xFFFFFF90];
	v0 =	vmul.f32 $8.000000000e+00, v0  }
0xb7: {  	s13 =	simm.s32 $0x12680;
	s14 =	simm.s32 $0xE780;
	v5 =	vld [tilespmem:s15+$0xFFFFFFA0];
	v2 =	vmul.f32 $8.000000000e+00, v2  }
0xb8: {  	[tilespmem:s13+$0x0] =	vst v0;
	v0 =	vmul.f32 $8.000000000e+00, v4;
	v4 =	vld [tilespmem:s14+$0x0]  }
0xb9: {  	[tilespmem:s8+$0x10] =	vst v2;
	v6 =	vld [tilespmem:s12+$0x10]  }
0xba: {  	v1 =	vmul.f32 $8.000000000e+00, v1;
	[tilespmem:s7+$0x20] =	vst v0;
	v7 =	vld [tilespmem:s11+$0x20]  }
0xbb: {  	v2 =	vmul.f32 $8.000000000e+00, v3;
	v0 =	vld [tilespmem:s15+$0x30]  }
0xbc: {  	[tilespmem:s13+$0xFFFFFF80] =	vst v1;
	v1 =	vmul.f32 $8.000000000e+00, v5;
	v3 =	vld [tilespmem:s14+$0xFFFFFF80]  }
0xbd: {  	[tilespmem:s8+$0xFFFFFF90] =	vst v2;
	v5 =	vmul.f32 $8.000000000e+00, v4;
	v4 =	vld [tilespmem:s12+$0xFFFFFF90]  }
0xbe: {  	s16 =	simm.s32 $0x12780;
	[tilespmem:s7+$0xFFFFFFA0] =	vst v1;
	v2 =	vld [tilespmem:s11+$0xFFFFFFA0];
	v6 =	vmul.f32 $8.000000000e+00, v6  }
0xbf: {  	s6 =	simm.s32 $0x6;
	s17 =	simm.s32 $0xE880;
	v1 =	vld [tilespmem:s15+$0xFFFFFFB0];
	s15 =	simm.s32 $0x12780;
	[tilespmem:s16+$0x0] =	vst v5;
	v5 =	vmul.f32 $8.000000000e+00, v7  }
.LBB2_7:
0xc0: {  	v7 =	vld [tilespmem:s17+$0x0];
	[tilespmem:s13+$0x10] =	vst v6;
	v0 =	vmul.f32 $8.000000000e+00, v0;
	s19 =	smov.u32 s11;
	s11 =	smov.u32 s12;
	s12 =	smov.u32 s14  }
0xc1: {  	s14 =	smov.u32 s17;
	s6 =	sadd.s32 $0x2, s6;
	v3 =	vmul.f32 $8.000000000e+00, v3;
	v6 =	vld [tilespmem:s12+$0x10];
	[tilespmem:s8+$0x20] =	vst v5  }
0xc2: {  	p0 =	slt.u32 s6, $0x7E;
	v4 =	vmul.f32 $8.000000000e+00, v4;
	v5 =	vld [tilespmem:s11+$0x20];
	[tilespmem:s7+$0x30] =	vst v0  }
.Ltmp2:
0xc3: {  	[tilespmem:s16+$0xFFFFFF80] =	vst v3;
	v2 =	vmul.f32 $8.000000000e+00, v2;
	v0 =	vld [tilespmem:s19+$0x30];
	(pc) =	sbr.rel @p0 .LBB2_7-.Ltmp2, $4  }
0xc4: {  	v3 =	vld [tilespmem:s17+$0xFFFFFF80];
	[tilespmem:s13+$0xFFFFFF90] =	vst v4;
	v1 =	vmul.f32 $8.000000000e+00, v1  }
0xc5: {  	v7 =	vmul.f32 $8.000000000e+00, v7;
	v4 =	vld [tilespmem:s12+$0xFFFFFF90];
	[tilespmem:s8+$0xFFFFFFA0] =	vst v2  }
0xc6: {  	s16 =	sadd.s32 $0x100, s16;
	v6 =	vmul.f32 $8.000000000e+00, v6;
	v2 =	vld [tilespmem:s11+$0xFFFFFFA0];
	[tilespmem:s7+$0xFFFFFFB0] =	vst v1;
	s7 =	smov.u32 s8;
	s8 =	smov.u32 s13  }
0xc7: {  	s17 =	sadd.s32 $0x100, s17;
	s13 =	smov.u32 s15;
	s15 =	smov.u32 s16;
	[tilespmem:s16+$0x0] =	vst v7;
	v5 =	vmul.f32 $8.000000000e+00, v5;
	v1 =	vld [tilespmem:s19+$0xFFFFFFB0]  }
0xc8: {  	_ = 	snop  }
0xc9: {  	v7 =	vld [tilespmem:s14+$0x10];
	v3 =	vmul.f32 $8.000000000e+00, v3;
	_ =	sdelay $0x1  }
0xca: {  	[tilespmem:s16+$0xFFFFFF80] =	vst v3  }
0xcb: {  	v3 =	vld [tilespmem:s14+$0xFFFFFF90]  }
0xcc: {  	v4 =	vmul.f32 $8.000000000e+00, v4  }
0xcd: {  	[tilespmem:s13+$0x10] =	vst v6;
	v6 =	vmul.f32 $8.000000000e+00, v7  }
0xce: {  	[tilespmem:s13+$0xFFFFFF90] =	vst v4;
	v7 =	vld [tilespmem:s12+$0x20]  }
0xcf: {  	v4 =	vld [tilespmem:s12+$0xFFFFFFA0];
	[tilespmem:s15+$0x10] =	vst v6  }
0xd0: {  	v6 =	vld [tilespmem:s14+$0x20];
	v3 =	vmul.f32 $8.000000000e+00, v3;
	_ =	sdelay $0x1  }
0xd1: {  	v2 =	vmul.f32 $8.000000000e+00, v2;
	[tilespmem:s15+$0xFFFFFF90] =	vst v3  }
0xd2: {  	[tilespmem:s8+$0x20] =	vst v5;
	v5 =	vmul.f32 $8.000000000e+00, v7;
	v3 =	vld [tilespmem:s14+$0xFFFFFFA0]  }
0xd3: {  	[tilespmem:s8+$0xFFFFFFA0] =	vst v2;
	v2 =	vld [tilespmem:s11+$0x30];
	v4 =	vmul.f32 $8.000000000e+00, v4  }
0xd4: {  	[tilespmem:s13+$0x20] =	vst v5;
	v5 =	vld [tilespmem:s11+$0xFFFFFFB0];
	v6 =	vmul.f32 $8.000000000e+00, v6  }
0xd5: {  	v0 =	vmul.f32 $8.000000000e+00, v0;
	[tilespmem:s13+$0xFFFFFFA0] =	vst v4;
	v4 =	vld [tilespmem:s12+$0x30]  }
0xd6: {  	v1 =	vmul.f32 $8.000000000e+00, v1;
	[tilespmem:s15+$0x20] =	vst v6;
	v6 =	vld [tilespmem:s12+$0xFFFFFFB0]  }
0xd7: {  	[tilespmem:s7+$0x30] =	vst v0;
	v3 =	vmul.f32 $8.000000000e+00, v3  }
0xd8: {  	[tilespmem:s7+$0xFFFFFFB0] =	vst v1;
	v0 =	vmul.f32 $8.000000000e+00, v2  }
0xd9: {  	v1 =	vmul.f32 $8.000000000e+00, v5;
	[tilespmem:s15+$0xFFFFFFA0] =	vst v3;
	v3 =	vld [tilespmem:s14+$0x30]  }
0xda: {  	[tilespmem:s8+$0x30] =	vst v0;
	v0 =	vmul.f32 $8.000000000e+00, v4;
	v2 =	vld [tilespmem:s14+$0xFFFFFFB0]  }
0xdb: {  	[tilespmem:s8+$0xFFFFFFB0] =	vst v1;
	v1 =	vmul.f32 $8.000000000e+00, v6  }
0xdc: {  	[tilespmem:s13+$0x30] =	vst v0  }
0xdd: {  	s19 =	smul.u32 $0x300, s30;
	[tilespmem:s13+$0xFFFFFFB0] =	vst v1  }
0xde: {  	s6 =	rddreg [dreg:$0x6];
	v0 =	vmul.f32 $8.000000000e+00, v3  }
0xdf: {  	s6 =	sadd.s32 s19, s6;
	v1 =	vmul.f32 $8.000000000e+00, v2  }
0xe0: {  	s6 =	sshll.u32 s6, $0x4;
	[tilespmem:s15+$0x30] =	vst v0  }
0xe1: {  	s6 =	sadd.s32 s4, s6;
	[tilespmem:s15+$0xFFFFFFB0] =	vst v1  }
0xe2: {  	[hbm4b:s6+s2] =	stream.linear.scatter [tilespmem:s24], [sflag:$0x4], $0x4000, $0x38;
	[tilespmem:$0x1A400] =	vst v63  }
0xe3: {  	s7 =	sadd.s32 $0x200, s19  }
0xe4: {  	[tilespmem:s22], [sflag:$0x2] =	stream.indirect.gather [hbm4b:s3+s18], $0x80, s7, s18, $0xb8;
	[tilespmem:$0x1A400] =	vst v63  }
0xe5: {  	_ =	swait.ge [sflag:s23], $0x4000  }
0xe6: {  	[sflag:s23] =	ssyncset.done $0x0  }
0xe7: {  	[sflag:s23] =	ssyncadd.s32 $0xFFFFC000  }
0xe8: {  	_ =	swait.ge [sflag:s1], $0x4000  }
0xe9: {  	[sflag:s1] =	ssyncset.done $0x0  }
0xea: {  	s25 =	simm.s32 $0x6480;
	[sflag:s1] =	ssyncadd.s32 $0xFFFFC000  }
0xeb: {  	v0 =	vld [tilespmem:s25+$0x0];
	_ =	sdelay $0x3  }
0xec: {  	v1 =	vld [tilespmem:s25+$0xFFFFFF80]  }
0xed: {  	v0 =	vmul.f32 $8.000000000e+00, v0  }
0xee: {  	s12 =	simm.s32 $0x6580;
	s8 =	simm.s32 $0x16480  }
0xef: {  	[tilespmem:s8+$0x0] =	vst v0;
	v0 =	vld [tilespmem:s12+$0x0]  }
0xf0: {  	v2 =	vld [tilespmem:s25+$0x10]  }
0xf1: {  	v1 =	vmul.f32 $8.000000000e+00, v1;
	_ =	sdelay $0x1  }
0xf2: {  	[tilespmem:s8+$0xFFFFFF80] =	vst v1;
	v1 =	vld [tilespmem:s12+$0xFFFFFF80]  }
0xf3: {  	v3 =	vld [tilespmem:s25+$0xFFFFFF90];
	v0 =	vmul.f32 $8.000000000e+00, v0  }
0xf4: {  	s11 =	simm.s32 $0x16580;
	s13 =	simm.s32 $0x6680;
	v2 =	vmul.f32 $8.000000000e+00, v2  }
0xf5: {  	[tilespmem:s11+$0x0] =	vst v0;
	v0 =	vld [tilespmem:s13+$0x0]  }
0xf6: {  	[tilespmem:s8+$0x10] =	vst v2;
	v2 =	vld [tilespmem:s12+$0x10]  }
0xf7: {  	v1 =	vmul.f32 $8.000000000e+00, v1;
	v4 =	vld [tilespmem:s25+$0x20]  }
0xf8: {  	v3 =	vmul.f32 $8.000000000e+00, v3  }
0xf9: {  	[tilespmem:s11+$0xFFFFFF80] =	vst v1;
	v1 =	vld [tilespmem:s13+$0xFFFFFF80]  }
0xfa: {  	[tilespmem:s8+$0xFFFFFF90] =	vst v3;
	v3 =	vld [tilespmem:s12+$0xFFFFFF90];
	v0 =	vmul.f32 $8.000000000e+00, v0  }
0xfb: {  	s14 =	simm.s32 $0x16680;
	s15 =	simm.s32 $0x6780;
	v5 =	vld [tilespmem:s25+$0xFFFFFFA0];
	v2 =	vmul.f32 $8.000000000e+00, v2  }
0xfc: {  	[tilespmem:s14+$0x0] =	vst v0;
	v0 =	vmul.f32 $8.000000000e+00, v4;
	v4 =	vld [tilespmem:s15+$0x0]  }
0xfd: {  	[tilespmem:s11+$0x10] =	vst v2;
	v6 =	vld [tilespmem:s13+$0x10]  }
0xfe: {  	v1 =	vmul.f32 $8.000000000e+00, v1;
	[tilespmem:s8+$0x20] =	vst v0;
	v7 =	vld [tilespmem:s12+$0x20]  }
0xff: {  	v2 =	vmul.f32 $8.000000000e+00, v3;
	v0 =	vld [tilespmem:s25+$0x30]  }
0x100: {  	[tilespmem:s14+$0xFFFFFF80] =	vst v1;
	v1 =	vmul.f32 $8.000000000e+00, v5;
	v3 =	vld [tilespmem:s15+$0xFFFFFF80]  }
0x101: {  	[tilespmem:s11+$0xFFFFFF90] =	vst v2;
	v5 =	vmul.f32 $8.000000000e+00, v4;
	v4 =	vld [tilespmem:s13+$0xFFFFFF90]  }
0x102: {  	s17 =	simm.s32 $0x16780;
	[tilespmem:s8+$0xFFFFFFA0] =	vst v1;
	v2 =	vld [tilespmem:s12+$0xFFFFFFA0];
	v6 =	vmul.f32 $8.000000000e+00, v6  }
0x103: {  	s20 =	simm.s32 $0x6880;
	s16 =	simm.s32 $0x16780;
	s6 =	simm.s32 $0x6;
	v1 =	vld [tilespmem:s25+$0xFFFFFFB0];
	[tilespmem:s17+$0x0] =	vst v5;
	v5 =	vmul.f32 $8.000000000e+00, v7  }
.LBB2_9:
0x104: {  	v7 =	vld [tilespmem:s20+$0x0];
	[tilespmem:s14+$0x10] =	vst v6;
	v0 =	vmul.f32 $8.000000000e+00, v0;
	s25 =	smov.u32 s12;
	s12 =	smov.u32 s13;
	s13 =	smov.u32 s15  }
0x105: {  	s15 =	smov.u32 s20;
	s6 =	sadd.s32 $0x2, s6;
	v3 =	vmul.f32 $8.000000000e+00, v3;
	v6 =	vld [tilespmem:s13+$0x10];
	[tilespmem:s11+$0x20] =	vst v5  }
0x106: {  	p0 =	slt.u32 s6, $0x7E;
	v4 =	vmul.f32 $8.000000000e+00, v4;
	v5 =	vld [tilespmem:s12+$0x20];
	[tilespmem:s8+$0x30] =	vst v0  }
.Ltmp3:
0x107: {  	[tilespmem:s17+$0xFFFFFF80] =	vst v3;
	v2 =	vmul.f32 $8.000000000e+00, v2;
	v0 =	vld [tilespmem:s25+$0x30];
	(pc) =	sbr.rel @p0 .LBB2_9-.Ltmp3, $4  }
0x108: {  	v3 =	vld [tilespmem:s20+$0xFFFFFF80];
	[tilespmem:s14+$0xFFFFFF90] =	vst v4;
	v1 =	vmul.f32 $8.000000000e+00, v1  }
0x109: {  	v7 =	vmul.f32 $8.000000000e+00, v7;
	v4 =	vld [tilespmem:s13+$0xFFFFFF90];
	[tilespmem:s11+$0xFFFFFFA0] =	vst v2  }
0x10a: {  	s17 =	sadd.s32 $0x100, s17;
	v6 =	vmul.f32 $8.000000000e+00, v6;
	v2 =	vld [tilespmem:s12+$0xFFFFFFA0];
	[tilespmem:s8+$0xFFFFFFB0] =	vst v1;
	s8 =	smov.u32 s11;
	s11 =	smov.u32 s14  }
0x10b: {  	s20 =	sadd.s32 $0x100, s20;
	s14 =	smov.u32 s16;
	s16 =	smov.u32 s17;
	[tilespmem:s17+$0x0] =	vst v7;
	v5 =	vmul.f32 $8.000000000e+00, v5;
	v1 =	vld [tilespmem:s25+$0xFFFFFFB0]  }
0x10c: {  	_ = 	snop  }
0x10d: {  	v3 =	vmul.f32 $8.000000000e+00, v3;
	_ =	sdelay $0x1  }
0x10e: {  	v7 =	vld [tilespmem:s15+$0x10];
	[tilespmem:s17+$0xFFFFFF80] =	vst v3  }
0x10f: {  	v3 =	vld [tilespmem:s15+$0xFFFFFF90];
	_ =	sdelay $0x2  }
0x110: {  	v4 =	vmul.f32 $8.000000000e+00, v4  }
0x111: {  	[tilespmem:s14+$0x10] =	vst v6;
	v6 =	vmul.f32 $8.000000000e+00, v7  }
0x112: {  	[tilespmem:s14+$0xFFFFFF90] =	vst v4;
	v7 =	vld [tilespmem:s13+$0x20];
	v3 =	vmul.f32 $8.000000000e+00, v3  }
0x113: {  	v4 =	vld [tilespmem:s13+$0xFFFFFFA0];
	[tilespmem:s16+$0x10] =	vst v6  }
0x114: {  	v6 =	vld [tilespmem:s15+$0x20];
	[tilespmem:s16+$0xFFFFFF90] =	vst v3  }
0x115: {  	v3 =	vld [tilespmem:s15+$0xFFFFFFA0]  }
0x116: {  	v2 =	vmul.f32 $8.000000000e+00, v2  }
0x117: {  	[tilespmem:s11+$0x20] =	vst v5;
	v5 =	vmul.f32 $8.000000000e+00, v7  }
0x118: {  	[tilespmem:s11+$0xFFFFFFA0] =	vst v2;
	v2 =	vld [tilespmem:s12+$0x30];
	v4 =	vmul.f32 $8.000000000e+00, v4  }
0x119: {  	[tilespmem:s14+$0x20] =	vst v5;
	v5 =	vld [tilespmem:s12+$0xFFFFFFB0];
	v6 =	vmul.f32 $8.000000000e+00, v6  }
0x11a: {  	[tilespmem:s14+$0xFFFFFFA0] =	vst v4;
	v4 =	vld [tilespmem:s13+$0x30];
	v3 =	vmul.f32 $8.000000000e+00, v3  }
0x11b: {  	v0 =	vmul.f32 $8.000000000e+00, v0;
	[tilespmem:s16+$0x20] =	vst v6;
	v6 =	vld [tilespmem:s13+$0xFFFFFFB0]  }
0x11c: {  	v1 =	vmul.f32 $8.000000000e+00, v1;
	[tilespmem:s16+$0xFFFFFFA0] =	vst v3;
	v3 =	vld [tilespmem:s15+$0x30]  }
0x11d: {  	[tilespmem:s8+$0x30] =	vst v0;
	v0 =	vmul.f32 $8.000000000e+00, v2;
	v2 =	vld [tilespmem:s15+$0xFFFFFFB0]  }
0x11e: {  	[tilespmem:s8+$0xFFFFFFB0] =	vst v1;
	v1 =	vmul.f32 $8.000000000e+00, v5  }
0x11f: {  	[tilespmem:s11+$0x30] =	vst v0;
	v0 =	vmul.f32 $8.000000000e+00, v4  }
0x120: {  	[tilespmem:s11+$0xFFFFFFB0] =	vst v1;
	v1 =	vmul.f32 $8.000000000e+00, v6  }
0x121: {  	[tilespmem:s14+$0x30] =	vst v0;
	v0 =	vmul.f32 $8.000000000e+00, v3  }
0x122: {  	s6 =	sadd.s32 s19, s10;
	[tilespmem:s14+$0xFFFFFFB0] =	vst v1;
	v1 =	vmul.f32 $8.000000000e+00, v2  }
0x123: {  	s6 =	sshll.u32 s6, $0x4;
	[tilespmem:s16+$0x30] =	vst v0  }
0x124: {  	s6 =	sadd.s32 s4, s6;
	[tilespmem:s16+$0xFFFFFFB0] =	vst v1  }
0x125: {  	[hbm4b:s6+s2] =	stream.linear.scatter [tilespmem:s29], [sflag:$0x5], $0x4000, $0x38;
	[tilespmem:$0x1A400] =	vst v63  }
0x126: {  	s8 =	sadd.s32 $0x280, s19  }
0x127: {  	[tilespmem:s26], [sflag:$0x3] =	stream.indirect.gather [hbm4b:s3+s18], $0x80, s8, s18, $0xb8;
	[tilespmem:$0x1A400] =	vst v63  }
0x128: {  	_ =	swait.ge [sflag:s28], $0x4000  }
0x129: {  	[sflag:s28] =	ssyncset.done $0x0  }
0x12a: {  	[sflag:s28] =	ssyncadd.s32 $0xFFFFC000  }
0x12b: {  	_ =	swait.ge [sflag:s0], $0x4000  }
0x12c: {  	[sflag:s0] =	ssyncset.done $0x0  }
0x12d: {  	s9 =	simm.s32 $0xA480;
	[sflag:s0] =	ssyncadd.s32 $0xFFFFC000  }
0x12e: {  	v0 =	vld [tilespmem:s9+$0x0];
	_ =	sdelay $0x3  }
0x12f: {  	v1 =	vld [tilespmem:s9+$0xFFFFFF80]  }
0x130: {  	v0 =	vmul.f32 $8.000000000e+00, v0  }
0x131: {  	s13 =	simm.s32 $0xA580;
	s11 =	simm.s32 $0x12480  }
0x132: {  	[tilespmem:s11+$0x0] =	vst v0;
	v0 =	vld [tilespmem:s13+$0x0]  }
0x133: {  	v2 =	vld [tilespmem:s9+$0x10]  }
0x134: {  	v1 =	vmul.f32 $8.000000000e+00, v1;
	_ =	sdelay $0x1  }
0x135: {  	[tilespmem:s11+$0xFFFFFF80] =	vst v1;
	v1 =	vld [tilespmem:s13+$0xFFFFFF80]  }
0x136: {  	v3 =	vld [tilespmem:s9+$0xFFFFFF90];
	v0 =	vmul.f32 $8.000000000e+00, v0  }
0x137: {  	s12 =	simm.s32 $0x12580;
	s14 =	simm.s32 $0xA680;
	v2 =	vmul.f32 $8.000000000e+00, v2  }
0x138: {  	[tilespmem:s12+$0x0] =	vst v0;
	v0 =	vld [tilespmem:s14+$0x0]  }
0x139: {  	[tilespmem:s11+$0x10] =	vst v2;
	v2 =	vld [tilespmem:s13+$0x10]  }
0x13a: {  	v1 =	vmul.f32 $8.000000000e+00, v1;
	v4 =	vld [tilespmem:s9+$0x20]  }
0x13b: {  	v3 =	vmul.f32 $8.000000000e+00, v3  }
0x13c: {  	[tilespmem:s12+$0xFFFFFF80] =	vst v1;
	v1 =	vld [tilespmem:s14+$0xFFFFFF80]  }
0x13d: {  	[tilespmem:s11+$0xFFFFFF90] =	vst v3;
	v3 =	vld [tilespmem:s13+$0xFFFFFF90];
	v0 =	vmul.f32 $8.000000000e+00, v0  }
0x13e: {  	s15 =	simm.s32 $0x12680;
	s16 =	simm.s32 $0xA780;
	v5 =	vld [tilespmem:s9+$0xFFFFFFA0];
	v2 =	vmul.f32 $8.000000000e+00, v2  }
0x13f: {  	[tilespmem:s15+$0x0] =	vst v0;
	v0 =	vmul.f32 $8.000000000e+00, v4;
	v4 =	vld [tilespmem:s16+$0x0]  }
0x140: {  	[tilespmem:s12+$0x10] =	vst v2;
	v6 =	vld [tilespmem:s14+$0x10]  }
0x141: {  	v1 =	vmul.f32 $8.000000000e+00, v1;
	[tilespmem:s11+$0x20] =	vst v0;
	v7 =	vld [tilespmem:s13+$0x20]  }
0x142: {  	v2 =	vmul.f32 $8.000000000e+00, v3;
	v0 =	vld [tilespmem:s9+$0x30]  }
0x143: {  	[tilespmem:s15+$0xFFFFFF80] =	vst v1;
	v1 =	vmul.f32 $8.000000000e+00, v5;
	v3 =	vld [tilespmem:s16+$0xFFFFFF80]  }
0x144: {  	[tilespmem:s12+$0xFFFFFF90] =	vst v2;
	v5 =	vmul.f32 $8.000000000e+00, v4;
	v4 =	vld [tilespmem:s14+$0xFFFFFF90]  }
0x145: {  	s6 =	simm.s32 $0x12780;
	[tilespmem:s11+$0xFFFFFFA0] =	vst v1;
	v2 =	vld [tilespmem:s13+$0xFFFFFFA0];
	v6 =	vmul.f32 $8.000000000e+00, v6  }
0x146: {  	s20 =	simm.s32 $0x6;
	s25 =	simm.s32 $0xA880;
	s17 =	simm.s32 $0x12780;
	v1 =	vld [tilespmem:s9+$0xFFFFFFB0];
	[tilespmem:s6+$0x0] =	vst v5;
	v5 =	vmul.f32 $8.000000000e+00, v7  }
.LBB2_11:
0x147: {  	v7 =	vld [tilespmem:s25+$0x0];
	[tilespmem:s15+$0x10] =	vst v6;
	v0 =	vmul.f32 $8.000000000e+00, v0;
	s9 =	smov.u32 s13;
	s13 =	smov.u32 s14;
	s14 =	smov.u32 s16  }
0x148: {  	s16 =	smov.u32 s25;
	s20 =	sadd.s32 $0x2, s20;
	v3 =	vmul.f32 $8.000000000e+00, v3;
	v6 =	vld [tilespmem:s14+$0x10];
	[tilespmem:s12+$0x20] =	vst v5  }
0x149: {  	p0 =	slt.u32 s20, $0x7E;
	v4 =	vmul.f32 $8.000000000e+00, v4;
	v5 =	vld [tilespmem:s13+$0x20];
	[tilespmem:s11+$0x30] =	vst v0  }
.Ltmp4:
0x14a: {  	[tilespmem:s6+$0xFFFFFF80] =	vst v3;
	v2 =	vmul.f32 $8.000000000e+00, v2;
	v0 =	vld [tilespmem:s9+$0x30];
	(pc) =	sbr.rel @p0 .LBB2_11-.Ltmp4, $4  }
0x14b: {  	v3 =	vld [tilespmem:s25+$0xFFFFFF80];
	[tilespmem:s15+$0xFFFFFF90] =	vst v4;
	v1 =	vmul.f32 $8.000000000e+00, v1  }
0x14c: {  	v7 =	vmul.f32 $8.000000000e+00, v7;
	v4 =	vld [tilespmem:s14+$0xFFFFFF90];
	[tilespmem:s12+$0xFFFFFFA0] =	vst v2  }
0x14d: {  	s6 =	sadd.s32 $0x100, s6;
	v6 =	vmul.f32 $8.000000000e+00, v6;
	v2 =	vld [tilespmem:s13+$0xFFFFFFA0];
	[tilespmem:s11+$0xFFFFFFB0] =	vst v1;
	s11 =	smov.u32 s12;
	s12 =	smov.u32 s15  }
0x14e: {  	s25 =	sadd.s32 $0x100, s25;
	s15 =	smov.u32 s17;
	s17 =	smov.u32 s6;
	[tilespmem:s6+$0x0] =	vst v7;
	v5 =	vmul.f32 $8.000000000e+00, v5;
	v1 =	vld [tilespmem:s9+$0xFFFFFFB0]  }
0x14f: {  	_ = 	snop  }
0x150: {  	v3 =	vmul.f32 $8.000000000e+00, v3;
	_ =	sdelay $0x1  }
0x151: {  	v7 =	vld [tilespmem:s16+$0x10];
	[tilespmem:s6+$0xFFFFFF80] =	vst v3  }
0x152: {  	v3 =	vld [tilespmem:s16+$0xFFFFFF90];
	_ =	sdelay $0x2  }
0x153: {  	v4 =	vmul.f32 $8.000000000e+00, v4  }
0x154: {  	[tilespmem:s15+$0x10] =	vst v6;
	v6 =	vmul.f32 $8.000000000e+00, v7  }
0x155: {  	[tilespmem:s15+$0xFFFFFF90] =	vst v4;
	v7 =	vld [tilespmem:s14+$0x20];
	v3 =	vmul.f32 $8.000000000e+00, v3  }
0x156: {  	v4 =	vld [tilespmem:s14+$0xFFFFFFA0];
	[tilespmem:s17+$0x10] =	vst v6  }
0x157: {  	v6 =	vld [tilespmem:s16+$0x20];
	[tilespmem:s17+$0xFFFFFF90] =	vst v3  }
0x158: {  	v3 =	vld [tilespmem:s16+$0xFFFFFFA0]  }
0x159: {  	v2 =	vmul.f32 $8.000000000e+00, v2  }
0x15a: {  	[tilespmem:s12+$0x20] =	vst v5;
	v5 =	vmul.f32 $8.000000000e+00, v7  }
0x15b: {  	[tilespmem:s12+$0xFFFFFFA0] =	vst v2;
	v2 =	vld [tilespmem:s13+$0x30];
	v4 =	vmul.f32 $8.000000000e+00, v4  }
0x15c: {  	[tilespmem:s15+$0x20] =	vst v5;
	v5 =	vld [tilespmem:s13+$0xFFFFFFB0];
	v6 =	vmul.f32 $8.000000000e+00, v6  }
0x15d: {  	[tilespmem:s15+$0xFFFFFFA0] =	vst v4;
	v4 =	vld [tilespmem:s14+$0x30];
	v3 =	vmul.f32 $8.000000000e+00, v3  }
0x15e: {  	v0 =	vmul.f32 $8.000000000e+00, v0;
	[tilespmem:s17+$0x20] =	vst v6;
	v6 =	vld [tilespmem:s14+$0xFFFFFFB0]  }
0x15f: {  	v1 =	vmul.f32 $8.000000000e+00, v1;
	[tilespmem:s17+$0xFFFFFFA0] =	vst v3;
	v3 =	vld [tilespmem:s16+$0x30]  }
0x160: {  	[tilespmem:s11+$0x30] =	vst v0;
	v0 =	vmul.f32 $8.000000000e+00, v2;
	v2 =	vld [tilespmem:s16+$0xFFFFFFB0]  }
0x161: {  	[tilespmem:s11+$0xFFFFFFB0] =	vst v1;
	v1 =	vmul.f32 $8.000000000e+00, v5  }
0x162: {  	[tilespmem:s12+$0x30] =	vst v0;
	v0 =	vmul.f32 $8.000000000e+00, v4  }
0x163: {  	[tilespmem:s12+$0xFFFFFFB0] =	vst v1;
	v1 =	vmul.f32 $8.000000000e+00, v6  }
0x164: {  	[tilespmem:s15+$0x30] =	vst v0;
	v0 =	vmul.f32 $8.000000000e+00, v3  }
0x165: {  	s25 =	sadd.s32 s5, s7;
	[tilespmem:s15+$0xFFFFFFB0] =	vst v1;
	v1 =	vmul.f32 $8.000000000e+00, v2  }
0x166: {  	s6 =	sshll.u32 s25, $0x4;
	[tilespmem:s17+$0x30] =	vst v0  }
0x167: {  	s6 =	sadd.s32 s4, s6;
	[tilespmem:s17+$0xFFFFFFB0] =	vst v1  }
0x168: {  	[hbm4b:s6+s2] =	stream.linear.scatter [tilespmem:s24], [sflag:$0x4], $0x4000, $0x38;
	[tilespmem:$0x1A400] =	vst v63  }
0x169: {  	s7 =	sadd.s32 $0x300, s19  }
0x16a: {  	[tilespmem:s21], [sflag:$0x1] =	stream.indirect.gather [hbm4b:s3+s18], $0x80, s7, s18, $0xb8;
	[tilespmem:$0x1A400] =	vst v63  }
0x16b: {  	_ =	swait.ge [sflag:s31], $0x4000  }
0x16c: {  	[sflag:s31] =	ssyncset.done $0x0  }
0x16d: {  	[sflag:s31] =	ssyncadd.s32 $0xFFFFC000  }
0x16e: {  	_ =	swait.ge [sflag:s1], $0x4000  }
0x16f: {  	[sflag:s1] =	ssyncset.done $0x0  }
0x170: {  	s9 =	simm.s32 $0xE480;
	[sflag:s1] =	ssyncadd.s32 $0xFFFFC000  }
0x171: {  	v0 =	vld [tilespmem:s9+$0x0];
	_ =	sdelay $0x3  }
0x172: {  	v1 =	vld [tilespmem:s9+$0xFFFFFF80]  }
0x173: {  	v0 =	vmul.f32 $8.000000000e+00, v0  }
0x174: {  	s11 =	simm.s32 $0x16480;
	s13 =	simm.s32 $0xE580  }
0x175: {  	[tilespmem:s11+$0x0] =	vst v0;
	v0 =	vld [tilespmem:s13+$0x0]  }
0x176: {  	v2 =	vld [tilespmem:s9+$0x10]  }
0x177: {  	v1 =	vmul.f32 $8.000000000e+00, v1;
	_ =	sdelay $0x1  }
0x178: {  	[tilespmem:s11+$0xFFFFFF80] =	vst v1;
	v1 =	vld [tilespmem:s13+$0xFFFFFF80]  }
0x179: {  	v3 =	vld [tilespmem:s9+$0xFFFFFF90];
	v0 =	vmul.f32 $8.000000000e+00, v0  }
0x17a: {  	s14 =	simm.s32 $0xE680;
	s12 =	simm.s32 $0x16580;
	v2 =	vmul.f32 $8.000000000e+00, v2  }
0x17b: {  	[tilespmem:s12+$0x0] =	vst v0;
	v0 =	vld [tilespmem:s14+$0x0]  }
0x17c: {  	[tilespmem:s11+$0x10] =	vst v2;
	v2 =	vld [tilespmem:s13+$0x10]  }
0x17d: {  	v1 =	vmul.f32 $8.000000000e+00, v1;
	v4 =	vld [tilespmem:s9+$0x20]  }
0x17e: {  	v3 =	vmul.f32 $8.000000000e+00, v3  }
0x17f: {  	[tilespmem:s12+$0xFFFFFF80] =	vst v1;
	v1 =	vld [tilespmem:s14+$0xFFFFFF80]  }
0x180: {  	[tilespmem:s11+$0xFFFFFF90] =	vst v3;
	v3 =	vld [tilespmem:s13+$0xFFFFFF90];
	v0 =	vmul.f32 $8.000000000e+00, v0  }
0x181: {  	s16 =	simm.s32 $0xE780;
	s15 =	simm.s32 $0x16680;
	v5 =	vld [tilespmem:s9+$0xFFFFFFA0];
	v2 =	vmul.f32 $8.000000000e+00, v2  }
0x182: {  	[tilespmem:s15+$0x0] =	vst v0;
	v0 =	vmul.f32 $8.000000000e+00, v4;
	v4 =	vld [tilespmem:s16+$0x0]  }
0x183: {  	[tilespmem:s12+$0x10] =	vst v2;
	v6 =	vld [tilespmem:s14+$0x10]  }
0x184: {  	v1 =	vmul.f32 $8.000000000e+00, v1;
	[tilespmem:s11+$0x20] =	vst v0;
	v7 =	vld [tilespmem:s13+$0x20]  }
0x185: {  	v2 =	vmul.f32 $8.000000000e+00, v3;
	v0 =	vld [tilespmem:s9+$0x30]  }
0x186: {  	[tilespmem:s15+$0xFFFFFF80] =	vst v1;
	v1 =	vmul.f32 $8.000000000e+00, v5;
	v3 =	vld [tilespmem:s16+$0xFFFFFF80]  }
0x187: {  	[tilespmem:s12+$0xFFFFFF90] =	vst v2;
	v5 =	vmul.f32 $8.000000000e+00, v4;
	v4 =	vld [tilespmem:s14+$0xFFFFFF90]  }
0x188: {  	s6 =	simm.s32 $0x16780;
	[tilespmem:s11+$0xFFFFFFA0] =	vst v1;
	v2 =	vld [tilespmem:s13+$0xFFFFFFA0];
	v6 =	vmul.f32 $8.000000000e+00, v6  }
0x189: {  	s20 =	simm.s32 $0x6;
	s25 =	simm.s32 $0xE880;
	s17 =	simm.s32 $0x16780;
	v1 =	vld [tilespmem:s9+$0xFFFFFFB0];
	[tilespmem:s6+$0x0] =	vst v5;
	v5 =	vmul.f32 $8.000000000e+00, v7  }
.LBB2_13:
0x18a: {  	v7 =	vld [tilespmem:s25+$0x0];
	[tilespmem:s15+$0x10] =	vst v6;
	v0 =	vmul.f32 $8.000000000e+00, v0;
	s9 =	smov.u32 s13;
	s13 =	smov.u32 s14;
	s14 =	smov.u32 s16  }
0x18b: {  	s16 =	smov.u32 s25;
	s20 =	sadd.s32 $0x2, s20;
	v3 =	vmul.f32 $8.000000000e+00, v3;
	v6 =	vld [tilespmem:s14+$0x10];
	[tilespmem:s12+$0x20] =	vst v5  }
0x18c: {  	p0 =	slt.u32 s20, $0x7E;
	v4 =	vmul.f32 $8.000000000e+00, v4;
	v5 =	vld [tilespmem:s13+$0x20];
	[tilespmem:s11+$0x30] =	vst v0  }
.Ltmp5:
0x18d: {  	[tilespmem:s6+$0xFFFFFF80] =	vst v3;
	v2 =	vmul.f32 $8.000000000e+00, v2;
	v0 =	vld [tilespmem:s9+$0x30];
	(pc) =	sbr.rel @p0 .LBB2_13-.Ltmp5, $4  }
0x18e: {  	v3 =	vld [tilespmem:s25+$0xFFFFFF80];
	[tilespmem:s15+$0xFFFFFF90] =	vst v4;
	v1 =	vmul.f32 $8.000000000e+00, v1  }
0x18f: {  	v7 =	vmul.f32 $8.000000000e+00, v7;
	v4 =	vld [tilespmem:s14+$0xFFFFFF90];
	[tilespmem:s12+$0xFFFFFFA0] =	vst v2  }
0x190: {  	s6 =	sadd.s32 $0x100, s6;
	v6 =	vmul.f32 $8.000000000e+00, v6;
	v2 =	vld [tilespmem:s13+$0xFFFFFFA0];
	[tilespmem:s11+$0xFFFFFFB0] =	vst v1;
	s11 =	smov.u32 s12;
	s12 =	smov.u32 s15  }
0x191: {  	s25 =	sadd.s32 $0x100, s25;
	s15 =	smov.u32 s17;
	s17 =	smov.u32 s6;
	[tilespmem:s6+$0x0] =	vst v7;
	v5 =	vmul.f32 $8.000000000e+00, v5;
	v1 =	vld [tilespmem:s9+$0xFFFFFFB0]  }
0x192: {  	_ = 	snop  }
0x193: {  	v3 =	vmul.f32 $8.000000000e+00, v3;
	_ =	sdelay $0x1  }
0x194: {  	v7 =	vld [tilespmem:s16+$0x10];
	[tilespmem:s6+$0xFFFFFF80] =	vst v3  }
0x195: {  	v3 =	vld [tilespmem:s16+$0xFFFFFF90];
	_ =	sdelay $0x2  }
0x196: {  	v4 =	vmul.f32 $8.000000000e+00, v4  }
0x197: {  	[tilespmem:s15+$0x10] =	vst v6;
	v6 =	vmul.f32 $8.000000000e+00, v7  }
0x198: {  	[tilespmem:s15+$0xFFFFFF90] =	vst v4;
	v7 =	vld [tilespmem:s14+$0x20];
	v3 =	vmul.f32 $8.000000000e+00, v3  }
0x199: {  	v4 =	vld [tilespmem:s14+$0xFFFFFFA0];
	[tilespmem:s17+$0x10] =	vst v6  }
0x19a: {  	v6 =	vld [tilespmem:s16+$0x20];
	[tilespmem:s17+$0xFFFFFF90] =	vst v3  }
0x19b: {  	v3 =	vld [tilespmem:s16+$0xFFFFFFA0]  }
0x19c: {  	v2 =	vmul.f32 $8.000000000e+00, v2  }
0x19d: {  	[tilespmem:s12+$0x20] =	vst v5;
	v5 =	vmul.f32 $8.000000000e+00, v7  }
0x19e: {  	[tilespmem:s12+$0xFFFFFFA0] =	vst v2;
	v2 =	vld [tilespmem:s13+$0x30];
	v4 =	vmul.f32 $8.000000000e+00, v4  }
0x19f: {  	[tilespmem:s15+$0x20] =	vst v5;
	v5 =	vld [tilespmem:s13+$0xFFFFFFB0];
	v6 =	vmul.f32 $8.000000000e+00, v6  }
0x1a0: {  	[tilespmem:s15+$0xFFFFFFA0] =	vst v4;
	v4 =	vld [tilespmem:s14+$0x30];
	v3 =	vmul.f32 $8.000000000e+00, v3  }
0x1a1: {  	v0 =	vmul.f32 $8.000000000e+00, v0;
	[tilespmem:s17+$0x20] =	vst v6;
	v6 =	vld [tilespmem:s14+$0xFFFFFFB0]  }
0x1a2: {  	v1 =	vmul.f32 $8.000000000e+00, v1;
	[tilespmem:s17+$0xFFFFFFA0] =	vst v3;
	v3 =	vld [tilespmem:s16+$0x30]  }
0x1a3: {  	[tilespmem:s11+$0x30] =	vst v0;
	v0 =	vmul.f32 $8.000000000e+00, v2;
	v2 =	vld [tilespmem:s16+$0xFFFFFFB0]  }
0x1a4: {  	[tilespmem:s11+$0xFFFFFFB0] =	vst v1;
	v1 =	vmul.f32 $8.000000000e+00, v5  }
0x1a5: {  	[tilespmem:s12+$0x30] =	vst v0;
	v0 =	vmul.f32 $8.000000000e+00, v4  }
0x1a6: {  	[tilespmem:s12+$0xFFFFFFB0] =	vst v1;
	v1 =	vmul.f32 $8.000000000e+00, v6  }
0x1a7: {  	[tilespmem:s15+$0x30] =	vst v0;
	v0 =	vmul.f32 $8.000000000e+00, v3  }
0x1a8: {  	s25 =	sadd.s32 s5, s8;
	[tilespmem:s15+$0xFFFFFFB0] =	vst v1;
	v1 =	vmul.f32 $8.000000000e+00, v2  }
0x1a9: {  	s6 =	sshll.u32 s25, $0x4;
	[tilespmem:s17+$0x30] =	vst v0  }
0x1aa: {  	s6 =	sadd.s32 s4, s6;
	[tilespmem:s17+$0xFFFFFFB0] =	vst v1  }
0x1ab: {  	[hbm4b:s6+s2] =	stream.linear.scatter [tilespmem:s29], [sflag:$0x5], $0x4000, $0x38;
	[tilespmem:$0x1A400] =	vst v63  }
0x1ac: {  	s19 =	sadd.s32 $0x380, s19  }
0x1ad: {  	[tilespmem:s22], [sflag:$0x2] =	stream.indirect.gather [hbm4b:s3+s18], $0x80, s19, s18, $0xb8;
	[tilespmem:$0x1A400] =	vst v63  }
0x1ae: {  	_ =	swait.ge [sflag:s23], $0x4000  }
0x1af: {  	[sflag:s23] =	ssyncset.done $0x0  }
0x1b0: {  	[sflag:s23] =	ssyncadd.s32 $0xFFFFC000  }
0x1b1: {  	_ =	swait.ge [sflag:s0], $0x4000  }
0x1b2: {  	[sflag:s0] =	ssyncset.done $0x0  }
0x1b3: {  	s9 =	simm.s32 $0x6480;
	[sflag:s0] =	ssyncadd.s32 $0xFFFFC000  }
0x1b4: {  	v0 =	vld [tilespmem:s9+$0x0];
	_ =	sdelay $0x3  }
0x1b5: {  	v1 =	vld [tilespmem:s9+$0xFFFFFF80]  }
0x1b6: {  	v0 =	vmul.f32 $8.000000000e+00, v0  }
0x1b7: {  	s8 =	simm.s32 $0x12480;
	s12 =	simm.s32 $0x6580  }
0x1b8: {  	[tilespmem:s8+$0x0] =	vst v0;
	v0 =	vld [tilespmem:s12+$0x0]  }
0x1b9: {  	v2 =	vld [tilespmem:s9+$0x10]  }
0x1ba: {  	v1 =	vmul.f32 $8.000000000e+00, v1;
	_ =	sdelay $0x1  }
0x1bb: {  	[tilespmem:s8+$0xFFFFFF80] =	vst v1;
	v1 =	vld [tilespmem:s12+$0xFFFFFF80]  }
0x1bc: {  	v3 =	vld [tilespmem:s9+$0xFFFFFF90];
	v0 =	vmul.f32 $8.000000000e+00, v0  }
0x1bd: {  	s11 =	simm.s32 $0x12580;
	s13 =	simm.s32 $0x6680;
	v2 =	vmul.f32 $8.000000000e+00, v2  }
0x1be: {  	[tilespmem:s11+$0x0] =	vst v0;
	v0 =	vld [tilespmem:s13+$0x0]  }
0x1bf: {  	[tilespmem:s8+$0x10] =	vst v2;
	v2 =	vld [tilespmem:s12+$0x10]  }
0x1c0: {  	v1 =	vmul.f32 $8.000000000e+00, v1;
	v4 =	vld [tilespmem:s9+$0x20]  }
0x1c1: {  	v3 =	vmul.f32 $8.000000000e+00, v3  }
0x1c2: {  	[tilespmem:s11+$0xFFFFFF80] =	vst v1;
	v1 =	vld [tilespmem:s13+$0xFFFFFF80]  }
0x1c3: {  	[tilespmem:s8+$0xFFFFFF90] =	vst v3;
	v3 =	vld [tilespmem:s12+$0xFFFFFF90];
	v0 =	vmul.f32 $8.000000000e+00, v0  }
0x1c4: {  	s14 =	simm.s32 $0x12680;
	s15 =	simm.s32 $0x6780;
	v5 =	vld [tilespmem:s9+$0xFFFFFFA0];
	v2 =	vmul.f32 $8.000000000e+00, v2  }
0x1c5: {  	[tilespmem:s14+$0x0] =	vst v0;
	v0 =	vmul.f32 $8.000000000e+00, v4;
	v4 =	vld [tilespmem:s15+$0x0]  }
0x1c6: {  	[tilespmem:s11+$0x10] =	vst v2;
	v6 =	vld [tilespmem:s13+$0x10]  }
0x1c7: {  	v1 =	vmul.f32 $8.000000000e+00, v1;
	[tilespmem:s8+$0x20] =	vst v0;
	v7 =	vld [tilespmem:s12+$0x20]  }
0x1c8: {  	v2 =	vmul.f32 $8.000000000e+00, v3;
	v0 =	vld [tilespmem:s9+$0x30]  }
0x1c9: {  	[tilespmem:s14+$0xFFFFFF80] =	vst v1;
	v1 =	vmul.f32 $8.000000000e+00, v5;
	v3 =	vld [tilespmem:s15+$0xFFFFFF80]  }
0x1ca: {  	[tilespmem:s11+$0xFFFFFF90] =	vst v2;
	v5 =	vmul.f32 $8.000000000e+00, v4;
	v4 =	vld [tilespmem:s13+$0xFFFFFF90]  }
0x1cb: {  	s6 =	simm.s32 $0x12780;
	[tilespmem:s8+$0xFFFFFFA0] =	vst v1;
	v2 =	vld [tilespmem:s12+$0xFFFFFFA0];
	v6 =	vmul.f32 $8.000000000e+00, v6  }
0x1cc: {  	s20 =	simm.s32 $0x6880;
	s16 =	simm.s32 $0x12780;
	s17 =	simm.s32 $0x6;
	v1 =	vld [tilespmem:s9+$0xFFFFFFB0];
	[tilespmem:s6+$0x0] =	vst v5;
	v5 =	vmul.f32 $8.000000000e+00, v7  }
.LBB2_15:
0x1cd: {  	v7 =	vld [tilespmem:s20+$0x0];
	[tilespmem:s14+$0x10] =	vst v6;
	v0 =	vmul.f32 $8.000000000e+00, v0;
	s9 =	smov.u32 s12;
	s12 =	smov.u32 s13;
	s13 =	smov.u32 s15  }
0x1ce: {  	s15 =	smov.u32 s20;
	s17 =	sadd.s32 $0x2, s17;
	v3 =	vmul.f32 $8.000000000e+00, v3;
	v6 =	vld [tilespmem:s13+$0x10];
	[tilespmem:s11+$0x20] =	vst v5  }
0x1cf: {  	p0 =	slt.u32 s17, $0x7E;
	v4 =	vmul.f32 $8.000000000e+00, v4;
	v5 =	vld [tilespmem:s12+$0x20];
	[tilespmem:s8+$0x30] =	vst v0  }
.Ltmp6:
0x1d0: {  	[tilespmem:s6+$0xFFFFFF80] =	vst v3;
	v2 =	vmul.f32 $8.000000000e+00, v2;
	v0 =	vld [tilespmem:s9+$0x30];
	(pc) =	sbr.rel @p0 .LBB2_15-.Ltmp6, $4  }
0x1d1: {  	v3 =	vld [tilespmem:s20+$0xFFFFFF80];
	[tilespmem:s14+$0xFFFFFF90] =	vst v4;
	v1 =	vmul.f32 $8.000000000e+00, v1  }
0x1d2: {  	v7 =	vmul.f32 $8.000000000e+00, v7;
	v4 =	vld [tilespmem:s13+$0xFFFFFF90];
	[tilespmem:s11+$0xFFFFFFA0] =	vst v2  }
0x1d3: {  	s6 =	sadd.s32 $0x100, s6;
	v6 =	vmul.f32 $8.000000000e+00, v6;
	v2 =	vld [tilespmem:s12+$0xFFFFFFA0];
	[tilespmem:s8+$0xFFFFFFB0] =	vst v1;
	s8 =	smov.u32 s11;
	s11 =	smov.u32 s14  }
0x1d4: {  	s20 =	sadd.s32 $0x100, s20;
	s14 =	smov.u32 s16;
	s16 =	smov.u32 s6;
	[tilespmem:s6+$0x0] =	vst v7;
	v5 =	vmul.f32 $8.000000000e+00, v5;
	v1 =	vld [tilespmem:s9+$0xFFFFFFB0]  }
0x1d5: {  	_ = 	snop  }
0x1d6: {  	v3 =	vmul.f32 $8.000000000e+00, v3;
	_ =	sdelay $0x1  }
0x1d7: {  	v7 =	vld [tilespmem:s15+$0x10];
	[tilespmem:s6+$0xFFFFFF80] =	vst v3  }
0x1d8: {  	v3 =	vld [tilespmem:s15+$0xFFFFFF90];
	_ =	sdelay $0x2  }
0x1d9: {  	v4 =	vmul.f32 $8.000000000e+00, v4  }
0x1da: {  	[tilespmem:s14+$0x10] =	vst v6;
	v6 =	vmul.f32 $8.000000000e+00, v7  }
0x1db: {  	[tilespmem:s14+$0xFFFFFF90] =	vst v4;
	v7 =	vld [tilespmem:s13+$0x20];
	v3 =	vmul.f32 $8.000000000e+00, v3  }
0x1dc: {  	v4 =	vld [tilespmem:s13+$0xFFFFFFA0];
	[tilespmem:s16+$0x10] =	vst v6  }
0x1dd: {  	v6 =	vld [tilespmem:s15+$0x20];
	[tilespmem:s16+$0xFFFFFF90] =	vst v3  }
0x1de: {  	v3 =	vld [tilespmem:s15+$0xFFFFFFA0]  }
0x1df: {  	v2 =	vmul.f32 $8.000000000e+00, v2  }
0x1e0: {  	[tilespmem:s11+$0x20] =	vst v5;
	v5 =	vmul.f32 $8.000000000e+00, v7  }
0x1e1: {  	[tilespmem:s11+$0xFFFFFFA0] =	vst v2;
	v2 =	vld [tilespmem:s12+$0x30];
	v4 =	vmul.f32 $8.000000000e+00, v4  }
0x1e2: {  	[tilespmem:s14+$0x20] =	vst v5;
	v5 =	vld [tilespmem:s12+$0xFFFFFFB0];
	v6 =	vmul.f32 $8.000000000e+00, v6  }
0x1e3: {  	[tilespmem:s14+$0xFFFFFFA0] =	vst v4;
	v4 =	vld [tilespmem:s13+$0x30];
	v3 =	vmul.f32 $8.000000000e+00, v3  }
0x1e4: {  	v0 =	vmul.f32 $8.000000000e+00, v0;
	[tilespmem:s16+$0x20] =	vst v6;
	v6 =	vld [tilespmem:s13+$0xFFFFFFB0]  }
0x1e5: {  	v1 =	vmul.f32 $8.000000000e+00, v1;
	[tilespmem:s16+$0xFFFFFFA0] =	vst v3;
	v3 =	vld [tilespmem:s15+$0x30]  }
0x1e6: {  	[tilespmem:s8+$0x30] =	vst v0;
	v0 =	vmul.f32 $8.000000000e+00, v2;
	v2 =	vld [tilespmem:s15+$0xFFFFFFB0]  }
0x1e7: {  	[tilespmem:s8+$0xFFFFFFB0] =	vst v1;
	v1 =	vmul.f32 $8.000000000e+00, v5  }
0x1e8: {  	[tilespmem:s11+$0x30] =	vst v0;
	v0 =	vmul.f32 $8.000000000e+00, v4  }
0x1e9: {  	[tilespmem:s11+$0xFFFFFFB0] =	vst v1;
	v1 =	vmul.f32 $8.000000000e+00, v6  }
0x1ea: {  	[tilespmem:s14+$0x30] =	vst v0;
	v0 =	vmul.f32 $8.000000000e+00, v3  }
0x1eb: {  	s17 =	sadd.s32 s5, s7;
	s20 =	smul.u32 $0xC00, s30;
	[tilespmem:s14+$0xFFFFFFB0] =	vst v1;
	v1 =	vmul.f32 $8.000000000e+00, v2  }
0x1ec: {  	s6 =	sshll.u32 s17, $0x4;
	[tilespmem:s16+$0x30] =	vst v0  }
0x1ed: {  	s7 =	sshra.s32 s20, $0x2;
	s6 =	sadd.s32 s4, s6;
	[tilespmem:s16+$0xFFFFFFB0] =	vst v1  }
0x1ee: {  	[hbm4b:s6+s2] =	stream.linear.scatter [tilespmem:s24], [sflag:$0x4], $0x4000, $0x38;
	[tilespmem:$0x1A400] =	vst v63  }
0x1ef: {  	s25 =	sadd.s32 $0x400, s7  }
0x1f0: {  	[tilespmem:s26], [sflag:$0x3] =	stream.indirect.gather [hbm4b:s3+s18], $0x80, s25, s18, $0xb8;
	[tilespmem:$0x1A400] =	vst v63  }
0x1f1: {  	_ =	swait.ge [sflag:s28], $0x4000  }
0x1f2: {  	[sflag:s28] =	ssyncset.done $0x0  }
0x1f3: {  	[sflag:s28] =	ssyncadd.s32 $0xFFFFC000  }
0x1f4: {  	_ =	swait.ge [sflag:s1], $0x4000  }
0x1f5: {  	[sflag:s1] =	ssyncset.done $0x0  }
0x1f6: {  	s9 =	simm.s32 $0xA480;
	[sflag:s1] =	ssyncadd.s32 $0xFFFFC000  }
0x1f7: {  	v0 =	vld [tilespmem:s9+$0x0];
	_ =	sdelay $0x3  }
0x1f8: {  	v1 =	vld [tilespmem:s9+$0xFFFFFF80]  }
0x1f9: {  	v0 =	vmul.f32 $8.000000000e+00, v0  }
0x1fa: {  	s8 =	simm.s32 $0x16480;
	s12 =	simm.s32 $0xA580  }
0x1fb: {  	[tilespmem:s8+$0x0] =	vst v0;
	v0 =	vld [tilespmem:s12+$0x0]  }
0x1fc: {  	v2 =	vld [tilespmem:s9+$0x10]  }
0x1fd: {  	v1 =	vmul.f32 $8.000000000e+00, v1;
	_ =	sdelay $0x1  }
0x1fe: {  	[tilespmem:s8+$0xFFFFFF80] =	vst v1;
	v1 =	vld [tilespmem:s12+$0xFFFFFF80]  }
0x1ff: {  	v3 =	vld [tilespmem:s9+$0xFFFFFF90];
	v0 =	vmul.f32 $8.000000000e+00, v0  }
0x200: {  	s13 =	simm.s32 $0xA680;
	s11 =	simm.s32 $0x16580;
	v2 =	vmul.f32 $8.000000000e+00, v2  }
0x201: {  	[tilespmem:s11+$0x0] =	vst v0;
	v0 =	vld [tilespmem:s13+$0x0]  }
0x202: {  	[tilespmem:s8+$0x10] =	vst v2;
	v2 =	vld [tilespmem:s12+$0x10]  }
0x203: {  	v1 =	vmul.f32 $8.000000000e+00, v1;
	v4 =	vld [tilespmem:s9+$0x20]  }
0x204: {  	v3 =	vmul.f32 $8.000000000e+00, v3  }
0x205: {  	[tilespmem:s11+$0xFFFFFF80] =	vst v1;
	v1 =	vld [tilespmem:s13+$0xFFFFFF80]  }
0x206: {  	[tilespmem:s8+$0xFFFFFF90] =	vst v3;
	v3 =	vld [tilespmem:s12+$0xFFFFFF90];
	v0 =	vmul.f32 $8.000000000e+00, v0  }
0x207: {  	s15 =	simm.s32 $0xA780;
	s14 =	simm.s32 $0x16680;
	v5 =	vld [tilespmem:s9+$0xFFFFFFA0];
	v2 =	vmul.f32 $8.000000000e+00, v2  }
0x208: {  	[tilespmem:s14+$0x0] =	vst v0;
	v0 =	vmul.f32 $8.000000000e+00, v4;
	v4 =	vld [tilespmem:s15+$0x0]  }
0x209: {  	[tilespmem:s11+$0x10] =	vst v2;
	v6 =	vld [tilespmem:s13+$0x10]  }
0x20a: {  	v1 =	vmul.f32 $8.000000000e+00, v1;
	[tilespmem:s8+$0x20] =	vst v0;
	v7 =	vld [tilespmem:s12+$0x20]  }
0x20b: {  	v2 =	vmul.f32 $8.000000000e+00, v3;
	v0 =	vld [tilespmem:s9+$0x30]  }
0x20c: {  	[tilespmem:s14+$0xFFFFFF80] =	vst v1;
	v1 =	vmul.f32 $8.000000000e+00, v5;
	v3 =	vld [tilespmem:s15+$0xFFFFFF80]  }
0x20d: {  	[tilespmem:s11+$0xFFFFFF90] =	vst v2;
	v5 =	vmul.f32 $8.000000000e+00, v4;
	v4 =	vld [tilespmem:s13+$0xFFFFFF90]  }
0x20e: {  	s6 =	simm.s32 $0x16780;
	[tilespmem:s8+$0xFFFFFFA0] =	vst v1;
	v2 =	vld [tilespmem:s12+$0xFFFFFFA0];
	v6 =	vmul.f32 $8.000000000e+00, v6  }
0x20f: {  	s20 =	simm.s32 $0xA880;
	s17 =	simm.s32 $0x6;
	s16 =	simm.s32 $0x16780;
	v1 =	vld [tilespmem:s9+$0xFFFFFFB0];
	[tilespmem:s6+$0x0] =	vst v5;
	v5 =	vmul.f32 $8.000000000e+00, v7  }
.LBB2_17:
0x210: {  	v7 =	vld [tilespmem:s20+$0x0];
	[tilespmem:s14+$0x10] =	vst v6;
	v0 =	vmul.f32 $8.000000000e+00, v0;
	s9 =	smov.u32 s12;
	s12 =	smov.u32 s13;
	s13 =	smov.u32 s15  }
0x211: {  	s15 =	smov.u32 s20;
	s17 =	sadd.s32 $0x2, s17;
	v3 =	vmul.f32 $8.000000000e+00, v3;
	v6 =	vld [tilespmem:s13+$0x10];
	[tilespmem:s11+$0x20] =	vst v5  }
0x212: {  	p0 =	slt.u32 s17, $0x7E;
	v4 =	vmul.f32 $8.000000000e+00, v4;
	v5 =	vld [tilespmem:s12+$0x20];
	[tilespmem:s8+$0x30] =	vst v0  }
.Ltmp7:
0x213: {  	[tilespmem:s6+$0xFFFFFF80] =	vst v3;
	v2 =	vmul.f32 $8.000000000e+00, v2;
	v0 =	vld [tilespmem:s9+$0x30];
	(pc) =	sbr.rel @p0 .LBB2_17-.Ltmp7, $4  }
0x214: {  	v3 =	vld [tilespmem:s20+$0xFFFFFF80];
	[tilespmem:s14+$0xFFFFFF90] =	vst v4;
	v1 =	vmul.f32 $8.000000000e+00, v1  }
0x215: {  	v7 =	vmul.f32 $8.000000000e+00, v7;
	v4 =	vld [tilespmem:s13+$0xFFFFFF90];
	[tilespmem:s11+$0xFFFFFFA0] =	vst v2  }
0x216: {  	s6 =	sadd.s32 $0x100, s6;
	v6 =	vmul.f32 $8.000000000e+00, v6;
	v2 =	vld [tilespmem:s12+$0xFFFFFFA0];
	[tilespmem:s8+$0xFFFFFFB0] =	vst v1;
	s8 =	smov.u32 s11;
	s11 =	smov.u32 s14  }
0x217: {  	s20 =	sadd.s32 $0x100, s20;
	s14 =	smov.u32 s16;
	s16 =	smov.u32 s6;
	[tilespmem:s6+$0x0] =	vst v7;
	v5 =	vmul.f32 $8.000000000e+00, v5;
	v1 =	vld [tilespmem:s9+$0xFFFFFFB0]  }
0x218: {  	_ = 	snop  }
0x219: {  	v3 =	vmul.f32 $8.000000000e+00, v3;
	_ =	sdelay $0x1  }
0x21a: {  	v7 =	vld [tilespmem:s15+$0x10];
	[tilespmem:s6+$0xFFFFFF80] =	vst v3  }
0x21b: {  	v3 =	vld [tilespmem:s15+$0xFFFFFF90];
	_ =	sdelay $0x2  }
0x21c: {  	v4 =	vmul.f32 $8.000000000e+00, v4  }
0x21d: {  	[tilespmem:s14+$0x10] =	vst v6;
	v49 =	vmul.f32 $8.000000000e+00, v7  }
0x21e: {  	v50 =	vld [tilespmem:s13+$0x20];
	[tilespmem:s14+$0xFFFFFF90] =	vst v4;
	v3 =	vmul.f32 $8.000000000e+00, v3  }
0x21f: {  	v4 =	vld [tilespmem:s13+$0xFFFFFFA0];
	[tilespmem:s16+$0x10] =	vst v49  }
0x220: {  	v6 =	vld [tilespmem:s15+$0x20];
	[tilespmem:s16+$0xFFFFFF90] =	vst v3  }
0x221: {  	v3 =	vld [tilespmem:s15+$0xFFFFFFA0]  }
0x222: {  	v2 =	vmul.f32 $8.000000000e+00, v2  }
0x223: {  	[tilespmem:s11+$0x20] =	vst v5;
	v51 =	vmul.f32 $8.000000000e+00, v50  }
0x224: {  	v52 =	vld [tilespmem:s12+$0x30];
	[tilespmem:s11+$0xFFFFFFA0] =	vst v2;
	v4 =	vmul.f32 $8.000000000e+00, v4  }
0x225: {  	v53 =	vld [tilespmem:s12+$0xFFFFFFB0];
	[tilespmem:s14+$0x20] =	vst v51;
	v6 =	vmul.f32 $8.000000000e+00, v6  }
0x226: {  	v54 =	vld [tilespmem:s13+$0x30];
	[tilespmem:s14+$0xFFFFFFA0] =	vst v4;
	v3 =	vmul.f32 $8.000000000e+00, v3  }
0x227: {  	v0 =	vmul.f32 $8.000000000e+00, v0;
	v55 =	vld [tilespmem:s13+$0xFFFFFFB0];
	[tilespmem:s16+$0x20] =	vst v6  }
0x228: {  	v1 =	vmul.f32 $8.000000000e+00, v1;
	v56 =	vld [tilespmem:s15+$0x30];
	[tilespmem:s16+$0xFFFFFFA0] =	vst v3  }
0x229: {  	[tilespmem:s8+$0x30] =	vst v0;
	v57 =	vmul.f32 $8.000000000e+00, v52;
	v58 =	vld [tilespmem:s15+$0xFFFFFFB0]  }
0x22a: {  	[tilespmem:s8+$0xFFFFFFB0] =	vst v1;
	v59 =	vmul.f32 $8.000000000e+00, v53  }
0x22b: {  	[tilespmem:s11+$0x30] =	vst v57;
	v60 =	vmul.f32 $8.000000000e+00, v54  }
0x22c: {  	[tilespmem:s11+$0xFFFFFFB0] =	vst v59;
	v61 =	vmul.f32 $8.000000000e+00, v55  }
0x22d: {  	s30 =	sadd.s32 $0x1, s30;
	[tilespmem:s14+$0x30] =	vst v60;
	v62 =	vmul.f32 $8.000000000e+00, v56  }
0x22e: {  	s20 =	sadd.s32 s5, s19;
	p0 =	sne.s32 s30, $0x20;
	[tilespmem:s14+$0xFFFFFFB0] =	vst v61;
	v63 =	vmul.f32 $8.000000000e+00, v58  }
.Ltmp8:
0x22f: {  	s6 =	sshll.u32 s20, $0x4;
	[tilespmem:s16+$0x30] =	vst v62;
	(pc) =	sbr.rel @p0 .LBB2_6-.Ltmp8, $4  }
0x230: {  	s6 =	sadd.s32 s4, s6;
	[tilespmem:s16+$0xFFFFFFB0] =	vst v63  }
0x231: {  	[hbm4b:s6+s2] =	stream.linear.scatter [tilespmem:s29], [sflag:$0x5], $0x4000, $0x38;
	[tilespmem:$0x1A400] =	vst v63  }
0x232: {  	s25 =	sadd.s32 $0x480, s7  }
0x233: {  	[tilespmem:s21], [sflag:$0x1] =	stream.indirect.gather [hbm4b:s3+s18], $0x80, s25, s18, $0xb8;
	[tilespmem:$0x1A400] =	vst v63  }
0x234: {  	_ =	swait.ge [sflag:s31], $0x4000  }
0x235: {  	[sflag:s31] =	ssyncset.done $0x0  }
0x236: {  	[sflag:s31] =	ssyncadd.s32 $0xFFFFC000  }
0x237: {  	_ =	swait.ge [sflag:s0], $0x4000  }
0x238: {  	[sflag:s0] =	ssyncset.done $0x0  }
0x239: {  	s9 =	simm.s32 $0xE480;
	[sflag:s0] =	ssyncadd.s32 $0xFFFFC000  }
0x23a: {  	v0 =	vld [tilespmem:s9+$0x0];
	_ =	sdelay $0x3  }
0x23b: {  	v1 =	vld [tilespmem:s9+$0xFFFFFF80]  }
0x23c: {  	v0 =	vmul.f32 $8.000000000e+00, v0  }
0x23d: {  	s7 =	simm.s32 $0x12480;
	s11 =	simm.s32 $0xE580  }
0x23e: {  	[tilespmem:s7+$0x0] =	vst v0;
	v0 =	vld [tilespmem:s11+$0x0]  }
0x23f: {  	v2 =	vld [tilespmem:s9+$0x10]  }
0x240: {  	v1 =	vmul.f32 $8.000000000e+00, v1;
	_ =	sdelay $0x1  }
0x241: {  	[tilespmem:s7+$0xFFFFFF80] =	vst v1;
	v1 =	vld [tilespmem:s11+$0xFFFFFF80]  }
0x242: {  	v3 =	vld [tilespmem:s9+$0xFFFFFF90];
	v0 =	vmul.f32 $8.000000000e+00, v0  }
0x243: {  	s8 =	simm.s32 $0x12580;
	s12 =	simm.s32 $0xE680;
	v2 =	vmul.f32 $8.000000000e+00, v2  }
0x244: {  	[tilespmem:s8+$0x0] =	vst v0;
	v0 =	vld [tilespmem:s12+$0x0]  }
0x245: {  	[tilespmem:s7+$0x10] =	vst v2;
	v2 =	vld [tilespmem:s11+$0x10]  }
0x246: {  	v1 =	vmul.f32 $8.000000000e+00, v1;
	v4 =	vld [tilespmem:s9+$0x20]  }
0x247: {  	v3 =	vmul.f32 $8.000000000e+00, v3  }
0x248: {  	[tilespmem:s8+$0xFFFFFF80] =	vst v1;
	v1 =	vld [tilespmem:s12+$0xFFFFFF80]  }
0x249: {  	[tilespmem:s7+$0xFFFFFF90] =	vst v3;
	v3 =	vld [tilespmem:s11+$0xFFFFFF90];
	v0 =	vmul.f32 $8.000000000e+00, v0  }
0x24a: {  	s13 =	simm.s32 $0x12680;
	s14 =	simm.s32 $0xE780;
	v5 =	vld [tilespmem:s9+$0xFFFFFFA0];
	v2 =	vmul.f32 $8.000000000e+00, v2  }
0x24b: {  	[tilespmem:s13+$0x0] =	vst v0;
	v0 =	vmul.f32 $8.000000000e+00, v4;
	v4 =	vld [tilespmem:s14+$0x0]  }
0x24c: {  	[tilespmem:s8+$0x10] =	vst v2;
	v6 =	vld [tilespmem:s12+$0x10]  }
0x24d: {  	v1 =	vmul.f32 $8.000000000e+00, v1;
	[tilespmem:s7+$0x20] =	vst v0;
	v7 =	vld [tilespmem:s11+$0x20]  }
0x24e: {  	v2 =	vmul.f32 $8.000000000e+00, v3;
	v0 =	vld [tilespmem:s9+$0x30]  }
0x24f: {  	[tilespmem:s13+$0xFFFFFF80] =	vst v1;
	v1 =	vmul.f32 $8.000000000e+00, v5;
	v3 =	vld [tilespmem:s14+$0xFFFFFF80]  }
0x250: {  	[tilespmem:s8+$0xFFFFFF90] =	vst v2;
	v5 =	vmul.f32 $8.000000000e+00, v4;
	v4 =	vld [tilespmem:s12+$0xFFFFFF90]  }
0x251: {  	s6 =	simm.s32 $0x12780;
	[tilespmem:s7+$0xFFFFFFA0] =	vst v1;
	v2 =	vld [tilespmem:s11+$0xFFFFFFA0];
	v6 =	vmul.f32 $8.000000000e+00, v6  }
0x252: {  	s16 =	simm.s32 $0x6;
	s17 =	simm.s32 $0xE880;
	s15 =	simm.s32 $0x12780;
	v1 =	vld [tilespmem:s9+$0xFFFFFFB0];
	[tilespmem:s6+$0x0] =	vst v5;
	v5 =	vmul.f32 $8.000000000e+00, v7  }
.LBB2_20:
0x253: {  	v7 =	vld [tilespmem:s17+$0x0];
	[tilespmem:s13+$0x10] =	vst v6;
	v0 =	vmul.f32 $8.000000000e+00, v0;
	s9 =	smov.u32 s11;
	s11 =	smov.u32 s12;
	s12 =	smov.u32 s14  }
0x254: {  	s14 =	smov.u32 s17;
	s16 =	sadd.s32 $0x2, s16;
	v3 =	vmul.f32 $8.000000000e+00, v3;
	v6 =	vld [tilespmem:s12+$0x10];
	[tilespmem:s8+$0x20] =	vst v5  }
0x255: {  	p0 =	slt.u32 s16, $0x7E;
	v4 =	vmul.f32 $8.000000000e+00, v4;
	v5 =	vld [tilespmem:s11+$0x20];
	[tilespmem:s7+$0x30] =	vst v0  }
.Ltmp9:
0x256: {  	[tilespmem:s6+$0xFFFFFF80] =	vst v3;
	v2 =	vmul.f32 $8.000000000e+00, v2;
	v0 =	vld [tilespmem:s9+$0x30];
	(pc) =	sbr.rel @p0 .LBB2_20-.Ltmp9, $4  }
0x257: {  	v3 =	vld [tilespmem:s17+$0xFFFFFF80];
	[tilespmem:s13+$0xFFFFFF90] =	vst v4;
	v1 =	vmul.f32 $8.000000000e+00, v1  }
0x258: {  	v7 =	vmul.f32 $8.000000000e+00, v7;
	v4 =	vld [tilespmem:s12+$0xFFFFFF90];
	[tilespmem:s8+$0xFFFFFFA0] =	vst v2  }
0x259: {  	s6 =	sadd.s32 $0x100, s6;
	v6 =	vmul.f32 $8.000000000e+00, v6;
	v2 =	vld [tilespmem:s11+$0xFFFFFFA0];
	[tilespmem:s7+$0xFFFFFFB0] =	vst v1;
	s7 =	smov.u32 s8;
	s8 =	smov.u32 s13  }
0x25a: {  	s17 =	sadd.s32 $0x100, s17;
	s13 =	smov.u32 s15;
	s15 =	smov.u32 s6;
	[tilespmem:s6+$0x0] =	vst v7;
	v5 =	vmul.f32 $8.000000000e+00, v5;
	v1 =	vld [tilespmem:s9+$0xFFFFFFB0]  }
0x25b: {  	_ = 	snop  }
0x25c: {  	v3 =	vmul.f32 $8.000000000e+00, v3;
	_ =	sdelay $0x1  }
0x25d: {  	v7 =	vld [tilespmem:s14+$0x10];
	[tilespmem:s6+$0xFFFFFF80] =	vst v3  }
0x25e: {  	v3 =	vld [tilespmem:s14+$0xFFFFFF90];
	_ =	sdelay $0x2  }
0x25f: {  	v4 =	vmul.f32 $8.000000000e+00, v4  }
0x260: {  	[tilespmem:s13+$0x10] =	vst v6;
	v6 =	vmul.f32 $8.000000000e+00, v7  }
0x261: {  	[tilespmem:s13+$0xFFFFFF90] =	vst v4;
	v7 =	vld [tilespmem:s12+$0x20];
	v3 =	vmul.f32 $8.000000000e+00, v3  }
0x262: {  	v4 =	vld [tilespmem:s12+$0xFFFFFFA0];
	[tilespmem:s15+$0x10] =	vst v6  }
0x263: {  	v6 =	vld [tilespmem:s14+$0x20];
	[tilespmem:s15+$0xFFFFFF90] =	vst v3  }
0x264: {  	v3 =	vld [tilespmem:s14+$0xFFFFFFA0]  }
0x265: {  	v2 =	vmul.f32 $8.000000000e+00, v2  }
0x266: {  	[tilespmem:s8+$0x20] =	vst v5;
	v5 =	vmul.f32 $8.000000000e+00, v7  }
0x267: {  	[tilespmem:s8+$0xFFFFFFA0] =	vst v2;
	v2 =	vld [tilespmem:s11+$0x30];
	v4 =	vmul.f32 $8.000000000e+00, v4  }
0x268: {  	[tilespmem:s13+$0x20] =	vst v5;
	v5 =	vld [tilespmem:s11+$0xFFFFFFB0];
	v6 =	vmul.f32 $8.000000000e+00, v6  }
0x269: {  	[tilespmem:s13+$0xFFFFFFA0] =	vst v4;
	v4 =	vld [tilespmem:s12+$0x30];
	v3 =	vmul.f32 $8.000000000e+00, v3  }
0x26a: {  	v0 =	vmul.f32 $8.000000000e+00, v0;
	[tilespmem:s15+$0x20] =	vst v6;
	v6 =	vld [tilespmem:s12+$0xFFFFFFB0]  }
0x26b: {  	v1 =	vmul.f32 $8.000000000e+00, v1;
	[tilespmem:s15+$0xFFFFFFA0] =	vst v3;
	v3 =	vld [tilespmem:s14+$0x30]  }
0x26c: {  	[tilespmem:s7+$0x30] =	vst v0;
	v0 =	vmul.f32 $8.000000000e+00, v2;
	v2 =	vld [tilespmem:s14+$0xFFFFFFB0]  }
0x26d: {  	[tilespmem:s7+$0xFFFFFFB0] =	vst v1;
	v1 =	vmul.f32 $8.000000000e+00, v5  }
0x26e: {  	[tilespmem:s8+$0x30] =	vst v0;
	v0 =	vmul.f32 $8.000000000e+00, v4  }
0x26f: {  	[tilespmem:s8+$0xFFFFFFB0] =	vst v1;
	v1 =	vmul.f32 $8.000000000e+00, v6  }
0x270: {  	[tilespmem:s13+$0x30] =	vst v0;
	v0 =	vmul.f32 $8.000000000e+00, v3  }
0x271: {  	[tilespmem:s13+$0xFFFFFFB0] =	vst v1;
	v1 =	vmul.f32 $8.000000000e+00, v2  }
0x272: {  	[tilespmem:s15+$0x30] =	vst v0  }
0x273: {  	[tilespmem:s15+$0xFFFFFFB0] =	vst v1  }
0x274: {  	s6 =	rddreg [dreg:$0x7]  }
0x275: {  	[hbm4b:s6+s2] =	stream.linear.scatter [tilespmem:s24], [sflag:$0x4], $0x4000, $0x38;
	[tilespmem:$0x1A400] =	vst v63  }
0x276: {  	s30 =	simm.s32 $0x6200  }
0x277: {  	[tilespmem:s22], [sflag:$0x2] =	stream.indirect.gather [hbm4b:s3+s18], $0x80, s30, s18, $0xb8;
	[tilespmem:$0x1A400] =	vst v63  }
0x278: {  	_ =	swait.ge [sflag:s23], $0x4000  }
0x279: {  	[sflag:s23] =	ssyncset.done $0x0  }
0x27a: {  	[sflag:s23] =	ssyncadd.s32 $0xFFFFC000  }
0x27b: {  	_ =	swait.ge [sflag:s1], $0x4000  }
0x27c: {  	[sflag:s1] =	ssyncset.done $0x0  }
0x27d: {  	s9 =	simm.s32 $0x6480;
	[sflag:s1] =	ssyncadd.s32 $0xFFFFC000  }
0x27e: {  	v0 =	vld [tilespmem:s9+$0x0];
	_ =	sdelay $0x3  }
0x27f: {  	v1 =	vld [tilespmem:s9+$0xFFFFFF80]  }
0x280: {  	v0 =	vmul.f32 $8.000000000e+00, v0  }
0x281: {  	s7 =	simm.s32 $0x16480;
	s11 =	simm.s32 $0x6580  }
0x282: {  	[tilespmem:s7+$0x0] =	vst v0;
	v0 =	vld [tilespmem:s11+$0x0]  }
0x283: {  	v2 =	vld [tilespmem:s9+$0x10]  }
0x284: {  	v1 =	vmul.f32 $8.000000000e+00, v1;
	_ =	sdelay $0x1  }
0x285: {  	[tilespmem:s7+$0xFFFFFF80] =	vst v1;
	v1 =	vld [tilespmem:s11+$0xFFFFFF80]  }
0x286: {  	v3 =	vld [tilespmem:s9+$0xFFFFFF90];
	v0 =	vmul.f32 $8.000000000e+00, v0  }
0x287: {  	s12 =	simm.s32 $0x6680;
	s8 =	simm.s32 $0x16580;
	v2 =	vmul.f32 $8.000000000e+00, v2  }
0x288: {  	[tilespmem:s8+$0x0] =	vst v0;
	v0 =	vld [tilespmem:s12+$0x0]  }
0x289: {  	[tilespmem:s7+$0x10] =	vst v2;
	v2 =	vld [tilespmem:s11+$0x10]  }
0x28a: {  	v1 =	vmul.f32 $8.000000000e+00, v1;
	v4 =	vld [tilespmem:s9+$0x20]  }
0x28b: {  	v3 =	vmul.f32 $8.000000000e+00, v3  }
0x28c: {  	[tilespmem:s8+$0xFFFFFF80] =	vst v1;
	v1 =	vld [tilespmem:s12+$0xFFFFFF80]  }
0x28d: {  	[tilespmem:s7+$0xFFFFFF90] =	vst v3;
	v3 =	vld [tilespmem:s11+$0xFFFFFF90];
	v0 =	vmul.f32 $8.000000000e+00, v0  }
0x28e: {  	s14 =	simm.s32 $0x6780;
	s13 =	simm.s32 $0x16680;
	v5 =	vld [tilespmem:s9+$0xFFFFFFA0];
	v2 =	vmul.f32 $8.000000000e+00, v2  }
0x28f: {  	[tilespmem:s13+$0x0] =	vst v0;
	v0 =	vmul.f32 $8.000000000e+00, v4;
	v4 =	vld [tilespmem:s14+$0x0]  }
0x290: {  	[tilespmem:s8+$0x10] =	vst v2;
	v6 =	vld [tilespmem:s12+$0x10]  }
0x291: {  	v1 =	vmul.f32 $8.000000000e+00, v1;
	[tilespmem:s7+$0x20] =	vst v0;
	v7 =	vld [tilespmem:s11+$0x20]  }
0x292: {  	v2 =	vmul.f32 $8.000000000e+00, v3;
	v0 =	vld [tilespmem:s9+$0x30]  }
0x293: {  	[tilespmem:s13+$0xFFFFFF80] =	vst v1;
	v1 =	vmul.f32 $8.000000000e+00, v5;
	v3 =	vld [tilespmem:s14+$0xFFFFFF80]  }
0x294: {  	[tilespmem:s8+$0xFFFFFF90] =	vst v2;
	v5 =	vmul.f32 $8.000000000e+00, v4;
	v4 =	vld [tilespmem:s12+$0xFFFFFF90]  }
0x295: {  	s6 =	simm.s32 $0x16780;
	[tilespmem:s7+$0xFFFFFFA0] =	vst v1;
	v2 =	vld [tilespmem:s11+$0xFFFFFFA0];
	v6 =	vmul.f32 $8.000000000e+00, v6  }
0x296: {  	s16 =	simm.s32 $0x6;
	s17 =	simm.s32 $0x6880;
	s15 =	simm.s32 $0x16780;
	v1 =	vld [tilespmem:s9+$0xFFFFFFB0];
	[tilespmem:s6+$0x0] =	vst v5;
	v5 =	vmul.f32 $8.000000000e+00, v7  }
.LBB2_22:
0x297: {  	v7 =	vld [tilespmem:s17+$0x0];
	[tilespmem:s13+$0x10] =	vst v6;
	v0 =	vmul.f32 $8.000000000e+00, v0;
	s9 =	smov.u32 s11;
	s11 =	smov.u32 s12;
	s12 =	smov.u32 s14  }
0x298: {  	s14 =	smov.u32 s17;
	s16 =	sadd.s32 $0x2, s16;
	v3 =	vmul.f32 $8.000000000e+00, v3;
	v6 =	vld [tilespmem:s12+$0x10];
	[tilespmem:s8+$0x20] =	vst v5  }
0x299: {  	p0 =	slt.u32 s16, $0x7E;
	v4 =	vmul.f32 $8.000000000e+00, v4;
	v5 =	vld [tilespmem:s11+$0x20];
	[tilespmem:s7+$0x30] =	vst v0  }
.Ltmp10:
0x29a: {  	[tilespmem:s6+$0xFFFFFF80] =	vst v3;
	v2 =	vmul.f32 $8.000000000e+00, v2;
	v0 =	vld [tilespmem:s9+$0x30];
	(pc) =	sbr.rel @p0 .LBB2_22-.Ltmp10, $4  }
0x29b: {  	v3 =	vld [tilespmem:s17+$0xFFFFFF80];
	[tilespmem:s13+$0xFFFFFF90] =	vst v4;
	v1 =	vmul.f32 $8.000000000e+00, v1  }
0x29c: {  	v7 =	vmul.f32 $8.000000000e+00, v7;
	v4 =	vld [tilespmem:s12+$0xFFFFFF90];
	[tilespmem:s8+$0xFFFFFFA0] =	vst v2  }
0x29d: {  	s6 =	sadd.s32 $0x100, s6;
	v6 =	vmul.f32 $8.000000000e+00, v6;
	v2 =	vld [tilespmem:s11+$0xFFFFFFA0];
	[tilespmem:s7+$0xFFFFFFB0] =	vst v1;
	s7 =	smov.u32 s8;
	s8 =	smov.u32 s13  }
0x29e: {  	s17 =	sadd.s32 $0x100, s17;
	s13 =	smov.u32 s15;
	s15 =	smov.u32 s6;
	[tilespmem:s6+$0x0] =	vst v7;
	v5 =	vmul.f32 $8.000000000e+00, v5;
	v1 =	vld [tilespmem:s9+$0xFFFFFFB0]  }
0x29f: {  	_ = 	snop  }
0x2a0: {  	v3 =	vmul.f32 $8.000000000e+00, v3;
	_ =	sdelay $0x1  }
0x2a1: {  	v7 =	vld [tilespmem:s14+$0x10];
	[tilespmem:s6+$0xFFFFFF80] =	vst v3  }
0x2a2: {  	v3 =	vld [tilespmem:s14+$0xFFFFFF90];
	_ =	sdelay $0x2  }
0x2a3: {  	v4 =	vmul.f32 $8.000000000e+00, v4  }
0x2a4: {  	[tilespmem:s13+$0x10] =	vst v6;
	v6 =	vmul.f32 $8.000000000e+00, v7  }
0x2a5: {  	[tilespmem:s13+$0xFFFFFF90] =	vst v4;
	v7 =	vld [tilespmem:s12+$0x20];
	v3 =	vmul.f32 $8.000000000e+00, v3  }
0x2a6: {  	v4 =	vld [tilespmem:s12+$0xFFFFFFA0];
	[tilespmem:s15+$0x10] =	vst v6  }
0x2a7: {  	v6 =	vld [tilespmem:s14+$0x20];
	[tilespmem:s15+$0xFFFFFF90] =	vst v3  }
0x2a8: {  	v3 =	vld [tilespmem:s14+$0xFFFFFFA0]  }
0x2a9: {  	v2 =	vmul.f32 $8.000000000e+00, v2  }
0x2aa: {  	[tilespmem:s8+$0x20] =	vst v5;
	v5 =	vmul.f32 $8.000000000e+00, v7  }
0x2ab: {  	[tilespmem:s8+$0xFFFFFFA0] =	vst v2;
	v2 =	vld [tilespmem:s11+$0x30];
	v4 =	vmul.f32 $8.000000000e+00, v4  }
0x2ac: {  	[tilespmem:s13+$0x20] =	vst v5;
	v5 =	vld [tilespmem:s11+$0xFFFFFFB0];
	v6 =	vmul.f32 $8.000000000e+00, v6  }
0x2ad: {  	[tilespmem:s13+$0xFFFFFFA0] =	vst v4;
	v4 =	vld [tilespmem:s12+$0x30];
	v3 =	vmul.f32 $8.000000000e+00, v3  }
0x2ae: {  	v0 =	vmul.f32 $8.000000000e+00, v0;
	[tilespmem:s15+$0x20] =	vst v6;
	v6 =	vld [tilespmem:s12+$0xFFFFFFB0]  }
0x2af: {  	v1 =	vmul.f32 $8.000000000e+00, v1;
	[tilespmem:s15+$0xFFFFFFA0] =	vst v3;
	v3 =	vld [tilespmem:s14+$0x30]  }
0x2b0: {  	[tilespmem:s7+$0x30] =	vst v0;
	v0 =	vmul.f32 $8.000000000e+00, v2;
	v2 =	vld [tilespmem:s14+$0xFFFFFFB0]  }
0x2b1: {  	[tilespmem:s7+$0xFFFFFFB0] =	vst v1;
	v1 =	vmul.f32 $8.000000000e+00, v5  }
0x2b2: {  	[tilespmem:s8+$0x30] =	vst v0;
	v0 =	vmul.f32 $8.000000000e+00, v4  }
0x2b3: {  	[tilespmem:s8+$0xFFFFFFB0] =	vst v1;
	v1 =	vmul.f32 $8.000000000e+00, v6  }
0x2b4: {  	[tilespmem:s13+$0x30] =	vst v0;
	v0 =	vmul.f32 $8.000000000e+00, v3  }
0x2b5: {  	[tilespmem:s13+$0xFFFFFFB0] =	vst v1;
	v1 =	vmul.f32 $8.000000000e+00, v2  }
0x2b6: {  	[tilespmem:s15+$0x30] =	vst v0  }
0x2b7: {  	[tilespmem:s15+$0xFFFFFFB0] =	vst v1  }
0x2b8: {  	s6 =	rddreg [dreg:$0x8]  }
0x2b9: {  	[hbm4b:s6+s2] =	stream.linear.scatter [tilespmem:s29], [sflag:$0x5], $0x4000, $0x38;
	[tilespmem:$0x1A400] =	vst v63  }
0x2ba: {  	s30 =	simm.s32 $0x6280  }
0x2bb: {  	[tilespmem:s26], [sflag:$0x3] =	stream.indirect.gather [hbm4b:s3+s18], $0x80, s30, s18, $0xb8;
	[tilespmem:$0x1A400] =	vst v63  }
0x2bc: {  	_ =	swait.ge [sflag:s28], $0x4000  }
0x2bd: {  	[sflag:s28] =	ssyncset.done $0x0  }
0x2be: {  	[sflag:s28] =	ssyncadd.s32 $0xFFFFC000  }
0x2bf: {  	_ =	swait.ge [sflag:s0], $0x4000  }
0x2c0: {  	[sflag:s0] =	ssyncset.done $0x0  }
0x2c1: {  	s9 =	simm.s32 $0xA480;
	[sflag:s0] =	ssyncadd.s32 $0xFFFFC000  }
0x2c2: {  	v0 =	vld [tilespmem:s9+$0x0];
	_ =	sdelay $0x3  }
0x2c3: {  	v1 =	vld [tilespmem:s9+$0xFFFFFF80]  }
0x2c4: {  	v0 =	vmul.f32 $8.000000000e+00, v0  }
0x2c5: {  	s7 =	simm.s32 $0x12480;
	s11 =	simm.s32 $0xA580  }
0x2c6: {  	[tilespmem:s7+$0x0] =	vst v0;
	v0 =	vld [tilespmem:s11+$0x0]  }
0x2c7: {  	v2 =	vld [tilespmem:s9+$0x10]  }
0x2c8: {  	v1 =	vmul.f32 $8.000000000e+00, v1;
	_ =	sdelay $0x1  }
0x2c9: {  	[tilespmem:s7+$0xFFFFFF80] =	vst v1;
	v1 =	vld [tilespmem:s11+$0xFFFFFF80]  }
0x2ca: {  	v3 =	vld [tilespmem:s9+$0xFFFFFF90];
	v0 =	vmul.f32 $8.000000000e+00, v0  }
0x2cb: {  	s12 =	simm.s32 $0xA680;
	s8 =	simm.s32 $0x12580;
	v2 =	vmul.f32 $8.000000000e+00, v2  }
0x2cc: {  	[tilespmem:s8+$0x0] =	vst v0;
	v0 =	vld [tilespmem:s12+$0x0]  }
0x2cd: {  	[tilespmem:s7+$0x10] =	vst v2;
	v2 =	vld [tilespmem:s11+$0x10]  }
0x2ce: {  	v1 =	vmul.f32 $8.000000000e+00, v1;
	v4 =	vld [tilespmem:s9+$0x20]  }
0x2cf: {  	v3 =	vmul.f32 $8.000000000e+00, v3  }
0x2d0: {  	[tilespmem:s8+$0xFFFFFF80] =	vst v1;
	v1 =	vld [tilespmem:s12+$0xFFFFFF80]  }
0x2d1: {  	[tilespmem:s7+$0xFFFFFF90] =	vst v3;
	v3 =	vld [tilespmem:s11+$0xFFFFFF90];
	v0 =	vmul.f32 $8.000000000e+00, v0  }
0x2d2: {  	s14 =	simm.s32 $0xA780;
	s13 =	simm.s32 $0x12680;
	v5 =	vld [tilespmem:s9+$0xFFFFFFA0];
	v2 =	vmul.f32 $8.000000000e+00, v2  }
0x2d3: {  	[tilespmem:s13+$0x0] =	vst v0;
	v0 =	vmul.f32 $8.000000000e+00, v4;
	v4 =	vld [tilespmem:s14+$0x0]  }
0x2d4: {  	[tilespmem:s8+$0x10] =	vst v2;
	v6 =	vld [tilespmem:s12+$0x10]  }
0x2d5: {  	v1 =	vmul.f32 $8.000000000e+00, v1;
	[tilespmem:s7+$0x20] =	vst v0;
	v7 =	vld [tilespmem:s11+$0x20]  }
0x2d6: {  	v2 =	vmul.f32 $8.000000000e+00, v3;
	v0 =	vld [tilespmem:s9+$0x30]  }
0x2d7: {  	[tilespmem:s13+$0xFFFFFF80] =	vst v1;
	v1 =	vmul.f32 $8.000000000e+00, v5;
	v3 =	vld [tilespmem:s14+$0xFFFFFF80]  }
0x2d8: {  	[tilespmem:s8+$0xFFFFFF90] =	vst v2;
	v5 =	vmul.f32 $8.000000000e+00, v4;
	v4 =	vld [tilespmem:s12+$0xFFFFFF90]  }
0x2d9: {  	s6 =	simm.s32 $0x12780;
	[tilespmem:s7+$0xFFFFFFA0] =	vst v1;
	v2 =	vld [tilespmem:s11+$0xFFFFFFA0];
	v6 =	vmul.f32 $8.000000000e+00, v6  }
0x2da: {  	s16 =	simm.s32 $0x6;
	s17 =	simm.s32 $0xA880;
	s15 =	simm.s32 $0x12780;
	v1 =	vld [tilespmem:s9+$0xFFFFFFB0];
	[tilespmem:s6+$0x0] =	vst v5;
	v5 =	vmul.f32 $8.000000000e+00, v7  }
.LBB2_24:
0x2db: {  	v7 =	vld [tilespmem:s17+$0x0];
	[tilespmem:s13+$0x10] =	vst v6;
	v0 =	vmul.f32 $8.000000000e+00, v0;
	s9 =	smov.u32 s11;
	s11 =	smov.u32 s12;
	s12 =	smov.u32 s14  }
0x2dc: {  	s14 =	smov.u32 s17;
	s16 =	sadd.s32 $0x2, s16;
	v3 =	vmul.f32 $8.000000000e+00, v3;
	v6 =	vld [tilespmem:s12+$0x10];
	[tilespmem:s8+$0x20] =	vst v5  }
0x2dd: {  	p0 =	slt.u32 s16, $0x7E;
	v4 =	vmul.f32 $8.000000000e+00, v4;
	v5 =	vld [tilespmem:s11+$0x20];
	[tilespmem:s7+$0x30] =	vst v0  }
.Ltmp11:
0x2de: {  	[tilespmem:s6+$0xFFFFFF80] =	vst v3;
	v2 =	vmul.f32 $8.000000000e+00, v2;
	v0 =	vld [tilespmem:s9+$0x30];
	(pc) =	sbr.rel @p0 .LBB2_24-.Ltmp11, $4  }
0x2df: {  	v3 =	vld [tilespmem:s17+$0xFFFFFF80];
	[tilespmem:s13+$0xFFFFFF90] =	vst v4;
	v1 =	vmul.f32 $8.000000000e+00, v1  }
0x2e0: {  	v7 =	vmul.f32 $8.000000000e+00, v7;
	v4 =	vld [tilespmem:s12+$0xFFFFFF90];
	[tilespmem:s8+$0xFFFFFFA0] =	vst v2  }
0x2e1: {  	s6 =	sadd.s32 $0x100, s6;
	v6 =	vmul.f32 $8.000000000e+00, v6;
	v2 =	vld [tilespmem:s11+$0xFFFFFFA0];
	[tilespmem:s7+$0xFFFFFFB0] =	vst v1;
	s7 =	smov.u32 s8;
	s8 =	smov.u32 s13  }
0x2e2: {  	s17 =	sadd.s32 $0x100, s17;
	s13 =	smov.u32 s15;
	s15 =	smov.u32 s6;
	[tilespmem:s6+$0x0] =	vst v7;
	v5 =	vmul.f32 $8.000000000e+00, v5;
	v1 =	vld [tilespmem:s9+$0xFFFFFFB0]  }
0x2e3: {  	_ = 	snop  }
0x2e4: {  	v3 =	vmul.f32 $8.000000000e+00, v3;
	_ =	sdelay $0x1  }
0x2e5: {  	v7 =	vld [tilespmem:s14+$0x10];
	[tilespmem:s6+$0xFFFFFF80] =	vst v3  }
0x2e6: {  	v3 =	vld [tilespmem:s14+$0xFFFFFF90];
	_ =	sdelay $0x2  }
0x2e7: {  	v4 =	vmul.f32 $8.000000000e+00, v4  }
0x2e8: {  	[tilespmem:s13+$0x10] =	vst v6;
	v6 =	vmul.f32 $8.000000000e+00, v7  }
0x2e9: {  	[tilespmem:s13+$0xFFFFFF90] =	vst v4;
	v7 =	vld [tilespmem:s12+$0x20];
	v3 =	vmul.f32 $8.000000000e+00, v3  }
0x2ea: {  	v4 =	vld [tilespmem:s12+$0xFFFFFFA0];
	[tilespmem:s15+$0x10] =	vst v6  }
0x2eb: {  	v6 =	vld [tilespmem:s14+$0x20];
	[tilespmem:s15+$0xFFFFFF90] =	vst v3  }
0x2ec: {  	v3 =	vld [tilespmem:s14+$0xFFFFFFA0]  }
0x2ed: {  	v2 =	vmul.f32 $8.000000000e+00, v2  }
0x2ee: {  	[tilespmem:s8+$0x20] =	vst v5;
	v5 =	vmul.f32 $8.000000000e+00, v7  }
0x2ef: {  	[tilespmem:s8+$0xFFFFFFA0] =	vst v2;
	v2 =	vld [tilespmem:s11+$0x30];
	v4 =	vmul.f32 $8.000000000e+00, v4  }
0x2f0: {  	[tilespmem:s13+$0x20] =	vst v5;
	v5 =	vld [tilespmem:s11+$0xFFFFFFB0];
	v6 =	vmul.f32 $8.000000000e+00, v6  }
0x2f1: {  	[tilespmem:s13+$0xFFFFFFA0] =	vst v4;
	v4 =	vld [tilespmem:s12+$0x30];
	v3 =	vmul.f32 $8.000000000e+00, v3  }
0x2f2: {  	v0 =	vmul.f32 $8.000000000e+00, v0;
	[tilespmem:s15+$0x20] =	vst v6;
	v6 =	vld [tilespmem:s12+$0xFFFFFFB0]  }
0x2f3: {  	v1 =	vmul.f32 $8.000000000e+00, v1;
	[tilespmem:s15+$0xFFFFFFA0] =	vst v3;
	v3 =	vld [tilespmem:s14+$0x30]  }
0x2f4: {  	[tilespmem:s7+$0x30] =	vst v0;
	v0 =	vmul.f32 $8.000000000e+00, v2;
	v2 =	vld [tilespmem:s14+$0xFFFFFFB0]  }
0x2f5: {  	[tilespmem:s7+$0xFFFFFFB0] =	vst v1;
	v1 =	vmul.f32 $8.000000000e+00, v5  }
0x2f6: {  	[tilespmem:s8+$0x30] =	vst v0;
	v0 =	vmul.f32 $8.000000000e+00, v4  }
0x2f7: {  	[tilespmem:s8+$0xFFFFFFB0] =	vst v1;
	v1 =	vmul.f32 $8.000000000e+00, v6  }
0x2f8: {  	[tilespmem:s13+$0x30] =	vst v0;
	v0 =	vmul.f32 $8.000000000e+00, v3  }
0x2f9: {  	[tilespmem:s13+$0xFFFFFFB0] =	vst v1;
	v1 =	vmul.f32 $8.000000000e+00, v2  }
0x2fa: {  	[tilespmem:s15+$0x30] =	vst v0  }
0x2fb: {  	[tilespmem:s15+$0xFFFFFFB0] =	vst v1  }
0x2fc: {  	s6 =	rddreg [dreg:$0x9]  }
0x2fd: {  	[hbm4b:s6+s2] =	stream.linear.scatter [tilespmem:s24], [sflag:$0x4], $0x4000, $0x38;
	[tilespmem:$0x1A400] =	vst v63  }
0x2fe: {  	s30 =	simm.s32 $0x6300  }
0x2ff: {  	[tilespmem:s21], [sflag:$0x1] =	stream.indirect.gather [hbm4b:s3+s18], $0x80, s30, s18, $0xb8;
	[tilespmem:$0x1A400] =	vst v63  }
0x300: {  	_ =	swait.ge [sflag:s31], $0x4000  }
0x301: {  	[sflag:s31] =	ssyncset.done $0x0  }
0x302: {  	[sflag:s31] =	ssyncadd.s32 $0xFFFFC000  }
0x303: {  	_ =	swait.ge [sflag:s1], $0x4000  }
0x304: {  	[sflag:s1] =	ssyncset.done $0x0  }
0x305: {  	s9 =	simm.s32 $0xE480;
	[sflag:s1] =	ssyncadd.s32 $0xFFFFC000  }
0x306: {  	v0 =	vld [tilespmem:s9+$0x0];
	_ =	sdelay $0x3  }
0x307: {  	v1 =	vld [tilespmem:s9+$0xFFFFFF80]  }
0x308: {  	v0 =	vmul.f32 $8.000000000e+00, v0  }
0x309: {  	s7 =	simm.s32 $0x16480;
	s11 =	simm.s32 $0xE580  }
0x30a: {  	[tilespmem:s7+$0x0] =	vst v0;
	v0 =	vld [tilespmem:s11+$0x0]  }
0x30b: {  	v2 =	vld [tilespmem:s9+$0x10]  }
0x30c: {  	v1 =	vmul.f32 $8.000000000e+00, v1;
	_ =	sdelay $0x1  }
0x30d: {  	[tilespmem:s7+$0xFFFFFF80] =	vst v1;
	v1 =	vld [tilespmem:s11+$0xFFFFFF80]  }
0x30e: {  	v3 =	vld [tilespmem:s9+$0xFFFFFF90];
	v0 =	vmul.f32 $8.000000000e+00, v0  }
0x30f: {  	s12 =	simm.s32 $0xE680;
	s8 =	simm.s32 $0x16580;
	v2 =	vmul.f32 $8.000000000e+00, v2  }
0x310: {  	[tilespmem:s8+$0x0] =	vst v0;
	v0 =	vld [tilespmem:s12+$0x0]  }
0x311: {  	[tilespmem:s7+$0x10] =	vst v2;
	v2 =	vld [tilespmem:s11+$0x10]  }
0x312: {  	v1 =	vmul.f32 $8.000000000e+00, v1;
	v4 =	vld [tilespmem:s9+$0x20]  }
0x313: {  	v3 =	vmul.f32 $8.000000000e+00, v3  }
0x314: {  	[tilespmem:s8+$0xFFFFFF80] =	vst v1;
	v1 =	vld [tilespmem:s12+$0xFFFFFF80]  }
0x315: {  	[tilespmem:s7+$0xFFFFFF90] =	vst v3;
	v3 =	vld [tilespmem:s11+$0xFFFFFF90];
	v0 =	vmul.f32 $8.000000000e+00, v0  }
0x316: {  	s14 =	simm.s32 $0xE780;
	s13 =	simm.s32 $0x16680;
	v5 =	vld [tilespmem:s9+$0xFFFFFFA0];
	v2 =	vmul.f32 $8.000000000e+00, v2  }
0x317: {  	[tilespmem:s13+$0x0] =	vst v0;
	v0 =	vmul.f32 $8.000000000e+00, v4;
	v4 =	vld [tilespmem:s14+$0x0]  }
0x318: {  	[tilespmem:s8+$0x10] =	vst v2;
	v6 =	vld [tilespmem:s12+$0x10]  }
0x319: {  	v1 =	vmul.f32 $8.000000000e+00, v1;
	[tilespmem:s7+$0x20] =	vst v0;
	v7 =	vld [tilespmem:s11+$0x20]  }
0x31a: {  	v2 =	vmul.f32 $8.000000000e+00, v3;
	v0 =	vld [tilespmem:s9+$0x30]  }
0x31b: {  	[tilespmem:s13+$0xFFFFFF80] =	vst v1;
	v1 =	vmul.f32 $8.000000000e+00, v5;
	v3 =	vld [tilespmem:s14+$0xFFFFFF80]  }
0x31c: {  	[tilespmem:s8+$0xFFFFFF90] =	vst v2;
	v5 =	vmul.f32 $8.000000000e+00, v4;
	v4 =	vld [tilespmem:s12+$0xFFFFFF90]  }
0x31d: {  	s6 =	simm.s32 $0x16780;
	[tilespmem:s7+$0xFFFFFFA0] =	vst v1;
	v2 =	vld [tilespmem:s11+$0xFFFFFFA0];
	v6 =	vmul.f32 $8.000000000e+00, v6  }
0x31e: {  	s16 =	simm.s32 $0x6;
	s17 =	simm.s32 $0xE880;
	s15 =	simm.s32 $0x16780;
	v1 =	vld [tilespmem:s9+$0xFFFFFFB0];
	[tilespmem:s6+$0x0] =	vst v5;
	v5 =	vmul.f32 $8.000000000e+00, v7  }
.LBB2_26:
0x31f: {  	v7 =	vld [tilespmem:s17+$0x0];
	[tilespmem:s13+$0x10] =	vst v6;
	v0 =	vmul.f32 $8.000000000e+00, v0;
	s9 =	smov.u32 s11;
	s11 =	smov.u32 s12;
	s12 =	smov.u32 s14  }
0x320: {  	s14 =	smov.u32 s17;
	s16 =	sadd.s32 $0x2, s16;
	v3 =	vmul.f32 $8.000000000e+00, v3;
	v6 =	vld [tilespmem:s12+$0x10];
	[tilespmem:s8+$0x20] =	vst v5  }
0x321: {  	p0 =	slt.u32 s16, $0x7E;
	v4 =	vmul.f32 $8.000000000e+00, v4;
	v5 =	vld [tilespmem:s11+$0x20];
	[tilespmem:s7+$0x30] =	vst v0  }
.Ltmp12:
0x322: {  	[tilespmem:s6+$0xFFFFFF80] =	vst v3;
	v2 =	vmul.f32 $8.000000000e+00, v2;
	v0 =	vld [tilespmem:s9+$0x30];
	(pc) =	sbr.rel @p0 .LBB2_26-.Ltmp12, $4  }
0x323: {  	v3 =	vld [tilespmem:s17+$0xFFFFFF80];
	[tilespmem:s13+$0xFFFFFF90] =	vst v4;
	v1 =	vmul.f32 $8.000000000e+00, v1  }
0x324: {  	v7 =	vmul.f32 $8.000000000e+00, v7;
	v4 =	vld [tilespmem:s12+$0xFFFFFF90];
	[tilespmem:s8+$0xFFFFFFA0] =	vst v2  }
0x325: {  	s6 =	sadd.s32 $0x100, s6;
	v6 =	vmul.f32 $8.000000000e+00, v6;
	v2 =	vld [tilespmem:s11+$0xFFFFFFA0];
	[tilespmem:s7+$0xFFFFFFB0] =	vst v1;
	s7 =	smov.u32 s8;
	s8 =	smov.u32 s13  }
0x326: {  	s17 =	sadd.s32 $0x100, s17;
	s13 =	smov.u32 s15;
	s15 =	smov.u32 s6;
	[tilespmem:s6+$0x0] =	vst v7;
	v5 =	vmul.f32 $8.000000000e+00, v5;
	v1 =	vld [tilespmem:s9+$0xFFFFFFB0]  }
0x327: {  	_ = 	snop  }
0x328: {  	v3 =	vmul.f32 $8.000000000e+00, v3;
	_ =	sdelay $0x1  }
0x329: {  	v7 =	vld [tilespmem:s14+$0x10];
	[tilespmem:s6+$0xFFFFFF80] =	vst v3  }
0x32a: {  	v3 =	vld [tilespmem:s14+$0xFFFFFF90];
	_ =	sdelay $0x2  }
0x32b: {  	v4 =	vmul.f32 $8.000000000e+00, v4  }
0x32c: {  	[tilespmem:s13+$0x10] =	vst v6;
	v6 =	vmul.f32 $8.000000000e+00, v7  }
0x32d: {  	[tilespmem:s13+$0xFFFFFF90] =	vst v4;
	v7 =	vld [tilespmem:s12+$0x20];
	v3 =	vmul.f32 $8.000000000e+00, v3  }
0x32e: {  	v4 =	vld [tilespmem:s12+$0xFFFFFFA0];
	[tilespmem:s15+$0x10] =	vst v6  }
0x32f: {  	v6 =	vld [tilespmem:s14+$0x20];
	[tilespmem:s15+$0xFFFFFF90] =	vst v3  }
0x330: {  	v3 =	vld [tilespmem:s14+$0xFFFFFFA0]  }
0x331: {  	v2 =	vmul.f32 $8.000000000e+00, v2  }
0x332: {  	[tilespmem:s8+$0x20] =	vst v5;
	v5 =	vmul.f32 $8.000000000e+00, v7  }
0x333: {  	[tilespmem:s8+$0xFFFFFFA0] =	vst v2;
	v2 =	vld [tilespmem:s11+$0x30];
	v4 =	vmul.f32 $8.000000000e+00, v4  }
0x334: {  	[tilespmem:s13+$0x20] =	vst v5;
	v5 =	vld [tilespmem:s11+$0xFFFFFFB0];
	v6 =	vmul.f32 $8.000000000e+00, v6  }
0x335: {  	[tilespmem:s13+$0xFFFFFFA0] =	vst v4;
	v4 =	vld [tilespmem:s12+$0x30];
	v3 =	vmul.f32 $8.000000000e+00, v3  }
0x336: {  	v0 =	vmul.f32 $8.000000000e+00, v0;
	[tilespmem:s15+$0x20] =	vst v6;
	v6 =	vld [tilespmem:s12+$0xFFFFFFB0]  }
0x337: {  	v1 =	vmul.f32 $8.000000000e+00, v1;
	[tilespmem:s15+$0xFFFFFFA0] =	vst v3;
	v3 =	vld [tilespmem:s14+$0x30]  }
0x338: {  	[tilespmem:s7+$0x30] =	vst v0;
	v0 =	vmul.f32 $8.000000000e+00, v2;
	v2 =	vld [tilespmem:s14+$0xFFFFFFB0]  }
0x339: {  	[tilespmem:s7+$0xFFFFFFB0] =	vst v1;
	v1 =	vmul.f32 $8.000000000e+00, v5  }
0x33a: {  	[tilespmem:s8+$0x30] =	vst v0;
	v0 =	vmul.f32 $8.000000000e+00, v4  }
0x33b: {  	[tilespmem:s8+$0xFFFFFFB0] =	vst v1;
	v1 =	vmul.f32 $8.000000000e+00, v6  }
0x33c: {  	[tilespmem:s13+$0x30] =	vst v0;
	v0 =	vmul.f32 $8.000000000e+00, v3  }
0x33d: {  	[tilespmem:s13+$0xFFFFFFB0] =	vst v1;
	v1 =	vmul.f32 $8.000000000e+00, v2  }
0x33e: {  	[tilespmem:s15+$0x30] =	vst v0  }
0x33f: {  	[tilespmem:s15+$0xFFFFFFB0] =	vst v1  }
0x340: {  	s6 =	rddreg [dreg:$0xa]  }
0x341: {  	[hbm4b:s6+s2] =	stream.linear.scatter [tilespmem:s29], [sflag:$0x5], $0x4000, $0x38;
	[tilespmem:$0x1A400] =	vst v63  }
0x342: {  	s30 =	simm.s32 $0x6380  }
0x343: {  	[tilespmem:s22], [sflag:$0x2] =	stream.indirect.gather [hbm4b:s3+s18], $0x80, s30, s18, $0xb8;
	[tilespmem:$0x1A400] =	vst v63  }
0x344: {  	_ =	swait.ge [sflag:s23], $0x4000  }
0x345: {  	[sflag:s23] =	ssyncset.done $0x0  }
0x346: {  	[sflag:s23] =	ssyncadd.s32 $0xFFFFC000  }
0x347: {  	_ =	swait.ge [sflag:s0], $0x4000  }
0x348: {  	[sflag:s0] =	ssyncset.done $0x0  }
0x349: {  	s9 =	simm.s32 $0x6480;
	[sflag:s0] =	ssyncadd.s32 $0xFFFFC000  }
0x34a: {  	v0 =	vld [tilespmem:s9+$0x0];
	_ =	sdelay $0x3  }
0x34b: {  	v1 =	vld [tilespmem:s9+$0xFFFFFF80]  }
0x34c: {  	v0 =	vmul.f32 $8.000000000e+00, v0  }
0x34d: {  	s7 =	simm.s32 $0x12480;
	s11 =	simm.s32 $0x6580  }
0x34e: {  	[tilespmem:s7+$0x0] =	vst v0;
	v0 =	vld [tilespmem:s11+$0x0]  }
0x34f: {  	v2 =	vld [tilespmem:s9+$0x10]  }
0x350: {  	v1 =	vmul.f32 $8.000000000e+00, v1;
	_ =	sdelay $0x1  }
0x351: {  	[tilespmem:s7+$0xFFFFFF80] =	vst v1;
	v1 =	vld [tilespmem:s11+$0xFFFFFF80]  }
0x352: {  	v3 =	vld [tilespmem:s9+$0xFFFFFF90];
	v0 =	vmul.f32 $8.000000000e+00, v0  }
0x353: {  	s12 =	simm.s32 $0x6680;
	s8 =	simm.s32 $0x12580;
	v2 =	vmul.f32 $8.000000000e+00, v2  }
0x354: {  	[tilespmem:s8+$0x0] =	vst v0;
	v0 =	vld [tilespmem:s12+$0x0]  }
0x355: {  	[tilespmem:s7+$0x10] =	vst v2;
	v2 =	vld [tilespmem:s11+$0x10]  }
0x356: {  	v1 =	vmul.f32 $8.000000000e+00, v1;
	v4 =	vld [tilespmem:s9+$0x20]  }
0x357: {  	v3 =	vmul.f32 $8.000000000e+00, v3  }
0x358: {  	[tilespmem:s8+$0xFFFFFF80] =	vst v1;
	v1 =	vld [tilespmem:s12+$0xFFFFFF80]  }
0x359: {  	[tilespmem:s7+$0xFFFFFF90] =	vst v3;
	v3 =	vld [tilespmem:s11+$0xFFFFFF90];
	v0 =	vmul.f32 $8.000000000e+00, v0  }
0x35a: {  	s14 =	simm.s32 $0x6780;
	s13 =	simm.s32 $0x12680;
	v5 =	vld [tilespmem:s9+$0xFFFFFFA0];
	v2 =	vmul.f32 $8.000000000e+00, v2  }
0x35b: {  	[tilespmem:s13+$0x0] =	vst v0;
	v0 =	vmul.f32 $8.000000000e+00, v4;
	v4 =	vld [tilespmem:s14+$0x0]  }
0x35c: {  	[tilespmem:s8+$0x10] =	vst v2;
	v6 =	vld [tilespmem:s12+$0x10]  }
0x35d: {  	v1 =	vmul.f32 $8.000000000e+00, v1;
	[tilespmem:s7+$0x20] =	vst v0;
	v7 =	vld [tilespmem:s11+$0x20]  }
0x35e: {  	v2 =	vmul.f32 $8.000000000e+00, v3;
	v0 =	vld [tilespmem:s9+$0x30]  }
0x35f: {  	[tilespmem:s13+$0xFFFFFF80] =	vst v1;
	v1 =	vmul.f32 $8.000000000e+00, v5;
	v3 =	vld [tilespmem:s14+$0xFFFFFF80]  }
0x360: {  	[tilespmem:s8+$0xFFFFFF90] =	vst v2;
	v5 =	vmul.f32 $8.000000000e+00, v4;
	v4 =	vld [tilespmem:s12+$0xFFFFFF90]  }
0x361: {  	s6 =	simm.s32 $0x12780;
	[tilespmem:s7+$0xFFFFFFA0] =	vst v1;
	v2 =	vld [tilespmem:s11+$0xFFFFFFA0];
	v6 =	vmul.f32 $8.000000000e+00, v6  }
0x362: {  	s16 =	simm.s32 $0x6;
	s17 =	simm.s32 $0x6880;
	s15 =	simm.s32 $0x12780;
	v1 =	vld [tilespmem:s9+$0xFFFFFFB0];
	[tilespmem:s6+$0x0] =	vst v5;
	v5 =	vmul.f32 $8.000000000e+00, v7  }
.LBB2_28:
0x363: {  	v7 =	vld [tilespmem:s17+$0x0];
	[tilespmem:s13+$0x10] =	vst v6;
	v0 =	vmul.f32 $8.000000000e+00, v0;
	s9 =	smov.u32 s11;
	s11 =	smov.u32 s12;
	s12 =	smov.u32 s14  }
0x364: {  	s14 =	smov.u32 s17;
	s16 =	sadd.s32 $0x2, s16;
	v3 =	vmul.f32 $8.000000000e+00, v3;
	v6 =	vld [tilespmem:s12+$0x10];
	[tilespmem:s8+$0x20] =	vst v5  }
0x365: {  	p0 =	slt.u32 s16, $0x7E;
	v4 =	vmul.f32 $8.000000000e+00, v4;
	v5 =	vld [tilespmem:s11+$0x20];
	[tilespmem:s7+$0x30] =	vst v0  }
.Ltmp13:
0x366: {  	[tilespmem:s6+$0xFFFFFF80] =	vst v3;
	v2 =	vmul.f32 $8.000000000e+00, v2;
	v0 =	vld [tilespmem:s9+$0x30];
	(pc) =	sbr.rel @p0 .LBB2_28-.Ltmp13, $4  }
0x367: {  	v3 =	vld [tilespmem:s17+$0xFFFFFF80];
	[tilespmem:s13+$0xFFFFFF90] =	vst v4;
	v1 =	vmul.f32 $8.000000000e+00, v1  }
0x368: {  	v7 =	vmul.f32 $8.000000000e+00, v7;
	v4 =	vld [tilespmem:s12+$0xFFFFFF90];
	[tilespmem:s8+$0xFFFFFFA0] =	vst v2  }
0x369: {  	s6 =	sadd.s32 $0x100, s6;
	v6 =	vmul.f32 $8.000000000e+00, v6;
	v2 =	vld [tilespmem:s11+$0xFFFFFFA0];
	[tilespmem:s7+$0xFFFFFFB0] =	vst v1;
	s7 =	smov.u32 s8;
	s8 =	smov.u32 s13  }
0x36a: {  	s17 =	sadd.s32 $0x100, s17;
	s13 =	smov.u32 s15;
	s15 =	smov.u32 s6;
	[tilespmem:s6+$0x0] =	vst v7;
	v5 =	vmul.f32 $8.000000000e+00, v5;
	v1 =	vld [tilespmem:s9+$0xFFFFFFB0]  }
0x36b: {  	_ = 	snop  }
0x36c: {  	v3 =	vmul.f32 $8.000000000e+00, v3;
	_ =	sdelay $0x1  }
0x36d: {  	v7 =	vld [tilespmem:s14+$0x10];
	[tilespmem:s6+$0xFFFFFF80] =	vst v3  }
0x36e: {  	v3 =	vld [tilespmem:s14+$0xFFFFFF90];
	_ =	sdelay $0x2  }
0x36f: {  	v4 =	vmul.f32 $8.000000000e+00, v4  }
0x370: {  	[tilespmem:s13+$0x10] =	vst v6;
	v6 =	vmul.f32 $8.000000000e+00, v7  }
0x371: {  	[tilespmem:s13+$0xFFFFFF90] =	vst v4;
	v7 =	vld [tilespmem:s12+$0x20];
	v3 =	vmul.f32 $8.000000000e+00, v3  }
0x372: {  	v4 =	vld [tilespmem:s12+$0xFFFFFFA0];
	[tilespmem:s15+$0x10] =	vst v6  }
0x373: {  	v6 =	vld [tilespmem:s14+$0x20];
	[tilespmem:s15+$0xFFFFFF90] =	vst v3  }
0x374: {  	v3 =	vld [tilespmem:s14+$0xFFFFFFA0]  }
0x375: {  	v2 =	vmul.f32 $8.000000000e+00, v2  }
0x376: {  	[tilespmem:s8+$0x20] =	vst v5;
	v5 =	vmul.f32 $8.000000000e+00, v7  }
0x377: {  	[tilespmem:s8+$0xFFFFFFA0] =	vst v2;
	v2 =	vld [tilespmem:s11+$0x30];
	v4 =	vmul.f32 $8.000000000e+00, v4  }
0x378: {  	[tilespmem:s13+$0x20] =	vst v5;
	v5 =	vld [tilespmem:s11+$0xFFFFFFB0];
	v6 =	vmul.f32 $8.000000000e+00, v6  }
0x379: {  	[tilespmem:s13+$0xFFFFFFA0] =	vst v4;
	v4 =	vld [tilespmem:s12+$0x30];
	v3 =	vmul.f32 $8.000000000e+00, v3  }
0x37a: {  	v0 =	vmul.f32 $8.000000000e+00, v0;
	[tilespmem:s15+$0x20] =	vst v6;
	v6 =	vld [tilespmem:s12+$0xFFFFFFB0]  }
0x37b: {  	v1 =	vmul.f32 $8.000000000e+00, v1;
	[tilespmem:s15+$0xFFFFFFA0] =	vst v3;
	v3 =	vld [tilespmem:s14+$0x30]  }
0x37c: {  	[tilespmem:s7+$0x30] =	vst v0;
	v0 =	vmul.f32 $8.000000000e+00, v2;
	v2 =	vld [tilespmem:s14+$0xFFFFFFB0]  }
0x37d: {  	[tilespmem:s7+$0xFFFFFFB0] =	vst v1;
	v1 =	vmul.f32 $8.000000000e+00, v5  }
0x37e: {  	[tilespmem:s8+$0x30] =	vst v0;
	v0 =	vmul.f32 $8.000000000e+00, v4  }
0x37f: {  	[tilespmem:s8+$0xFFFFFFB0] =	vst v1;
	v1 =	vmul.f32 $8.000000000e+00, v6  }
0x380: {  	[tilespmem:s13+$0x30] =	vst v0;
	v0 =	vmul.f32 $8.000000000e+00, v3  }
0x381: {  	[tilespmem:s13+$0xFFFFFFB0] =	vst v1;
	v1 =	vmul.f32 $8.000000000e+00, v2  }
0x382: {  	[tilespmem:s15+$0x30] =	vst v0  }
0x383: {  	[tilespmem:s15+$0xFFFFFFB0] =	vst v1  }
0x384: {  	s6 =	rddreg [dreg:$0xb]  }
0x385: {  	[hbm4b:s6+s2] =	stream.linear.scatter [tilespmem:s24], [sflag:$0x4], $0x4000, $0x38;
	[tilespmem:$0x1A400] =	vst v63  }
0x386: {  	_ =	swait.ge [sflag:s28], $0x4000  }
0x387: {  	[sflag:s28] =	ssyncset.done $0x0  }
0x388: {  	[sflag:s28] =	ssyncadd.s32 $0xFFFFC000  }
0x389: {  	_ =	swait.ge [sflag:s1], $0x4000  }
0x38a: {  	[sflag:s1] =	ssyncset.done $0x0  }
0x38b: {  	s9 =	simm.s32 $0xA480;
	[sflag:s1] =	ssyncadd.s32 $0xFFFFC000  }
0x38c: {  	v0 =	vld [tilespmem:s9+$0x0];
	_ =	sdelay $0x3  }
0x38d: {  	v1 =	vld [tilespmem:s9+$0xFFFFFF80]  }
0x38e: {  	v0 =	vmul.f32 $8.000000000e+00, v0  }
0x38f: {  	s7 =	simm.s32 $0x16480;
	s11 =	simm.s32 $0xA580  }
0x390: {  	[tilespmem:s7+$0x0] =	vst v0;
	v0 =	vld [tilespmem:s11+$0x0]  }
0x391: {  	v2 =	vld [tilespmem:s9+$0x10]  }
0x392: {  	v1 =	vmul.f32 $8.000000000e+00, v1;
	_ =	sdelay $0x1  }
0x393: {  	[tilespmem:s7+$0xFFFFFF80] =	vst v1;
	v1 =	vld [tilespmem:s11+$0xFFFFFF80]  }
0x394: {  	v3 =	vld [tilespmem:s9+$0xFFFFFF90];
	v0 =	vmul.f32 $8.000000000e+00, v0  }
0x395: {  	s12 =	simm.s32 $0xA680;
	s8 =	simm.s32 $0x16580;
	v2 =	vmul.f32 $8.000000000e+00, v2  }
0x396: {  	[tilespmem:s8+$0x0] =	vst v0;
	v0 =	vld [tilespmem:s12+$0x0]  }
0x397: {  	[tilespmem:s7+$0x10] =	vst v2;
	v2 =	vld [tilespmem:s11+$0x10]  }
0x398: {  	v1 =	vmul.f32 $8.000000000e+00, v1;
	v4 =	vld [tilespmem:s9+$0x20]  }
0x399: {  	v3 =	vmul.f32 $8.000000000e+00, v3  }
0x39a: {  	[tilespmem:s8+$0xFFFFFF80] =	vst v1;
	v1 =	vld [tilespmem:s12+$0xFFFFFF80]  }
0x39b: {  	[tilespmem:s7+$0xFFFFFF90] =	vst v3;
	v3 =	vld [tilespmem:s11+$0xFFFFFF90];
	v0 =	vmul.f32 $8.000000000e+00, v0  }
0x39c: {  	s14 =	simm.s32 $0xA780;
	s13 =	simm.s32 $0x16680;
	v5 =	vld [tilespmem:s9+$0xFFFFFFA0];
	v2 =	vmul.f32 $8.000000000e+00, v2  }
0x39d: {  	[tilespmem:s13+$0x0] =	vst v0;
	v0 =	vmul.f32 $8.000000000e+00, v4;
	v4 =	vld [tilespmem:s14+$0x0]  }
0x39e: {  	[tilespmem:s8+$0x10] =	vst v2;
	v6 =	vld [tilespmem:s12+$0x10]  }
0x39f: {  	v1 =	vmul.f32 $8.000000000e+00, v1;
	[tilespmem:s7+$0x20] =	vst v0;
	v7 =	vld [tilespmem:s11+$0x20]  }
0x3a0: {  	v2 =	vmul.f32 $8.000000000e+00, v3;
	v0 =	vld [tilespmem:s9+$0x30]  }
0x3a1: {  	[tilespmem:s13+$0xFFFFFF80] =	vst v1;
	v1 =	vmul.f32 $8.000000000e+00, v5;
	v3 =	vld [tilespmem:s14+$0xFFFFFF80]  }
0x3a2: {  	[tilespmem:s8+$0xFFFFFF90] =	vst v2;
	v5 =	vmul.f32 $8.000000000e+00, v4;
	v4 =	vld [tilespmem:s12+$0xFFFFFF90]  }
0x3a3: {  	s6 =	simm.s32 $0x16780;
	[tilespmem:s7+$0xFFFFFFA0] =	vst v1;
	v2 =	vld [tilespmem:s11+$0xFFFFFFA0];
	v6 =	vmul.f32 $8.000000000e+00, v6  }
0x3a4: {  	s16 =	simm.s32 $0x6;
	s17 =	simm.s32 $0xA880;
	s15 =	simm.s32 $0x16780;
	v1 =	vld [tilespmem:s9+$0xFFFFFFB0];
	[tilespmem:s6+$0x0] =	vst v5;
	v5 =	vmul.f32 $8.000000000e+00, v7  }
.LBB2_30:
0x3a5: {  	v7 =	vld [tilespmem:s17+$0x0];
	[tilespmem:s13+$0x10] =	vst v6;
	v0 =	vmul.f32 $8.000000000e+00, v0;
	s9 =	smov.u32 s11;
	s11 =	smov.u32 s12;
	s12 =	smov.u32 s14  }
0x3a6: {  	s14 =	smov.u32 s17;
	s16 =	sadd.s32 $0x2, s16;
	v3 =	vmul.f32 $8.000000000e+00, v3;
	v6 =	vld [tilespmem:s12+$0x10];
	[tilespmem:s8+$0x20] =	vst v5  }
0x3a7: {  	p0 =	slt.u32 s16, $0x7E;
	v4 =	vmul.f32 $8.000000000e+00, v4;
	v5 =	vld [tilespmem:s11+$0x20];
	[tilespmem:s7+$0x30] =	vst v0  }
.Ltmp14:
0x3a8: {  	[tilespmem:s6+$0xFFFFFF80] =	vst v3;
	v2 =	vmul.f32 $8.000000000e+00, v2;
	v0 =	vld [tilespmem:s9+$0x30];
	(pc) =	sbr.rel @p0 .LBB2_30-.Ltmp14, $4  }
0x3a9: {  	v3 =	vld [tilespmem:s17+$0xFFFFFF80];
	[tilespmem:s13+$0xFFFFFF90] =	vst v4;
	v1 =	vmul.f32 $8.000000000e+00, v1  }
0x3aa: {  	v7 =	vmul.f32 $8.000000000e+00, v7;
	v4 =	vld [tilespmem:s12+$0xFFFFFF90];
	[tilespmem:s8+$0xFFFFFFA0] =	vst v2  }
0x3ab: {  	s6 =	sadd.s32 $0x100, s6;
	v6 =	vmul.f32 $8.000000000e+00, v6;
	v2 =	vld [tilespmem:s11+$0xFFFFFFA0];
	[tilespmem:s7+$0xFFFFFFB0] =	vst v1;
	s7 =	smov.u32 s8;
	s8 =	smov.u32 s13  }
0x3ac: {  	s17 =	sadd.s32 $0x100, s17;
	s13 =	smov.u32 s15;
	s15 =	smov.u32 s6;
	[tilespmem:s6+$0x0] =	vst v7;
	v5 =	vmul.f32 $8.000000000e+00, v5;
	v1 =	vld [tilespmem:s9+$0xFFFFFFB0]  }
0x3ad: {  	_ = 	snop  }
0x3ae: {  	v3 =	vmul.f32 $8.000000000e+00, v3;
	_ =	sdelay $0x1  }
0x3af: {  	v7 =	vld [tilespmem:s14+$0x10];
	[tilespmem:s6+$0xFFFFFF80] =	vst v3  }
0x3b0: {  	v3 =	vld [tilespmem:s14+$0xFFFFFF90];
	_ =	sdelay $0x2  }
0x3b1: {  	v4 =	vmul.f32 $8.000000000e+00, v4  }
0x3b2: {  	[tilespmem:s13+$0x10] =	vst v6;
	v49 =	vmul.f32 $8.000000000e+00, v7  }
0x3b3: {  	v50 =	vld [tilespmem:s12+$0x20];
	[tilespmem:s13+$0xFFFFFF90] =	vst v4;
	v3 =	vmul.f32 $8.000000000e+00, v3  }
0x3b4: {  	v4 =	vld [tilespmem:s12+$0xFFFFFFA0];
	[tilespmem:s15+$0x10] =	vst v49  }
0x3b5: {  	v6 =	vld [tilespmem:s14+$0x20];
	[tilespmem:s15+$0xFFFFFF90] =	vst v3  }
0x3b6: {  	v3 =	vld [tilespmem:s14+$0xFFFFFFA0]  }
0x3b7: {  	v2 =	vmul.f32 $8.000000000e+00, v2  }
0x3b8: {  	[tilespmem:s8+$0x20] =	vst v5;
	v51 =	vmul.f32 $8.000000000e+00, v50  }
0x3b9: {  	v52 =	vld [tilespmem:s11+$0x30];
	[tilespmem:s8+$0xFFFFFFA0] =	vst v2;
	v4 =	vmul.f32 $8.000000000e+00, v4  }
0x3ba: {  	v53 =	vld [tilespmem:s11+$0xFFFFFFB0];
	[tilespmem:s13+$0x20] =	vst v51;
	v6 =	vmul.f32 $8.000000000e+00, v6  }
0x3bb: {  	v54 =	vld [tilespmem:s12+$0x30];
	[tilespmem:s13+$0xFFFFFFA0] =	vst v4;
	v3 =	vmul.f32 $8.000000000e+00, v3  }
0x3bc: {  	v0 =	vmul.f32 $8.000000000e+00, v0;
	v55 =	vld [tilespmem:s12+$0xFFFFFFB0];
	[tilespmem:s15+$0x20] =	vst v6  }
0x3bd: {  	v1 =	vmul.f32 $8.000000000e+00, v1;
	v56 =	vld [tilespmem:s14+$0x30];
	[tilespmem:s15+$0xFFFFFFA0] =	vst v3  }
0x3be: {  	[tilespmem:s7+$0x30] =	vst v0;
	v57 =	vmul.f32 $8.000000000e+00, v52;
	v58 =	vld [tilespmem:s14+$0xFFFFFFB0]  }
0x3bf: {  	[tilespmem:s7+$0xFFFFFFB0] =	vst v1;
	v59 =	vmul.f32 $8.000000000e+00, v53  }
0x3c0: {  	[tilespmem:s8+$0x30] =	vst v57;
	v60 =	vmul.f32 $8.000000000e+00, v54  }
0x3c1: {  	[tilespmem:s8+$0xFFFFFFB0] =	vst v59;
	v61 =	vmul.f32 $8.000000000e+00, v55  }
0x3c2: {  	[tilespmem:s13+$0x30] =	vst v60;
	v62 =	vmul.f32 $8.000000000e+00, v56  }
0x3c3: {  	[tilespmem:s13+$0xFFFFFFB0] =	vst v61;
	v63 =	vmul.f32 $8.000000000e+00, v58  }
0x3c4: {  	[tilespmem:s15+$0x30] =	vst v62  }
0x3c5: {  	[tilespmem:s15+$0xFFFFFFB0] =	vst v63  }
0x3c6: {  	s6 =	rddreg [dreg:$0xc]  }
0x3c7: {  	[hbm4b:s6+s2] =	stream.linear.scatter [tilespmem:s29], [sflag:$0x5], $0x4000, $0x38;
	[tilespmem:$0x1A400] =	vst v63  }
0x3c8: {  	_ =	swait.ge [sflag:s0], $0x4000  }
0x3c9: {  	[sflag:s0] =	ssyncset.done $0x0  }
0x3ca: {  	[sflag:s0] =	ssyncadd.s32 $0xFFFFC000  }
0x3cb: {  	_ =	swait.ge [sflag:s1], $0x4000  }
0x3cc: {  	s25 =	rddreg [dreg:$0xe]  }
0x3cd: {  	s30 =	rddreg [dreg:$0xd];
	s7 =	sadd.s32 $0x1, s25  }
0x3ce: {  	p0 =	sne.s32 s7, s30  }
.Ltmp15:
0x3cf: {  	_ = 	snop;
	(pc) =	sbr.rel @p0 .LBB2_1-.Ltmp15, $3  }
0x3d0: {  	_ =	sdelay $0x1  }
0x3d1: {  	[sflag:s1] =	ssyncset.done $0x0  }
0x3d2: {  	[sflag:s1] =	ssyncadd.s32 $0xFFFFC000  }
0x3d3: {  	_ =	sfence.sel $0x180000  }
0x3d4: {  	[bflag:$0x0] =	sbarrier.arrive $0xFFFF  }
0x3d5: {  	_ =	strace $0x90000047  }
0x3d6: {  	s0 =	stileid.u32;
	[bflag:$0x2] =	sbarrier.arrive $0xFFFF  }
0x3d7: {  	p0 =	sne.s32 s0, $0x0;
	s0 =	rddreg [dreg:$0x2]  }
0x3d8: {  	s0 =	sadd.s32 @!p0 $0x100000, s0  }
0x3d9: {  	[sflag:s0] =	ssyncadd.tile.s32 @!p0 $0x1;
	_ =	shalt  }
.Lfunc_end2:
_tile_overlayer_lowered:
.L_overlay_start_2:
0x3da: {  	(tag) =	ssettag $0x2  }
0x3db: {  	s0 =	rddreg [dreg:$0x0];
	s2 =	stileid.u32  }
0x3dc: {  	s1 =	rddreg [dreg:$0x1];
	p0 =	sne.s32 s2, $0x0  }
0x3dd: {  	s3 =	rddreg [dreg:$0x2];
	[bflag:$0x3] =	sbarrier.arrive $0xFFFF;
	s2 =	simm.s32 @!p0 $0x1C06  }
0x3de: {  	[timem:s3], [sflag:s2] =	dma.local @!p0 [hbm:s0], s1  }
0x3df: {  	s0 =	simm.s32 @!p0 $0x6  }
0x3e0: {  	_ =	swait.ge @!p0 [sflag:s0], s1  }
0x3e1: {  	s1 =	ssub.s32 @!p0 $0x0, s1;
	[sflag:s0] =	ssyncset.done @!p0 $0x0  }
0x3e2: {  	[sflag:s0] =	ssyncadd.s32 @!p0 s1  }
0x3e3: {  	[bflag:$0x3] =	sbarrier.arrive $0xFFFF  }
0x3e4: {  	_ =	shalt  }

// kernel: sparse-core-data-format-call.cloned.1.call-start
scs
called_computation_lowered:
.L_overlay_start_0:
0x0: {  	s2 =	sld [smem:$0x3FD9]  }
0x1: {  	s3 =	sld [smem:$0x3FFE];
	_ =	sdelay $0x1  }
0x2: {  	s1 =	srdreg.scid  }
0x3: {  	s0 =	sand.u32 $0x1, s1  }
0x4: {  	s18 =	sshll.u32 s0, $0xA;
	s2 =	sadd.s32 s3, s2  }
0x5: {  	s2 =	sadd.s32 s2, s18  }
0x6: {  	[smem:$0x3FC6] =	sst s2  }
0x7: {  	_ = 	snop  }
0x8: {  	s2 =	sld [smem:$0x3FD0];
	(tm) =	ssettm $0x1  }
0x9: {  	s19 =	sld [smem:$0x3FFB];
	_ =	sdelay $0x3  }
0xa: {  	_ =	strace s19  }
0xb: {  	s3 =	sld [smem:$0x3FFC];
	_ =	sdelay $0x3  }
0xc: {  	_ =	strace s3  }
0xd: {  	s3 =	sld [smem:$0x3FFD];
	_ =	sdelay $0x3  }
0xe: {  	_ =	strace s3  }
0xf: {  	_ =	strace $0x8FFFFFFF  }
0x10: {  	s20 =	sld [smem:$0x3FDB];
	_ =	sdelay $0x1  }
0x11: {  	s4 =	simm.s32 $_scs_section_size  }
0x12: {  	s5 =	simm.s32 $_size__tile_overlayer_lowered;
	s6 =	simm.s32 $_tile_overlayer_lowered  }
0x13: {  	s23 =	simm.s32 $0x1BFF;
	s22 =	sshll.u32 s6, $0x1;
	s3 =	sadd.s32 s4, s20  }
0x14: {  	s7 =	simm.s32 $0x0;
	s21 =	sshll.u32 s5, $0x1;
	s5 =	sadd.s32 s22, s3  }
0x15: {  	[timem:s7], [sflag:s23] =	dma.local [hbm:s5], s21  }
0x16: {  	_ =	swait.ge [sflag:s23], s21  }
0x17: {  	s4 =	ssub.s32 $0x0, s21;
	[sflag:s23] =	ssyncset.done $0x0  }
0x18: {  	[sflag:s23] =	ssyncadd.s32 s4;
	_ =	sdelay $0x1  }
0x19: {  	s24 =	simm.s32 $0x1B8B  }
0x1a: {  	_ =	swait.ge [sflag:s24], $0x1  }
0x1b: {  	[sflag:s24] =	ssyncset.done $0x0  }
0x1c: {  	s26 =	simm.s32 $0x1B8E;
	s25 =	sld [smem:$0x3FFE];
	[sflag:s24] =	ssyncadd.s32 $0xFFFFFFFF  }
0x1d: {  	s27 =	simm.s32 $execute0_lowered;
	[smem:$0x3FD2] =	sst s26  }
0x1e: {  	s5 =	sshll.u32 s27, $0x1;
	_ =	strace $0x80000049;
	[dreg:$0x1] =	wrdreg $0xFFFFFFFF  }
0x1f: {  	s28 =	simm.s32 $_size_execute0_lowered;
	s3 =	sadd.s32 s3, s5;
	[dreg:$0x0] =	wrdreg $0x0  }
0x20: {  	s5 =	sshll.u32 s28, $0x1;
	[dreg:$0x2] =	wrdreg s3  }
0x21: {  	[dreg:$0x3] =	wrdreg s5  }
0x22: {  	[dreg:$0x4] =	wrdreg $0xC0  }
0x23: {  	_ =	task [dreg:s7], $0x5FFFF  }
0x24: {  	[dreg:$0x1] =	wrdreg $0xFFFFFFFF  }
0x25: {  	[dreg:$0x0] =	wrdreg $0x60  }
0x26: {  	[dreg:$0x2] =	wrdreg s25  }
0x27: {  	[dreg:$0x3] =	wrdreg s2  }
0x28: {  	[dreg:$0x4] =	wrdreg $0x9  }
0x29: {  	_ =	task.clear_ibuf [dreg:s7], $0x5FFFF;
	_ =	strace $0x90000049  }
0x2a: {  	s29 =	simm.s32 $0x9;
	_ =	strace $0x8000004B  }
0x2b: {  	_ =	swait.ge [sflag:s29], $0x1  }
0x2c: {  	[sflag:s29] =	ssyncadd.s32 $0xFFFFFFFF  }
0x2d: {  	_ =	strace $0x9000004B  }
0x2e: {  	_ =	sfence  }
0x2f: {  	s30 =	sld [smem:$0x0];
	_ =	sdelay $0x2  }
0x30: {  	s31 =	sshll.u32 s1, $0xD;
	s1 =	sshrl.u32 s1, $0x2  }
0x31: {  	s3 =	sand.u32 $0x4000, s31;
	s1 =	sadd.s32 s1, s30  }
0x32: {  	s0 =	sor.u32 s3, s0;
	s1 =	sshll.u32 s1, $0x11  }
0x33: {  	s0 =	sor.u32 s1, s0  }
0x34: {  	s0 =	sadd.s32 $0x8F2B, s0  }
0x35: {  	[sflag:s0] =	ssyncadd.remote.s32 $0x1  }
0x36: {  	_ =	sfence.sel $0xFFFF  }
0x37: {  	[dreg:$0x0] =	wrdreg $0xFFFFFFFF;
	(pc) =	sbr.abs _section_cstart, $3  }
0x38: {  	[dreg:$0x1] =	wrdreg $0xFFFFFFFF  }
0x39: {  	_ =	task.clear_ibuf [dreg:s7], $0x2FFFF;
	_ =	strace $0x9FFFFFFF  }
0x3a: {  	(tm) =	ssettm $0x7FFFFFFF  }
0x3b: {  	_ =	shalt  }
tec
execute0_lowered:
.L_overlay_start_1:
0x0: {  	(tag) =	ssettag $0x1  }
0x1: {  	s0 =	srdreg.scid  }
0x2: {  	s1 =	sshll.u32 s0, $0x4  }
0x3: {  	s0 =	stileid.u32;
	s1 =	sand.u32 $0x10, s1  }
0x4: {  	s1 =	sor.u32 s0, s1  }
0x5: {  	s6 =	rddreg [dreg:$0x0];
	s4 =	simm.s32 $0x1;
	s2 =	sshll.u32 s1, $0x7  }
0x6: {  	s7 =	simm.s32 $0x2;
	s12 =	simm.s32 $0x0;
	s1 =	ssub.s32 $0x1000, s2  }
0x7: {  	s8 =	simm.s32 $0x8000;
	s13 =	simm.s32 $0x0;
	s3 =	sand.u32 $0xF80, s1  }
0x8: {  	s9 =	simm.s32 $0x0;
	s5 =	sshrl.u32 s1, $0xC;
	p0 =	sne.s32 s3, $0x0  }
.Ltmp0:
0x9: {  	s1 =	rddreg [dreg:$0x2];
	s4 =	simm.s32 @!p0 $0x0;
	(pc) =	sbr.rel .LBB1_1-.Ltmp0, $4  }
0xa: {  	s11 =	simm.s32 $0x0;
	s3 =	rddreg [dreg:$0x1];
	s5 =	sadd.s32 s4, s5  }
0xb: {  	_ =	strace $0x8000004A;
	s4 =	simm.s32 $0x1;
	s5 =	smul.u32 $0xC8, s5  }
0xc: {  	s6 =	sadd.s32 $0xA00, s6;
	s10 =	smov.u32 s2;
	[sflag:s4] =	ssyncpa.u1 $0x0  }
0xd: {  	p0 =	por $0x0, $0x0;
	[sflag:s7] =	ssyncpa.u1 $0x0;
	s7 =	sor.u32 $0x1, s5  }
.LBB1_4:
0xe: {  	s16 =	sshll.u32 s13, $0x3;
	s17 =	sand.u32 $0x78, s13  }
0xf: {  	s30 =	sand.u32 $0x7E00, s13;
	s12 =	sshll.u32 s12, $0xF;
	s16 =	sand.u32 $0xC00, s16  }
0x10: {  	[tilespmem:s15+$0x810 ss:$0x81] =	vst.msk $0xffff, v2;
	s31 =	sand.u32 $0x7, s13;
	s16 =	sor.u32 s17, s16;
	s17 =	sadd.s32 s3, s30  }
0x11: {  	[tilespmem:s15+$0x1020 ss:$0x81] =	vst.msk $0xffff, v0;
	s13 =	sshll.u32 s31, $0x12;
	s12 =	sadd.s32 s12, s17;
	s16 =	sshrl.u32 s16, $0x3  }
0x12: {  	[tilespmem:s15+$0x0 ss:$0x81] =	vst.msk $0xffff, v1;
	s13 =	sor.u32 $0x400, s13;
	s12 =	sadd.s32 s16, s12  }
0x13: {  	[hbm4b:s12+s13] =	stream.strided.scatter [tilespmem:s14], [sflag:$0x2], $0x2000, s8, s13, $0x20;
	[tilespmem:$0x8080] =	vst v63  }
.LBB1_5:
0x14: {  	s14 =	sadd.s32 $0x1, s9  }
0x15: {  	s12 =	sadd.s32 $0x1000, s10;
	s16 =	smov.u32 s10;
	p2 =	sgt.s32 s14, $0xC7  }
0x16: {  	s16 =	smov.u32 @p2 s12  }
0x17: {  	s14 =	simm.s32 @p2 $0x0;
	p2 =	sgt.s32 s16, $0xFFF  }
0x18: {  	s16 =	smov.u32 @p2 s2;
	p2 =	sne.s32 s11, s7  }
.Ltmp1:
0x19: {  	p1 =	slt.u32 s11, $0x2;
	(pc) =	sbr.rel @!p2 .LBB1_6-.Ltmp1, $4  }
0x1a: {  	s15 =	simm.s32 @!p1 $0x2  }
0x1b: {  	s13 =	smov.u32 s10;
	p0 =	por !p0, !p0;
	_ =	swait.ge @!p1 [sflag:s15], $0x2000  }
0x1c: {  	s12 =	smov.u32 s9;
	[sflag:s15] =	ssyncset.done @!p1 $0x0;
	s9 =	smov.u32 s14  }
0x1d: {  	s11 =	sadd.s32 $0x1, s11;
	[sflag:s15] =	ssyncadd.s32 @!p1 $0xFFFFE000;
	s10 =	smov.u32 s16  }
.LBB1_1:
0x1e: {  	p1 =	sge.u32 s11, s5  }
0x1f: {  	s14 =	sand.u32 @!p1 $0x1FFFFFF, s9  }
0x20: {  	s15 =	smulhi.u32 @!p1 $0x147AE15, s14;
	_ =	sdelay $0x1  }
0x21: {  	s15 =	smul.u32 @!p1 $0xC8, s15  }
0x22: {  	s16 =	sxor.u32 @!p1 $0xFFFFFFFF, s11;
	s17 =	smul.u32 @!p1 $0xC80, s10  }
0x23: {  	s31 =	sadd.s32 $0xFFFFFFFF, s11;
	s16 =	sshll.u32 @!p1 s16, $0xD;
	s14 =	ssub.s32 @!p1 s14, s15  }
0x24: {  	s15 =	sand.u32 @!p1 $0x2000, s16;
	s16 =	sadd.s32 @!p1 s6, s17;
	s14 =	sshll.u32 @!p1 s14, $0x4  }
0x25: {  	s17 =	simm.s32 @!p1 $0x6400;
	s14 =	sadd.s32 @!p1 s14, s16;
	s16 =	simm.s32 @!p1 $0x40  }
0x26: {  	[tilespmem:s15], [sflag:$0x1] =	stream.strided.gather @!p1 [hbm4b:s14+s16], $0x2000, s17, s16, $0x38;
	[tilespmem:$0x8080] =	vst v63  }
0x27: {  	p1 =	sge.u32 s31, s5  }
.Ltmp2:
0x28: {  	_ = 	snop;
	(pc) =	sbr.rel @p1 .LBB1_5-.Ltmp2, $1  }
0x29: {  	_ =	sdelay $0x3  }
0x2a: {  	s14 =	simm.s32 $0x1  }
0x2b: {  	_ =	swait.ge [sflag:s4], $0x2000;
	s14 =	simm.s32 @!p0 $0x0  }
0x2c: {  	[sflag:s4] =	ssyncset.done $0x0;
	s15 =	sshll.u32 s14, $0xD  }
0x2d: {  	[sflag:s4] =	ssyncadd.s32 $0xFFFFE000;
	s18 =	sor.u32 $0x20, s15  }
0x2e: {  	s14 =	smul.u32 $0x8100, s14;
	v3 =	vld [tilespmem:s18+$0x10]  }
0x2f: {  	s30 =	sand.u32 $0x1, s11;
	v2 =	vld [tilespmem:s18+$0xFFFFFFF0]  }
0x30: {  	s15 =	smul.u32 $0x8100, s30;
	s14 =	sshrl.u32 s14, $0x2;
	v0 =	vld [tilespmem:s18+$0x0]  }
0x31: {  	v1 =	vld [tilespmem:s18+$0xFFFFFFE0];
	s16 =	sor.u32 $0x4000, s14  }
0x32: {  	s31 =	sshrl.u32 s15, $0x2;
	s15 =	sadd.s32 $0x0, s16  }
0x33: {  	s17 =	simm.s32 $0x4;
	s18 =	sadd.s32 $0x40, s18;
	s14 =	sor.u32 $0x4000, s31;
	[tilespmem:s15+$0x1830 ss:$0x81] =	vst.msk $0xffff, v3  }
.LBB1_3:
0x34: {  	v3 =	vld [tilespmem:s18+$0x10];
	p1 =	sne.s32 s17, $0x1FC;
	[tilespmem:s15+$0x810 ss:$0x81] =	vst.msk $0xffff, v2;
	s19 =	smov.u32 s17;
	s17 =	sadd.s32 $0x4, s17  }
.Ltmp3:
0x35: {  	v2 =	vld [tilespmem:s18+$0xFFFFFFF0];
	[tilespmem:s15+$0x1020 ss:$0x81] =	vst.msk $0xffff, v0;
	(pc) =	sbr.rel @p1 .LBB1_3-.Ltmp3, $4  }
0x36: {  	v0 =	vld [tilespmem:s18+$0x0];
	[tilespmem:s15+$0x0 ss:$0x81] =	vst.msk $0xffff, v1  }
0x37: {  	s15 =	sshra.s32 s19, $0x2;
	v1 =	vld [tilespmem:s18+$0xFFFFFFE0]  }
0x38: {  	s15 =	sadd.s32 s15, s16  }
0x39: {  	s18 =	sadd.s32 $0x40, s18;
	[tilespmem:s15+$0x1830 ss:$0x81] =	vst.msk $0xffff, v3  }
.Ltmp4:
0x3a: {  	_ = 	snop;
	(pc) =	sbr.rel .LBB1_4-.Ltmp4, $1  }
0x3b: {  	_ =	sdelay $0x3  }
.LBB1_6:
0x3c: {  	_ =	sfence.sel $0x180000  }
0x3d: {  	s2 =	simm.s32 $0x1;
	[bflag:$0x0] =	sbarrier.arrive $0xFFFF  }
0x3e: {  	s31 =	simm.s32 $0x2;
	[sflag:s2] =	ssyncpa.u1 $0x1  }
0x3f: {  	[sflag:s31] =	ssyncpa.u1 $0x1  }
0x40: {  	p0 =	sne.s32 s0, $0x0;
	_ =	strace $0x9000004A  }
0x41: {  	s0 =	sadd.s32 @!p0 $0x100000, s1;
	[bflag:$0x2] =	sbarrier.arrive $0xFFFF  }
0x42: {  	[sflag:s0] =	ssyncadd.tile.s32 @!p0 $0x1;
	_ =	shalt  }
.Lfunc_end1:
_tile_overlayer_lowered:
.L_overlay_start_2:
0x43: {  	(tag) =	ssettag $0x2  }
0x44: {  	s0 =	rddreg [dreg:$0x0];
	s2 =	stileid.u32  }
0x45: {  	s1 =	rddreg [dreg:$0x1];
	p0 =	sne.s32 s2, $0x0  }
0x46: {  	s3 =	rddreg [dreg:$0x2];
	[bflag:$0x3] =	sbarrier.arrive $0xFFFF;
	s2 =	simm.s32 @!p0 $0x1C01  }
0x47: {  	[timem:s3], [sflag:s2] =	dma.local @!p0 [hbm:s0], s1  }
0x48: {  	s0 =	simm.s32 @!p0 $0x1  }
0x49: {  	_ =	swait.ge @!p0 [sflag:s0], s1  }
0x4a: {  	s1 =	ssub.s32 @!p0 $0x0, s1;
	[sflag:s0] =	ssyncset.done @!p0 $0x0  }
0x4b: {  	[sflag:s0] =	ssyncadd.s32 @!p0 s1  }
0x4c: {  	[bflag:$0x3] =	sbarrier.arrive $0xFFFF  }
0x4d: {  	_ =	shalt  }

</sc_bundles>
